<compile_context>
chip_gen: v7x
topology: tpu7x:2x2x1
jax: 0.10.2.dev20260603
libtpu: 0.0.44.dev20260713+nightly
codegen_flags: <defaults>
</compile_context>

<pallas_src>
import functools

import jax
import jax.numpy as jnp
from jax import lax
from jax.experimental import pallas as pl
from jax.experimental.pallas import tpu as pltpu
from jax.experimental.pallas import tpu_sc as plsc

D = 64
FH, FL = 8, 8
BL = 128
TW = BL + 1
NC, NS = 2, 16
NW = NC * NS
NGB = 4
NTB = 2


@functools.cache
def _build(NB, NT):
    NBB = NB // BL
    BBW = NBB // NW
    UNITS = NT * BBW
    assert NB % (BL * NW) == 0 and UNITS % NGB == 0

    mesh = plsc.VectorSubcoreMesh(core_axis_name="c", subcore_axis_name="s")

    @functools.partial(
        pl.kernel,
        out_type=jax.ShapeDtypeStruct((NT, FH, NBB, FL, BL), jnp.float32),
        mesh=mesh,
        scratch_types=[
            pltpu.VMEM((NT, BBW * BL), jnp.int32),
            [pltpu.VMEM((BL, D), jnp.float32)] * NGB,
            [pltpu.VMEM((FH, FL, TW), jnp.float32)] * NTB,
            [pltpu.SemaphoreType.DMA] * NGB,
            [pltpu.SemaphoreType.DMA] * NTB,
        ],
        compiler_params=pltpu.CompilerParams(
            use_tc_tiling_on_sc=False, needs_layout_passes=False),
    )
    def emb(xT_hbm, table_hbm, out_hbm, idx_v, gbuf, tbuf, gsem, wsem):
        wid = lax.axis_index("s") * NC + lax.axis_index("c")
        col0 = wid * (BBW * BL)
        pltpu.sync_copy(xT_hbm.at[:, pl.ds(col0, BBW * BL)], idx_v)

        def coords(u):
            return u // BBW, u % BBW

        def gather_desc(u, g):
            t, j = coords(u)
            return pltpu.make_async_copy(
                table_hbm.at[idx_v.at[t, pl.ds(j * BL, BL)]],
                gbuf[g], gsem[g])

        iota16 = lax.iota(jnp.int32, 16)
        rows_hi = [(f0 * 16 + iota16) // FL for f0 in range(D // 16)]
        rows_lo = [(f0 * 16 + iota16) % FL for f0 in range(D // 16)]

        def transpose(g, w):
            src = gbuf[g]
            dst = tbuf[w]

            @pl.loop(0, BL // 16)
            def _jo(j0):
                prev = prev_col = None
                for jj in range(17):
                    cur = cur_col = None
                    if jj < 16:
                        j = j0 * 16 + jj
                        cur_col = jnp.full((16,), j, jnp.int32)
                        cur = [src[j, pl.ds(f0 * 16, 16)]
                               for f0 in range(D // 16)]
                    if prev is not None:
                        for f0 in range(D // 16):
                            plsc.store_scatter(
                                dst, [rows_hi[f0], rows_lo[f0], prev_col],
                                prev[f0])
                    prev, prev_col = cur, cur_col

        def fire_write(u, w):
            t, j = coords(u)
            bb = wid * BBW + j
            pltpu.make_async_copy(
                tbuf[w].at[:, :, pl.ds(0, BL)],
                out_hbm.at[t, :, bb, :, :], wsem[w]).start()

        def drain_write(w):
            pltpu.make_async_copy(
                out_hbm.at[0, :, 0, :, :],
                tbuf[w].at[:, :, pl.ds(0, BL)], wsem[w]).wait()

        for u in range(NGB - 1):
            gather_desc(u, u).start()

        @pl.loop(0, UNITS, step=NGB)
        def _u(u0):
            for b in range(NGB):
                u = u0 + b
                w = b % NTB

                @pl.when(u + (NGB - 1) < UNITS)
                def _():
                    gather_desc(u + (NGB - 1), (b + NGB - 1) % NGB).start()

                gather_desc(u, b).wait()

                @pl.when(u >= NTB)
                def _():
                    drain_write(w)

                transpose(b, w)
                fire_write(u, w)

        drain_write(0)
        drain_write(1)

    return emb


def kernel(x, table):
    NB, NT = x.shape
    xT = x.T.astype(jnp.int32)
    out5 = _build(NB, NT)(xT, table)
    return out5.transpose(2, 4, 0, 1, 3).reshape(NB, NT, D)

# --- scband reference (transcript-rebuilt; emitter-appended) ---
"""Pipeline reference for scband-embedding-table-46746424049893 (READ-ONLY COPY).

The authoritative reference and input builder live on the scoring server;
editing this copy changes nothing except your own understanding.
"""

import jax, jax.numpy as jnp
import numpy as np

VOCAB = 1000000
D_MODEL = 64

def setup_inputs(seed: int = 0) -> dict:
    key = jax.random.key(seed)
    k1, k2 = jax.random.split(key)
    x = jax.random.randint(k1, (16384, 50), 0, VOCAB, dtype=jnp.int64 if jax.config.jax_enable_x64 else jnp.int32)
    table = jax.random.normal(k2, (VOCAB, D_MODEL), dtype=jnp.float32)
    return {"x": x, "table": table}

def reference(x, table):
    # nn.Embedding forward: gather rows of the table by index
    return jnp.take(table, x, axis=0)

if __name__ == "__main__":
    import jax
    _d = setup_inputs()
    print(jax.jit(kernel)(*tuple(_d.values())))

</pallas_src>

<mosaic_0001>
#map = affine_map<(d0, d1) -> (0, 0)>
#map1 = affine_map<(d0, d1) -> (0, 0, 0, 0, 0)>
module attributes {stable_mosaic.version = 14 : i64} {
  func.func @emb(%arg0: i32, %arg1: i32, %arg2: memref<50x16384xi32, #tpu.memory_space<hbm>>, %arg3: memref<1000000x64xf32, #tpu.memory_space<hbm>>, %arg4: memref<50x8x128x8x128xf32, #tpu.memory_space<hbm>>, %arg5: memref<50x512xi32, #tpu.memory_space<vmem>>, %arg6: memref<128x64xf32, #tpu.memory_space<vmem>>, %arg7: memref<128x64xf32, #tpu.memory_space<vmem>>, %arg8: memref<128x64xf32, #tpu.memory_space<vmem>>, %arg9: memref<128x64xf32, #tpu.memory_space<vmem>>, %arg10: memref<8x8x129xf32, #tpu.memory_space<vmem>>, %arg11: memref<8x8x129xf32, #tpu.memory_space<vmem>>, %arg12: memref<!tpu.dma_semaphore, #tpu.memory_space<semaphore_mem>>, %arg13: memref<!tpu.dma_semaphore, #tpu.memory_space<semaphore_mem>>, %arg14: memref<!tpu.dma_semaphore, #tpu.memory_space<semaphore_mem>>, %arg15: memref<!tpu.dma_semaphore, #tpu.memory_space<semaphore_mem>>, %arg16: memref<!tpu.dma_semaphore, #tpu.memory_space<semaphore_mem>>, %arg17: memref<!tpu.dma_semaphore, #tpu.memory_space<semaphore_mem>>) attributes {dimension_semantics = [#tpu.dimension_semantics<core_parallel>, #tpu.dimension_semantics<subcore_parallel>], iteration_bounds = array<i64: 2, 16>, scalar_prefetch = 0 : i64, scratch_operands = 13 : i64, tpu.core_type = #tpu.core_type<sc_vector_subcore>, window_params = [{transform_indices = #map}, {transform_indices = #map}, {transform_indices = #map1}]} {
    %mul3A = arith.constant 2 : i32
    %mul3A_0 = arith.muli %arg1, %mul3A : i32
    %add3A = arith.addi %mul3A_0, %arg0 : i32
    %mul3A_1 = arith.constant 512 : i32
    %mul3A_2 = arith.muli %add3A, %mul3A_1 : i32
    "tpu.region"() ({
      %run_scoped3A = tpu.sem_alloc : memref<!tpu.dma_semaphore, #tpu.memory_space<semaphore_mem>>
      %dma_start3A_292 = arith.constant 0 : i32
      %dma_start3A_293 = tpu.memref_slice %arg2[%dma_start3A_292, %mul3A_2] : memref<50x16384xi32, #tpu.memory_space<hbm>> -> memref<50x512xi32, #tpu.memory_space<hbm>>
      %dma_start3A_294 = arith.constant 0 : i32
      %dma_start3A_295 = tpu.memref_slice %arg2[%dma_start3A_294, %mul3A_2] : memref<50x16384xi32, #tpu.memory_space<hbm>> -> memref<50x512xi32, #tpu.memory_space<hbm>>
      tpu.enqueue_dma source(%dma_start3A_295 : memref<50x512xi32, #tpu.memory_space<hbm>>) target(%arg5 : memref<50x512xi32, #tpu.memory_space<vmem>>) target_semaphore(%run_scoped3A : memref<!tpu.dma_semaphore, #tpu.memory_space<semaphore_mem>>)
      %dma_wait3A_296 = arith.constant 0 : i32
      %dma_wait3A_297 = tpu.memref_slice %arg2[%dma_wait3A_296, %mul3A_2] : memref<50x16384xi32, #tpu.memory_space<hbm>> -> memref<50x512xi32, #tpu.memory_space<hbm>>
      %dma_wait3A_298 = arith.constant 0 : i32
      %dma_wait3A_299 = tpu.memref_slice %arg2[%dma_wait3A_298, %mul3A_2] : memref<50x16384xi32, #tpu.memory_space<hbm>> -> memref<50x512xi32, #tpu.memory_space<hbm>>
      tpu.wait_dma2 semaphore(%run_scoped3A : memref<!tpu.dma_semaphore, #tpu.memory_space<semaphore_mem>>) src(%dma_wait3A_299 : memref<50x512xi32, #tpu.memory_space<hbm>>) dst(%arg5 : memref<50x512xi32, #tpu.memory_space<vmem>>)
      tpu.yield
    }) : () -> ()
    %iota3A = tpu.iota {dimensions = array<i32: 0>} : vector<16xi32>
    %add3A_3 = arith.constant 0 : i32
    %add3A_4 = vector.broadcast %add3A_3 : i32 to vector<16xi32>
    %add3A_5 = arith.addi %add3A_4, %iota3A : vector<16xi32>
    %jit3A = arith.constant 8 : i32
    %div3A = vector.broadcast %jit3A : i32 to vector<16xi32>
    %div3A_6 = arith.divsi %add3A_5, %div3A : vector<16xi32>
    %sign3A = arith.constant 0 : i32
    %sign3A_7 = vector.broadcast %sign3A : i32 to vector<16xi32>
    %sign3A_8 = arith.cmpi sgt, %add3A_5, %sign3A_7 : vector<16xi32>
    %sign3A_9 = arith.extui %sign3A_8 : vector<16xi1> to vector<16xi32>
    %sign3A_10 = arith.constant 0 : i32
    %sign3A_11 = vector.broadcast %sign3A_10 : i32 to vector<16xi32>
    %sign3A_12 = arith.cmpi slt, %add3A_5, %sign3A_11 : vector<16xi32>
    %sign3A_13 = arith.extui %sign3A_12 : vector<16xi1> to vector<16xi32>
    %sign3A_14 = arith.subi %sign3A_9, %sign3A_13 : vector<16xi32>
    %sign3A_15 = arith.constant 0 : i32
    %sign3A_16 = arith.cmpi sgt, %jit3A, %sign3A_15 : i32
    %sign3A_17 = arith.extui %sign3A_16 : i1 to i32
    %sign3A_18 = arith.constant 0 : i32
    %sign3A_19 = arith.cmpi slt, %jit3A, %sign3A_18 : i32
    %sign3A_20 = arith.extui %sign3A_19 : i1 to i32
    %sign3A_21 = arith.subi %sign3A_17, %sign3A_20 : i32
    %ne3A = vector.broadcast %sign3A_21 : i32 to vector<16xi32>
    %ne3A_22 = arith.cmpi ne, %sign3A_14, %ne3A : vector<16xi32>
    %rem3A = vector.broadcast %jit3A : i32 to vector<16xi32>
    %rem3A_23 = arith.remsi %add3A_5, %rem3A : vector<16xi32>
    %ne3A_24 = arith.constant 0 : i32
    %ne3A_25 = vector.broadcast %ne3A_24 : i32 to vector<16xi32>
    %ne3A_26 = arith.cmpi ne, %rem3A_23, %ne3A_25 : vector<16xi32>
    %and3A = arith.andi %ne3A_22, %ne3A_26 : vector<16xi1>
    %sub3A = arith.constant 1 : i32
    %sub3A_27 = vector.broadcast %sub3A : i32 to vector<16xi32>
    %sub3A_28 = arith.subi %div3A_6, %sub3A_27 : vector<16xi32>
    %select_n3A = arith.select %and3A, %sub3A_28, %div3A_6 : vector<16xi1>, vector<16xi32>
    %add3A_29 = arith.constant 16 : i32
    %add3A_30 = vector.broadcast %add3A_29 : i32 to vector<16xi32>
    %add3A_31 = arith.addi %add3A_30, %iota3A : vector<16xi32>
    %jit3A_32 = arith.constant 8 : i32
    %div3A_33 = vector.broadcast %jit3A_32 : i32 to vector<16xi32>
    %div3A_34 = arith.divsi %add3A_31, %div3A_33 : vector<16xi32>
    %sign3A_35 = arith.constant 0 : i32
    %sign3A_36 = vector.broadcast %sign3A_35 : i32 to vector<16xi32>
    %sign3A_37 = arith.cmpi sgt, %add3A_31, %sign3A_36 : vector<16xi32>
    %sign3A_38 = arith.extui %sign3A_37 : vector<16xi1> to vector<16xi32>
    %sign3A_39 = arith.constant 0 : i32
    %sign3A_40 = vector.broadcast %sign3A_39 : i32 to vector<16xi32>
    %sign3A_41 = arith.cmpi slt, %add3A_31, %sign3A_40 : vector<16xi32>
    %sign3A_42 = arith.extui %sign3A_41 : vector<16xi1> to vector<16xi32>
    %sign3A_43 = arith.subi %sign3A_38, %sign3A_42 : vector<16xi32>
    %sign3A_44 = arith.constant 0 : i32
    %sign3A_45 = arith.cmpi sgt, %jit3A_32, %sign3A_44 : i32
    %sign3A_46 = arith.extui %sign3A_45 : i1 to i32
    %sign3A_47 = arith.constant 0 : i32
    %sign3A_48 = arith.cmpi slt, %jit3A_32, %sign3A_47 : i32
    %sign3A_49 = arith.extui %sign3A_48 : i1 to i32
    %sign3A_50 = arith.subi %sign3A_46, %sign3A_49 : i32
    %ne3A_51 = vector.broadcast %sign3A_50 : i32 to vector<16xi32>
    %ne3A_52 = arith.cmpi ne, %sign3A_43, %ne3A_51 : vector<16xi32>
    %rem3A_53 = vector.broadcast %jit3A_32 : i32 to vector<16xi32>
    %rem3A_54 = arith.remsi %add3A_31, %rem3A_53 : vector<16xi32>
    %ne3A_55 = arith.constant 0 : i32
    %ne3A_56 = vector.broadcast %ne3A_55 : i32 to vector<16xi32>
    %ne3A_57 = arith.cmpi ne, %rem3A_54, %ne3A_56 : vector<16xi32>
    %and3A_58 = arith.andi %ne3A_52, %ne3A_57 : vector<16xi1>
    %sub3A_59 = arith.constant 1 : i32
    %sub3A_60 = vector.broadcast %sub3A_59 : i32 to vector<16xi32>
    %sub3A_61 = arith.subi %div3A_34, %sub3A_60 : vector<16xi32>
    %select_n3A_62 = arith.select %and3A_58, %sub3A_61, %div3A_34 : vector<16xi1>, vector<16xi32>
    %add3A_63 = arith.constant 32 : i32
    %add3A_64 = vector.broadcast %add3A_63 : i32 to vector<16xi32>
    %add3A_65 = arith.addi %add3A_64, %iota3A : vector<16xi32>
    %jit3A_66 = arith.constant 8 : i32
    %div3A_67 = vector.broadcast %jit3A_66 : i32 to vector<16xi32>
    %div3A_68 = arith.divsi %add3A_65, %div3A_67 : vector<16xi32>
    %sign3A_69 = arith.constant 0 : i32
    %sign3A_70 = vector.broadcast %sign3A_69 : i32 to vector<16xi32>
    %sign3A_71 = arith.cmpi sgt, %add3A_65, %sign3A_70 : vector<16xi32>
    %sign3A_72 = arith.extui %sign3A_71 : vector<16xi1> to vector<16xi32>
    %sign3A_73 = arith.constant 0 : i32
    %sign3A_74 = vector.broadcast %sign3A_73 : i32 to vector<16xi32>
    %sign3A_75 = arith.cmpi slt, %add3A_65, %sign3A_74 : vector<16xi32>
    %sign3A_76 = arith.extui %sign3A_75 : vector<16xi1> to vector<16xi32>
    %sign3A_77 = arith.subi %sign3A_72, %sign3A_76 : vector<16xi32>
    %sign3A_78 = arith.constant 0 : i32
    %sign3A_79 = arith.cmpi sgt, %jit3A_66, %sign3A_78 : i32
    %sign3A_80 = arith.extui %sign3A_79 : i1 to i32
    %sign3A_81 = arith.constant 0 : i32
    %sign3A_82 = arith.cmpi slt, %jit3A_66, %sign3A_81 : i32
    %sign3A_83 = arith.extui %sign3A_82 : i1 to i32
    %sign3A_84 = arith.subi %sign3A_80, %sign3A_83 : i32
    %ne3A_85 = vector.broadcast %sign3A_84 : i32 to vector<16xi32>
    %ne3A_86 = arith.cmpi ne, %sign3A_77, %ne3A_85 : vector<16xi32>
    %rem3A_87 = vector.broadcast %jit3A_66 : i32 to vector<16xi32>
    %rem3A_88 = arith.remsi %add3A_65, %rem3A_87 : vector<16xi32>
    %ne3A_89 = arith.constant 0 : i32
    %ne3A_90 = vector.broadcast %ne3A_89 : i32 to vector<16xi32>
    %ne3A_91 = arith.cmpi ne, %rem3A_88, %ne3A_90 : vector<16xi32>
    %and3A_92 = arith.andi %ne3A_86, %ne3A_91 : vector<16xi1>
    %sub3A_93 = arith.constant 1 : i32
    %sub3A_94 = vector.broadcast %sub3A_93 : i32 to vector<16xi32>
    %sub3A_95 = arith.subi %div3A_68, %sub3A_94 : vector<16xi32>
    %select_n3A_96 = arith.select %and3A_92, %sub3A_95, %div3A_68 : vector<16xi1>, vector<16xi32>
    %add3A_97 = arith.constant 48 : i32
    %add3A_98 = vector.broadcast %add3A_97 : i32 to vector<16xi32>
    %add3A_99 = arith.addi %add3A_98, %iota3A : vector<16xi32>
    %jit3A_100 = arith.constant 8 : i32
    %div3A_101 = vector.broadcast %jit3A_100 : i32 to vector<16xi32>
    %div3A_102 = arith.divsi %add3A_99, %div3A_101 : vector<16xi32>
    %sign3A_103 = arith.constant 0 : i32
    %sign3A_104 = vector.broadcast %sign3A_103 : i32 to vector<16xi32>
    %sign3A_105 = arith.cmpi sgt, %add3A_99, %sign3A_104 : vector<16xi32>
    %sign3A_106 = arith.extui %sign3A_105 : vector<16xi1> to vector<16xi32>
    %sign3A_107 = arith.constant 0 : i32
    %sign3A_108 = vector.broadcast %sign3A_107 : i32 to vector<16xi32>
    %sign3A_109 = arith.cmpi slt, %add3A_99, %sign3A_108 : vector<16xi32>
    %sign3A_110 = arith.extui %sign3A_109 : vector<16xi1> to vector<16xi32>
    %sign3A_111 = arith.subi %sign3A_106, %sign3A_110 : vector<16xi32>
    %sign3A_112 = arith.constant 0 : i32
    %sign3A_113 = arith.cmpi sgt, %jit3A_100, %sign3A_112 : i32
    %sign3A_114 = arith.extui %sign3A_113 : i1 to i32
    %sign3A_115 = arith.constant 0 : i32
    %sign3A_116 = arith.cmpi slt, %jit3A_100, %sign3A_115 : i32
    %sign3A_117 = arith.extui %sign3A_116 : i1 to i32
    %sign3A_118 = arith.subi %sign3A_114, %sign3A_117 : i32
    %ne3A_119 = vector.broadcast %sign3A_118 : i32 to vector<16xi32>
    %ne3A_120 = arith.cmpi ne, %sign3A_111, %ne3A_119 : vector<16xi32>
    %rem3A_121 = vector.broadcast %jit3A_100 : i32 to vector<16xi32>
    %rem3A_122 = arith.remsi %add3A_99, %rem3A_121 : vector<16xi32>
    %ne3A_123 = arith.constant 0 : i32
    %ne3A_124 = vector.broadcast %ne3A_123 : i32 to vector<16xi32>
    %ne3A_125 = arith.cmpi ne, %rem3A_122, %ne3A_124 : vector<16xi32>
    %and3A_126 = arith.andi %ne3A_120, %ne3A_125 : vector<16xi1>
    %sub3A_127 = arith.constant 1 : i32
    %sub3A_128 = vector.broadcast %sub3A_127 : i32 to vector<16xi32>
    %sub3A_129 = arith.subi %div3A_102, %sub3A_128 : vector<16xi32>
    %select_n3A_130 = arith.select %and3A_126, %sub3A_129, %div3A_102 : vector<16xi1>, vector<16xi32>
    %add3A_131 = arith.constant 0 : i32
    %add3A_132 = vector.broadcast %add3A_131 : i32 to vector<16xi32>
    %add3A_133 = arith.addi %add3A_132, %iota3A : vector<16xi32>
    %jit3A_134 = arith.constant 8 : i32
    %eq3A = arith.constant 0 : i32
    %eq3A_135 = arith.cmpi eq, %jit3A_134, %eq3A : i32
    %jit3A_136 = arith.constant 1 : i32
    %select_n3A_137 = arith.select %eq3A_135, %jit3A_136, %jit3A_134 : i32
    %rem3A_138 = vector.broadcast %select_n3A_137 : i32 to vector<16xi32>
    %rem3A_139 = arith.remsi %add3A_133, %rem3A_138 : vector<16xi32>
    %ne3A_140 = arith.constant 0 : i32
    %ne3A_141 = vector.broadcast %ne3A_140 : i32 to vector<16xi32>
    %ne3A_142 = arith.cmpi ne, %rem3A_139, %ne3A_141 : vector<16xi32>
    %lt3A = arith.constant 0 : i32
    %lt3A_143 = vector.broadcast %lt3A : i32 to vector<16xi32>
    %lt3A_144 = arith.cmpi slt, %rem3A_139, %lt3A_143 : vector<16xi32>
    %lt3A_145 = arith.constant 0 : i32
    %lt3A_146 = arith.cmpi slt, %select_n3A_137, %lt3A_145 : i32
    %ne3A_147 = vector.broadcast %lt3A_146 : i1 to vector<16xi1>
    %ne3A_148 = vector.broadcast %ne3A_147 : vector<16xi1> to vector<16xi1>
    %ne3A_149 = arith.xori %lt3A_144, %ne3A_148 : vector<16xi1>
    %and3A_150 = arith.andi %ne3A_149, %ne3A_142 : vector<16xi1>
    %add3A_151 = vector.broadcast %select_n3A_137 : i32 to vector<16xi32>
    %add3A_152 = arith.addi %rem3A_139, %add3A_151 : vector<16xi32>
    %select_n3A_153 = arith.select %and3A_150, %add3A_152, %rem3A_139 : vector<16xi1>, vector<16xi32>
    %add3A_154 = arith.constant 16 : i32
    %add3A_155 = vector.broadcast %add3A_154 : i32 to vector<16xi32>
    %add3A_156 = arith.addi %add3A_155, %iota3A : vector<16xi32>
    %jit3A_157 = arith.constant 8 : i32
    %eq3A_158 = arith.constant 0 : i32
    %eq3A_159 = arith.cmpi eq, %jit3A_157, %eq3A_158 : i32
    %jit3A_160 = arith.constant 1 : i32
    %select_n3A_161 = arith.select %eq3A_159, %jit3A_160, %jit3A_157 : i32
    %rem3A_162 = vector.broadcast %select_n3A_161 : i32 to vector<16xi32>
    %rem3A_163 = arith.remsi %add3A_156, %rem3A_162 : vector<16xi32>
    %ne3A_164 = arith.constant 0 : i32
    %ne3A_165 = vector.broadcast %ne3A_164 : i32 to vector<16xi32>
    %ne3A_166 = arith.cmpi ne, %rem3A_163, %ne3A_165 : vector<16xi32>
    %lt3A_167 = arith.constant 0 : i32
    %lt3A_168 = vector.broadcast %lt3A_167 : i32 to vector<16xi32>
    %lt3A_169 = arith.cmpi slt, %rem3A_163, %lt3A_168 : vector<16xi32>
    %lt3A_170 = arith.constant 0 : i32
    %lt3A_171 = arith.cmpi slt, %select_n3A_161, %lt3A_170 : i32
    %ne3A_172 = vector.broadcast %lt3A_171 : i1 to vector<16xi1>
    %ne3A_173 = vector.broadcast %ne3A_172 : vector<16xi1> to vector<16xi1>
    %ne3A_174 = arith.xori %lt3A_169, %ne3A_173 : vector<16xi1>
    %and3A_175 = arith.andi %ne3A_174, %ne3A_166 : vector<16xi1>
    %add3A_176 = vector.broadcast %select_n3A_161 : i32 to vector<16xi32>
    %add3A_177 = arith.addi %rem3A_163, %add3A_176 : vector<16xi32>
    %select_n3A_178 = arith.select %and3A_175, %add3A_177, %rem3A_163 : vector<16xi1>, vector<16xi32>
    %add3A_179 = arith.constant 32 : i32
    %add3A_180 = vector.broadcast %add3A_179 : i32 to vector<16xi32>
    %add3A_181 = arith.addi %add3A_180, %iota3A : vector<16xi32>
    %jit3A_182 = arith.constant 8 : i32
    %eq3A_183 = arith.constant 0 : i32
    %eq3A_184 = arith.cmpi eq, %jit3A_182, %eq3A_183 : i32
    %jit3A_185 = arith.constant 1 : i32
    %select_n3A_186 = arith.select %eq3A_184, %jit3A_185, %jit3A_182 : i32
    %rem3A_187 = vector.broadcast %select_n3A_186 : i32 to vector<16xi32>
    %rem3A_188 = arith.remsi %add3A_181, %rem3A_187 : vector<16xi32>
    %ne3A_189 = arith.constant 0 : i32
    %ne3A_190 = vector.broadcast %ne3A_189 : i32 to vector<16xi32>
    %ne3A_191 = arith.cmpi ne, %rem3A_188, %ne3A_190 : vector<16xi32>
    %lt3A_192 = arith.constant 0 : i32
    %lt3A_193 = vector.broadcast %lt3A_192 : i32 to vector<16xi32>
    %lt3A_194 = arith.cmpi slt, %rem3A_188, %lt3A_193 : vector<16xi32>
    %lt3A_195 = arith.constant 0 : i32
    %lt3A_196 = arith.cmpi slt, %select_n3A_186, %lt3A_195 : i32
    %ne3A_197 = vector.broadcast %lt3A_196 : i1 to vector<16xi1>
    %ne3A_198 = vector.broadcast %ne3A_197 : vector<16xi1> to vector<16xi1>
    %ne3A_199 = arith.xori %lt3A_194, %ne3A_198 : vector<16xi1>
    %and3A_200 = arith.andi %ne3A_199, %ne3A_191 : vector<16xi1>
    %add3A_201 = vector.broadcast %select_n3A_186 : i32 to vector<16xi32>
    %add3A_202 = arith.addi %rem3A_188, %add3A_201 : vector<16xi32>
    %select_n3A_203 = arith.select %and3A_200, %add3A_202, %rem3A_188 : vector<16xi1>, vector<16xi32>
    %add3A_204 = arith.constant 48 : i32
    %add3A_205 = vector.broadcast %add3A_204 : i32 to vector<16xi32>
    %add3A_206 = arith.addi %add3A_205, %iota3A : vector<16xi32>
    %jit3A_207 = arith.constant 8 : i32
    %eq3A_208 = arith.constant 0 : i32
    %eq3A_209 = arith.cmpi eq, %jit3A_207, %eq3A_208 : i32
    %jit3A_210 = arith.constant 1 : i32
    %select_n3A_211 = arith.select %eq3A_209, %jit3A_210, %jit3A_207 : i32
    %rem3A_212 = vector.broadcast %select_n3A_211 : i32 to vector<16xi32>
    %rem3A_213 = arith.remsi %add3A_206, %rem3A_212 : vector<16xi32>
    %ne3A_214 = arith.constant 0 : i32
    %ne3A_215 = vector.broadcast %ne3A_214 : i32 to vector<16xi32>
    %ne3A_216 = arith.cmpi ne, %rem3A_213, %ne3A_215 : vector<16xi32>
    %lt3A_217 = arith.constant 0 : i32
    %lt3A_218 = vector.broadcast %lt3A_217 : i32 to vector<16xi32>
    %lt3A_219 = arith.cmpi slt, %rem3A_213, %lt3A_218 : vector<16xi32>
    %lt3A_220 = arith.constant 0 : i32
    %lt3A_221 = arith.cmpi slt, %select_n3A_211, %lt3A_220 : i32
    %ne3A_222 = vector.broadcast %lt3A_221 : i1 to vector<16xi1>
    %ne3A_223 = vector.broadcast %ne3A_222 : vector<16xi1> to vector<16xi1>
    %ne3A_224 = arith.xori %lt3A_219, %ne3A_223 : vector<16xi1>
    %and3A_225 = arith.andi %ne3A_224, %ne3A_216 : vector<16xi1>
    %add3A_226 = vector.broadcast %select_n3A_211 : i32 to vector<16xi32>
    %add3A_227 = arith.addi %rem3A_213, %add3A_226 : vector<16xi32>
    %select_n3A_228 = arith.select %and3A_225, %add3A_227, %rem3A_213 : vector<16xi1>, vector<16xi32>
    %dma_start3A = arith.constant 0 : i32
    %dma_start3A_229 = arith.constant 0 : i32
    %dma_start3A_230 = tpu.memref_slice %arg5[%dma_start3A, %dma_start3A_229] : memref<50x512xi32, #tpu.memory_space<vmem>> -> memref<1x128xi32, #tpu.memory_space<vmem>>
    %dma_start3A_231 = tpu.memref_squeeze %dma_start3A_230 : memref<1x128xi32, #tpu.memory_space<vmem>> -> memref<128xi32, #tpu.memory_space<vmem>>
    %dma_start3A_232 = arith.constant 0 : i32
    %dma_start3A_233 = arith.constant 0 : i32
    %dma_start3A_234 = tpu.memref_slice %arg3[%dma_start3A_232, %dma_start3A_233] : memref<1000000x64xf32, #tpu.memory_space<hbm>> -> memref<1000000x64xf32, #tpu.memory_space<hbm>>
    tpu.enqueue_indirect_dma source(%dma_start3A_234 : memref<1000000x64xf32, #tpu.memory_space<hbm>>) target(%arg6 : memref<128x64xf32, #tpu.memory_space<vmem>>) offsets(%dma_start3A_231 : memref<128xi32, #tpu.memory_space<vmem>>) semaphore(%arg12 : memref<!tpu.dma_semaphore, #tpu.memory_space<semaphore_mem>>)
    %dma_start3A_235 = arith.constant 0 : i32
    %dma_start3A_236 = arith.constant 128 : i32
    %dma_start3A_237 = tpu.memref_slice %arg5[%dma_start3A_235, %dma_start3A_236] : memref<50x512xi32, #tpu.memory_space<vmem>> -> memref<1x128xi32, #tpu.memory_space<vmem>>
    %dma_start3A_238 = tpu.memref_squeeze %dma_start3A_237 : memref<1x128xi32, #tpu.memory_space<vmem>> -> memref<128xi32, #tpu.memory_space<vmem>>
    %dma_start3A_239 = arith.constant 0 : i32
    %dma_start3A_240 = arith.constant 0 : i32
    %dma_start3A_241 = tpu.memref_slice %arg3[%dma_start3A_239, %dma_start3A_240] : memref<1000000x64xf32, #tpu.memory_space<hbm>> -> memref<1000000x64xf32, #tpu.memory_space<hbm>>
    tpu.enqueue_indirect_dma source(%dma_start3A_241 : memref<1000000x64xf32, #tpu.memory_space<hbm>>) target(%arg7 : memref<128x64xf32, #tpu.memory_space<vmem>>) offsets(%dma_start3A_238 : memref<128xi32, #tpu.memory_space<vmem>>) semaphore(%arg13 : memref<!tpu.dma_semaphore, #tpu.memory_space<semaphore_mem>>)
    %dma_start3A_242 = arith.constant 0 : i32
    %dma_start3A_243 = arith.constant 256 : i32
    %dma_start3A_244 = tpu.memref_slice %arg5[%dma_start3A_242, %dma_start3A_243] : memref<50x512xi32, #tpu.memory_space<vmem>> -> memref<1x128xi32, #tpu.memory_space<vmem>>
    %dma_start3A_245 = tpu.memref_squeeze %dma_start3A_244 : memref<1x128xi32, #tpu.memory_space<vmem>> -> memref<128xi32, #tpu.memory_space<vmem>>
    %dma_start3A_246 = arith.constant 0 : i32
    %dma_start3A_247 = arith.constant 0 : i32
    %dma_start3A_248 = tpu.memref_slice %arg3[%dma_start3A_246, %dma_start3A_247] : memref<1000000x64xf32, #tpu.memory_space<hbm>> -> memref<1000000x64xf32, #tpu.memory_space<hbm>>
    tpu.enqueue_indirect_dma source(%dma_start3A_248 : memref<1000000x64xf32, #tpu.memory_space<hbm>>) target(%arg8 : memref<128x64xf32, #tpu.memory_space<vmem>>) offsets(%dma_start3A_245 : memref<128xi32, #tpu.memory_space<vmem>>) semaphore(%arg14 : memref<!tpu.dma_semaphore, #tpu.memory_space<semaphore_mem>>)
    %scan3A = arith.constant 0 : i32
    %scan3A_249 = arith.constant 50 : i32
    %scan3A_250 = arith.addi %scan3A, %scan3A_249 : i32
    %scan3A_251 = arith.constant 1 : i32
    scf.for %scan3A_292 = %scan3A to %scan3A_250 step %scan3A_251  : i32 {
      %mul3A_293 = arith.constant 4 : i32
      %mul3A_294 = arith.muli %scan3A_292, %mul3A_293 : i32
      %add3A_295 = arith.constant 0 : i32
      %add3A_296 = arith.addi %add3A_295, %mul3A_294 : i32
      %add3A_297 = arith.constant 0 : i32
      %add3A_298 = arith.addi %add3A_296, %add3A_297 : i32
      %add3A_299 = arith.constant 3 : i32
      %add3A_300 = arith.addi %add3A_298, %add3A_299 : i32
      %lt3A_301 = arith.constant 200 : i32
      %lt3A_302 = arith.cmpi slt, %add3A_300, %lt3A_301 : i32
      %convert_element_type3A = arith.extui %lt3A_302 : i1 to i32
      %cond3A = arith.constant 0 : i32
      %cond3A_303 = arith.cmpi ne, %convert_element_type3A, %cond3A : i32
      scf.if %cond3A_303 {
        %add3A_802 = arith.constant 3 : i32
        %add3A_803 = arith.addi %add3A_298, %add3A_802 : i32
        %jit3A_804 = arith.constant 4 : i32
        %div3A_805 = arith.divsi %add3A_803, %jit3A_804 : i32
        %sign3A_806 = arith.constant 0 : i32
        %sign3A_807 = arith.cmpi sgt, %add3A_803, %sign3A_806 : i32
        %sign3A_808 = arith.extui %sign3A_807 : i1 to i32
        %sign3A_809 = arith.constant 0 : i32
        %sign3A_810 = arith.cmpi slt, %add3A_803, %sign3A_809 : i32
        %sign3A_811 = arith.extui %sign3A_810 : i1 to i32
        %sign3A_812 = arith.subi %sign3A_808, %sign3A_811 : i32
        %sign3A_813 = arith.constant 0 : i32
        %sign3A_814 = arith.cmpi sgt, %jit3A_804, %sign3A_813 : i32
        %sign3A_815 = arith.extui %sign3A_814 : i1 to i32
        %sign3A_816 = arith.constant 0 : i32
        %sign3A_817 = arith.cmpi slt, %jit3A_804, %sign3A_816 : i32
        %sign3A_818 = arith.extui %sign3A_817 : i1 to i32
        %sign3A_819 = arith.subi %sign3A_815, %sign3A_818 : i32
        %ne3A_820 = arith.cmpi ne, %sign3A_812, %sign3A_819 : i32
        %rem3A_821 = arith.remsi %add3A_803, %jit3A_804 : i32
        %ne3A_822 = arith.constant 0 : i32
        %ne3A_823 = arith.cmpi ne, %rem3A_821, %ne3A_822 : i32
        %and3A_824 = arith.andi %ne3A_820, %ne3A_823 : i1
        %sub3A_825 = arith.constant 1 : i32
        %sub3A_826 = arith.subi %div3A_805, %sub3A_825 : i32
        %select_n3A_827 = arith.select %and3A_824, %sub3A_826, %div3A_805 : i32
        %jit3A_828 = arith.constant 4 : i32
        %eq3A_829 = arith.constant 0 : i32
        %eq3A_830 = arith.cmpi eq, %jit3A_828, %eq3A_829 : i32
        %jit3A_831 = arith.constant 1 : i32
        %select_n3A_832 = arith.select %eq3A_830, %jit3A_831, %jit3A_828 : i32
        %rem3A_833 = arith.remsi %add3A_803, %select_n3A_832 : i32
        %ne3A_834 = arith.constant 0 : i32
        %ne3A_835 = arith.cmpi ne, %rem3A_833, %ne3A_834 : i32
        %lt3A_836 = arith.constant 0 : i32
        %lt3A_837 = arith.cmpi slt, %rem3A_833, %lt3A_836 : i32
        %lt3A_838 = arith.constant 0 : i32
        %lt3A_839 = arith.cmpi slt, %select_n3A_832, %lt3A_838 : i32
        %ne3A_840 = arith.xori %lt3A_837, %lt3A_839 : i1
        %and3A_841 = arith.andi %ne3A_840, %ne3A_835 : i1
        %add3A_842 = arith.addi %rem3A_833, %select_n3A_832 : i32
        %select_n3A_843 = arith.select %and3A_841, %add3A_842, %rem3A_833 : i32
        %mul3A_844 = arith.constant 128 : i32
        %mul3A_845 = arith.muli %select_n3A_843, %mul3A_844 : i32
        %dma_start3A_846 = tpu.memref_slice %arg5[%select_n3A_827, %mul3A_845] : memref<50x512xi32, #tpu.memory_space<vmem>> -> memref<1x128xi32, #tpu.memory_space<vmem>>
        %dma_start3A_847 = tpu.memref_squeeze %dma_start3A_846 : memref<1x128xi32, #tpu.memory_space<vmem>> -> memref<128xi32, #tpu.memory_space<vmem>>
        %dma_start3A_848 = arith.constant 0 : i32
        %dma_start3A_849 = arith.constant 0 : i32
        %dma_start3A_850 = tpu.memref_slice %arg3[%dma_start3A_848, %dma_start3A_849] : memref<1000000x64xf32, #tpu.memory_space<hbm>> -> memref<1000000x64xf32, #tpu.memory_space<hbm>>
        tpu.enqueue_indirect_dma source(%dma_start3A_850 : memref<1000000x64xf32, #tpu.memory_space<hbm>>) target(%arg9 : memref<128x64xf32, #tpu.memory_space<vmem>>) offsets(%dma_start3A_847 : memref<128xi32, #tpu.memory_space<vmem>>) semaphore(%arg15 : memref<!tpu.dma_semaphore, #tpu.memory_space<semaphore_mem>>)
      } else {
      }
      %jit3A_304 = arith.constant 4 : i32
      %div3A_305 = arith.divsi %add3A_298, %jit3A_304 : i32
      %sign3A_306 = arith.constant 0 : i32
      %sign3A_307 = arith.cmpi sgt, %add3A_298, %sign3A_306 : i32
      %sign3A_308 = arith.extui %sign3A_307 : i1 to i32
      %sign3A_309 = arith.constant 0 : i32
      %sign3A_310 = arith.cmpi slt, %add3A_298, %sign3A_309 : i32
      %sign3A_311 = arith.extui %sign3A_310 : i1 to i32
      %sign3A_312 = arith.subi %sign3A_308, %sign3A_311 : i32
      %sign3A_313 = arith.constant 0 : i32
      %sign3A_314 = arith.cmpi sgt, %jit3A_304, %sign3A_313 : i32
      %sign3A_315 = arith.extui %sign3A_314 : i1 to i32
      %sign3A_316 = arith.constant 0 : i32
      %sign3A_317 = arith.cmpi slt, %jit3A_304, %sign3A_316 : i32
      %sign3A_318 = arith.extui %sign3A_317 : i1 to i32
      %sign3A_319 = arith.subi %sign3A_315, %sign3A_318 : i32
      %ne3A_320 = arith.cmpi ne, %sign3A_312, %sign3A_319 : i32
      %rem3A_321 = arith.remsi %add3A_298, %jit3A_304 : i32
      %ne3A_322 = arith.constant 0 : i32
      %ne3A_323 = arith.cmpi ne, %rem3A_321, %ne3A_322 : i32
      %and3A_324 = arith.andi %ne3A_320, %ne3A_323 : i1
      %sub3A_325 = arith.constant 1 : i32
      %sub3A_326 = arith.subi %div3A_305, %sub3A_325 : i32
      %select_n3A_327 = arith.select %and3A_324, %sub3A_326, %div3A_305 : i32
      %jit3A_328 = arith.constant 4 : i32
      %eq3A_329 = arith.constant 0 : i32
      %eq3A_330 = arith.cmpi eq, %jit3A_328, %eq3A_329 : i32
      %jit3A_331 = arith.constant 1 : i32
      %select_n3A_332 = arith.select %eq3A_330, %jit3A_331, %jit3A_328 : i32
      %rem3A_333 = arith.remsi %add3A_298, %select_n3A_332 : i32
      %ne3A_334 = arith.constant 0 : i32
      %ne3A_335 = arith.cmpi ne, %rem3A_333, %ne3A_334 : i32
      %lt3A_336 = arith.constant 0 : i32
      %lt3A_337 = arith.cmpi slt, %rem3A_333, %lt3A_336 : i32
      %lt3A_338 = arith.constant 0 : i32
      %lt3A_339 = arith.cmpi slt, %select_n3A_332, %lt3A_338 : i32
      %ne3A_340 = arith.xori %lt3A_337, %lt3A_339 : i1
      %and3A_341 = arith.andi %ne3A_340, %ne3A_335 : i1
      %add3A_342 = arith.addi %rem3A_333, %select_n3A_332 : i32
      %select_n3A_343 = arith.select %and3A_341, %add3A_342, %rem3A_333 : i32
      %mul3A_344 = arith.constant 128 : i32
      %mul3A_345 = arith.muli %select_n3A_343, %mul3A_344 : i32
      %dma_wait3A_346 = tpu.memref_slice %arg5[%select_n3A_327, %mul3A_345] : memref<50x512xi32, #tpu.memory_space<vmem>> -> memref<1x128xi32, #tpu.memory_space<vmem>>
      %dma_wait3A_347 = tpu.memref_squeeze %dma_wait3A_346 : memref<1x128xi32, #tpu.memory_space<vmem>> -> memref<128xi32, #tpu.memory_space<vmem>>
      %dma_wait3A_348 = arith.constant 0 : i32
      %dma_wait3A_349 = arith.constant 0 : i32
      %dma_wait3A_350 = tpu.memref_slice %arg3[%dma_wait3A_348, %dma_wait3A_349] : memref<1000000x64xf32, #tpu.memory_space<hbm>> -> memref<1000000x64xf32, #tpu.memory_space<hbm>>
      tpu.wait_indirect_dma semaphore(%arg12 : memref<!tpu.dma_semaphore, #tpu.memory_space<semaphore_mem>>) src(%dma_wait3A_350 : memref<1000000x64xf32, #tpu.memory_space<hbm>>) dst(%arg6 : memref<128x64xf32, #tpu.memory_space<vmem>>)
      %ge3A = arith.constant 2 : i32
      %ge3A_351 = arith.cmpi sge, %add3A_298, %ge3A : i32
      %convert_element_type3A_352 = arith.extui %ge3A_351 : i1 to i32
      %cond3A_353 = arith.constant 0 : i32
      %cond3A_354 = arith.cmpi ne, %convert_element_type3A_352, %cond3A_353 : i32
      scf.if %cond3A_354 {
        %dma_wait3A_802 = arith.constant 0 : i32
        %dma_wait3A_803 = arith.constant 0 : i32
        %dma_wait3A_804 = arith.constant 0 : i32
        %dma_wait3A_805 = arith.constant 0 : i32
        %dma_wait3A_806 = arith.constant 0 : i32
        %dma_wait3A_807 = tpu.memref_slice %arg10[%dma_wait3A_804, %dma_wait3A_805, %dma_wait3A_806] : memref<8x8x129xf32, #tpu.memory_space<vmem>> -> memref<8x8x128xf32, #tpu.memory_space<vmem>>
        %dma_wait3A_808 = arith.constant 0 : i32
        %dma_wait3A_809 = arith.constant 0 : i32
        %dma_wait3A_810 = arith.constant 0 : i32
        %dma_wait3A_811 = tpu.memref_slice %arg4[%dma_wait3A_802, %dma_wait3A_808, %dma_wait3A_803, %dma_wait3A_809, %dma_wait3A_810] : memref<50x8x128x8x128xf32, #tpu.memory_space<hbm>> -> memref<1x8x1x8x128xf32, #tpu.memory_space<hbm>>
        %dma_wait3A_812 = tpu.memref_squeeze %dma_wait3A_811 : memref<1x8x1x8x128xf32, #tpu.memory_space<hbm>> -> memref<8x8x128xf32, #tpu.memory_space<hbm>>
        %dma_wait3A_813 = arith.constant 0 : i32
        %dma_wait3A_814 = arith.constant 0 : i32
        %dma_wait3A_815 = arith.constant 0 : i32
        %dma_wait3A_816 = tpu.memref_slice %arg10[%dma_wait3A_813, %dma_wait3A_814, %dma_wait3A_815] : memref<8x8x129xf32, #tpu.memory_space<vmem>> -> memref<8x8x128xf32, #tpu.memory_space<vmem>>
        %dma_wait3A_817 = arith.constant 0 : i32
        %dma_wait3A_818 = arith.constant 0 : i32
        %dma_wait3A_819 = arith.constant 0 : i32
        %dma_wait3A_820 = tpu.memref_slice %arg4[%dma_wait3A_802, %dma_wait3A_817, %dma_wait3A_803, %dma_wait3A_818, %dma_wait3A_819] : memref<50x8x128x8x128xf32, #tpu.memory_space<hbm>> -> memref<1x8x1x8x128xf32, #tpu.memory_space<hbm>>
        %dma_wait3A_821 = tpu.memref_squeeze %dma_wait3A_820 : memref<1x8x1x8x128xf32, #tpu.memory_space<hbm>> -> memref<8x8x128xf32, #tpu.memory_space<hbm>>
        tpu.wait_dma2 semaphore(%arg16 : memref<!tpu.dma_semaphore, #tpu.memory_space<semaphore_mem>>) src(%dma_wait3A_821 : memref<8x8x128xf32, #tpu.memory_space<hbm>>) dst(%dma_wait3A_816 : memref<8x8x128xf32, #tpu.memory_space<vmem>>)
      } else {
      }
      %scan3A_355 = arith.constant 0 : i32
      %scan3A_356 = arith.constant 8 : i32
      %scan3A_357 = arith.addi %scan3A_355, %scan3A_356 : i32
      %scan3A_358 = arith.constant 1 : i32
      scf.for %scan3A_802 = %scan3A_355 to %scan3A_357 step %scan3A_358  : i32 {
        %mul3A_803 = arith.constant 1 : i32
        %mul3A_804 = arith.muli %scan3A_802, %mul3A_803 : i32
        %add3A_805 = arith.constant 0 : i32
        %add3A_806 = arith.addi %add3A_805, %mul3A_804 : i32
        %mul3A_807 = arith.constant 16 : i32
        %mul3A_808 = arith.muli %add3A_806, %mul3A_807 : i32
        %add3A_809 = arith.constant 0 : i32
        %add3A_810 = arith.addi %mul3A_808, %add3A_809 : i32
        %broadcast_in_dim3A = vector.broadcast %add3A_810 : i32 to vector<16xi32>
        %get3A = arith.index_cast %add3A_810 : i32 to index
        %get3A_811 = arith.constant 0 : index
        %get3A_812 = tpu.vector_load %arg6[%get3A, %get3A_811] {strides = array<i32>} : memref<128x64xf32, #tpu.memory_space<vmem>>, vector<16xf32>,
        %get3A_813 = arith.index_cast %add3A_810 : i32 to index
        %get3A_814 = arith.constant 16 : index
        %get3A_815 = tpu.vector_load %arg6[%get3A_813, %get3A_814] {strides = array<i32>} : memref<128x64xf32, #tpu.memory_space<vmem>>, vector<16xf32>,
        %get3A_816 = arith.index_cast %add3A_810 : i32 to index
        %get3A_817 = arith.constant 32 : index
        %get3A_818 = tpu.vector_load %arg6[%get3A_816, %get3A_817] {strides = array<i32>} : memref<128x64xf32, #tpu.memory_space<vmem>>, vector<16xf32>,
        %get3A_819 = arith.index_cast %add3A_810 : i32 to index
        %get3A_820 = arith.constant 48 : index
        %get3A_821 = tpu.vector_load %arg6[%get3A_819, %get3A_820] {strides = array<i32>} : memref<128x64xf32, #tpu.memory_space<vmem>>, vector<16xf32>,
        %mul3A_822 = arith.constant 16 : i32
        %mul3A_823 = arith.muli %add3A_806, %mul3A_822 : i32
        %add3A_824 = arith.constant 1 : i32
        %add3A_825 = arith.addi %mul3A_823, %add3A_824 : i32
        %broadcast_in_dim3A_826 = vector.broadcast %add3A_825 : i32 to vector<16xi32>
        %get3A_827 = arith.index_cast %add3A_825 : i32 to index
        %get3A_828 = arith.constant 0 : index
        %get3A_829 = tpu.vector_load %arg6[%get3A_827, %get3A_828] {strides = array<i32>} : memref<128x64xf32, #tpu.memory_space<vmem>>, vector<16xf32>,
        %get3A_830 = arith.index_cast %add3A_825 : i32 to index
        %get3A_831 = arith.constant 16 : index
        %get3A_832 = tpu.vector_load %arg6[%get3A_830, %get3A_831] {strides = array<i32>} : memref<128x64xf32, #tpu.memory_space<vmem>>, vector<16xf32>,
        %get3A_833 = arith.index_cast %add3A_825 : i32 to index
        %get3A_834 = arith.constant 32 : index
        %get3A_835 = tpu.vector_load %arg6[%get3A_833, %get3A_834] {strides = array<i32>} : memref<128x64xf32, #tpu.memory_space<vmem>>, vector<16xf32>,
        %get3A_836 = arith.index_cast %add3A_825 : i32 to index
        %get3A_837 = arith.constant 48 : index
        %get3A_838 = tpu.vector_load %arg6[%get3A_836, %get3A_837] {strides = array<i32>} : memref<128x64xf32, #tpu.memory_space<vmem>>, vector<16xf32>,
        tpu.vector_store_idx %arg10[%select_n3A, %select_n3A_153, %broadcast_in_dim3A], %get3A_812 : memref<8x8x129xf32, #tpu.memory_space<vmem>>[vector<16xi32>, vector<16xi32>, vector<16xi32>], vector<16xf32>,
        tpu.vector_store_idx %arg10[%select_n3A_62, %select_n3A_178, %broadcast_in_dim3A], %get3A_815 : memref<8x8x129xf32, #tpu.memory_space<vmem>>[vector<16xi32>, vector<16xi32>, vector<16xi32>], vector<16xf32>,
        tpu.vector_store_idx %arg10[%select_n3A_96, %select_n3A_203, %broadcast_in_dim3A], %get3A_818 : memref<8x8x129xf32, #tpu.memory_space<vmem>>[vector<16xi32>, vector<16xi32>, vector<16xi32>], vector<16xf32>,
        tpu.vector_store_idx %arg10[%select_n3A_130, %select_n3A_228, %broadcast_in_dim3A], %get3A_821 : memref<8x8x129xf32, #tpu.memory_space<vmem>>[vector<16xi32>, vector<16xi32>, vector<16xi32>], vector<16xf32>,
        %mul3A_839 = arith.constant 16 : i32
        %mul3A_840 = arith.muli %add3A_806, %mul3A_839 : i32
        %add3A_841 = arith.constant 2 : i32
        %add3A_842 = arith.addi %mul3A_840, %add3A_841 : i32
        %broadcast_in_dim3A_843 = vector.broadcast %add3A_842 : i32 to vector<16xi32>
        %get3A_844 = arith.index_cast %add3A_842 : i32 to index
        %get3A_845 = arith.constant 0 : index
        %get3A_846 = tpu.vector_load %arg6[%get3A_844, %get3A_845] {strides = array<i32>} : memref<128x64xf32, #tpu.memory_space<vmem>>, vector<16xf32>,
        %get3A_847 = arith.index_cast %add3A_842 : i32 to index
        %get3A_848 = arith.constant 16 : index
        %get3A_849 = tpu.vector_load %arg6[%get3A_847, %get3A_848] {strides = array<i32>} : memref<128x64xf32, #tpu.memory_space<vmem>>, vector<16xf32>,
        %get3A_850 = arith.index_cast %add3A_842 : i32 to index
        %get3A_851 = arith.constant 32 : index
        %get3A_852 = tpu.vector_load %arg6[%get3A_850, %get3A_851] {strides = array<i32>} : memref<128x64xf32, #tpu.memory_space<vmem>>, vector<16xf32>,
        %get3A_853 = arith.index_cast %add3A_842 : i32 to index
        %get3A_854 = arith.constant 48 : index
        %get3A_855 = tpu.vector_load %arg6[%get3A_853, %get3A_854] {strides = array<i32>} : memref<128x64xf32, #tpu.memory_space<vmem>>, vector<16xf32>,
        tpu.vector_store_idx %arg10[%select_n3A, %select_n3A_153, %broadcast_in_dim3A_826], %get3A_829 : memref<8x8x129xf32, #tpu.memory_space<vmem>>[vector<16xi32>, vector<16xi32>, vector<16xi32>], vector<16xf32>,
        tpu.vector_store_idx %arg10[%select_n3A_62, %select_n3A_178, %broadcast_in_dim3A_826], %get3A_832 : memref<8x8x129xf32, #tpu.memory_space<vmem>>[vector<16xi32>, vector<16xi32>, vector<16xi32>], vector<16xf32>,
        tpu.vector_store_idx %arg10[%select_n3A_96, %select_n3A_203, %broadcast_in_dim3A_826], %get3A_835 : memref<8x8x129xf32, #tpu.memory_space<vmem>>[vector<16xi32>, vector<16xi32>, vector<16xi32>], vector<16xf32>,
        tpu.vector_store_idx %arg10[%select_n3A_130, %select_n3A_228, %broadcast_in_dim3A_826], %get3A_838 : memref<8x8x129xf32, #tpu.memory_space<vmem>>[vector<16xi32>, vector<16xi32>, vector<16xi32>], vector<16xf32>,
        %mul3A_856 = arith.constant 16 : i32
        %mul3A_857 = arith.muli %add3A_806, %mul3A_856 : i32
        %add3A_858 = arith.constant 3 : i32
        %add3A_859 = arith.addi %mul3A_857, %add3A_858 : i32
        %broadcast_in_dim3A_860 = vector.broadcast %add3A_859 : i32 to vector<16xi32>
        %get3A_861 = arith.index_cast %add3A_859 : i32 to index
        %get3A_862 = arith.constant 0 : index
        %get3A_863 = tpu.vector_load %arg6[%get3A_861, %get3A_862] {strides = array<i32>} : memref<128x64xf32, #tpu.memory_space<vmem>>, vector<16xf32>,
        %get3A_864 = arith.index_cast %add3A_859 : i32 to index
        %get3A_865 = arith.constant 16 : index
        %get3A_866 = tpu.vector_load %arg6[%get3A_864, %get3A_865] {strides = array<i32>} : memref<128x64xf32, #tpu.memory_space<vmem>>, vector<16xf32>,
        %get3A_867 = arith.index_cast %add3A_859 : i32 to index
        %get3A_868 = arith.constant 32 : index
        %get3A_869 = tpu.vector_load %arg6[%get3A_867, %get3A_868] {strides = array<i32>} : memref<128x64xf32, #tpu.memory_space<vmem>>, vector<16xf32>,
        %get3A_870 = arith.index_cast %add3A_859 : i32 to index
        %get3A_871 = arith.constant 48 : index
        %get3A_872 = tpu.vector_load %arg6[%get3A_870, %get3A_871] {strides = array<i32>} : memref<128x64xf32, #tpu.memory_space<vmem>>, vector<16xf32>,
        tpu.vector_store_idx %arg10[%select_n3A, %select_n3A_153, %broadcast_in_dim3A_843], %get3A_846 : memref<8x8x129xf32, #tpu.memory_space<vmem>>[vector<16xi32>, vector<16xi32>, vector<16xi32>], vector<16xf32>,
        tpu.vector_store_idx %arg10[%select_n3A_62, %select_n3A_178, %broadcast_in_dim3A_843], %get3A_849 : memref<8x8x129xf32, #tpu.memory_space<vmem>>[vector<16xi32>, vector<16xi32>, vector<16xi32>], vector<16xf32>,
        tpu.vector_store_idx %arg10[%select_n3A_96, %select_n3A_203, %broadcast_in_dim3A_843], %get3A_852 : memref<8x8x129xf32, #tpu.memory_space<vmem>>[vector<16xi32>, vector<16xi32>, vector<16xi32>], vector<16xf32>,
        tpu.vector_store_idx %arg10[%select_n3A_130, %select_n3A_228, %broadcast_in_dim3A_843], %get3A_855 : memref<8x8x129xf32, #tpu.memory_space<vmem>>[vector<16xi32>, vector<16xi32>, vector<16xi32>], vector<16xf32>,
        %mul3A_873 = arith.constant 16 : i32
        %mul3A_874 = arith.muli %add3A_806, %mul3A_873 : i32
        %add3A_875 = arith.constant 4 : i32
        %add3A_876 = arith.addi %mul3A_874, %add3A_875 : i32
        %broadcast_in_dim3A_877 = vector.broadcast %add3A_876 : i32 to vector<16xi32>
        %get3A_878 = arith.index_cast %add3A_876 : i32 to index
        %get3A_879 = arith.constant 0 : index
        %get3A_880 = tpu.vector_load %arg6[%get3A_878, %get3A_879] {strides = array<i32>} : memref<128x64xf32, #tpu.memory_space<vmem>>, vector<16xf32>,
        %get3A_881 = arith.index_cast %add3A_876 : i32 to index
        %get3A_882 = arith.constant 16 : index
        %get3A_883 = tpu.vector_load %arg6[%get3A_881, %get3A_882] {strides = array<i32>} : memref<128x64xf32, #tpu.memory_space<vmem>>, vector<16xf32>,
        %get3A_884 = arith.index_cast %add3A_876 : i32 to index
        %get3A_885 = arith.constant 32 : index
        %get3A_886 = tpu.vector_load %arg6[%get3A_884, %get3A_885] {strides = array<i32>} : memref<128x64xf32, #tpu.memory_space<vmem>>, vector<16xf32>,
        %get3A_887 = arith.index_cast %add3A_876 : i32 to index
        %get3A_888 = arith.constant 48 : index
        %get3A_889 = tpu.vector_load %arg6[%get3A_887, %get3A_888] {strides = array<i32>} : memref<128x64xf32, #tpu.memory_space<vmem>>, vector<16xf32>,
        tpu.vector_store_idx %arg10[%select_n3A, %select_n3A_153, %broadcast_in_dim3A_860], %get3A_863 : memref<8x8x129xf32, #tpu.memory_space<vmem>>[vector<16xi32>, vector<16xi32>, vector<16xi32>], vector<16xf32>,
        tpu.vector_store_idx %arg10[%select_n3A_62, %select_n3A_178, %broadcast_in_dim3A_860], %get3A_866 : memref<8x8x129xf32, #tpu.memory_space<vmem>>[vector<16xi32>, vector<16xi32>, vector<16xi32>], vector<16xf32>,
        tpu.vector_store_idx %arg10[%select_n3A_96, %select_n3A_203, %broadcast_in_dim3A_860], %get3A_869 : memref<8x8x129xf32, #tpu.memory_space<vmem>>[vector<16xi32>, vector<16xi32>, vector<16xi32>], vector<16xf32>,
        tpu.vector_store_idx %arg10[%select_n3A_130, %select_n3A_228, %broadcast_in_dim3A_860], %get3A_872 : memref<8x8x129xf32, #tpu.memory_space<vmem>>[vector<16xi32>, vector<16xi32>, vector<16xi32>], vector<16xf32>,
        %mul3A_890 = arith.constant 16 : i32
        %mul3A_891 = arith.muli %add3A_806, %mul3A_890 : i32
        %add3A_892 = arith.constant 5 : i32
        %add3A_893 = arith.addi %mul3A_891, %add3A_892 : i32
        %broadcast_in_dim3A_894 = vector.broadcast %add3A_893 : i32 to vector<16xi32>
        %get3A_895 = arith.index_cast %add3A_893 : i32 to index
        %get3A_896 = arith.constant 0 : index
        %get3A_897 = tpu.vector_load %arg6[%get3A_895, %get3A_896] {strides = array<i32>} : memref<128x64xf32, #tpu.memory_space<vmem>>, vector<16xf32>,
        %get3A_898 = arith.index_cast %add3A_893 : i32 to index
        %get3A_899 = arith.constant 16 : index
        %get3A_900 = tpu.vector_load %arg6[%get3A_898, %get3A_899] {strides = array<i32>} : memref<128x64xf32, #tpu.memory_space<vmem>>, vector<16xf32>,
        %get3A_901 = arith.index_cast %add3A_893 : i32 to index
        %get3A_902 = arith.constant 32 : index
        %get3A_903 = tpu.vector_load %arg6[%get3A_901, %get3A_902] {strides = array<i32>} : memref<128x64xf32, #tpu.memory_space<vmem>>, vector<16xf32>,
        %get3A_904 = arith.index_cast %add3A_893 : i32 to index
        %get3A_905 = arith.constant 48 : index
        %get3A_906 = tpu.vector_load %arg6[%get3A_904, %get3A_905] {strides = array<i32>} : memref<128x64xf32, #tpu.memory_space<vmem>>, vector<16xf32>,
        tpu.vector_store_idx %arg10[%select_n3A, %select_n3A_153, %broadcast_in_dim3A_877], %get3A_880 : memref<8x8x129xf32, #tpu.memory_space<vmem>>[vector<16xi32>, vector<16xi32>, vector<16xi32>], vector<16xf32>,
        tpu.vector_store_idx %arg10[%select_n3A_62, %select_n3A_178, %broadcast_in_dim3A_877], %get3A_883 : memref<8x8x129xf32, #tpu.memory_space<vmem>>[vector<16xi32>, vector<16xi32>, vector<16xi32>], vector<16xf32>,
        tpu.vector_store_idx %arg10[%select_n3A_96, %select_n3A_203, %broadcast_in_dim3A_877], %get3A_886 : memref<8x8x129xf32, #tpu.memory_space<vmem>>[vector<16xi32>, vector<16xi32>, vector<16xi32>], vector<16xf32>,
        tpu.vector_store_idx %arg10[%select_n3A_130, %select_n3A_228, %broadcast_in_dim3A_877], %get3A_889 : memref<8x8x129xf32, #tpu.memory_space<vmem>>[vector<16xi32>, vector<16xi32>, vector<16xi32>], vector<16xf32>,
        %mul3A_907 = arith.constant 16 : i32
        %mul3A_908 = arith.muli %add3A_806, %mul3A_907 : i32
        %add3A_909 = arith.constant 6 : i32
        %add3A_910 = arith.addi %mul3A_908, %add3A_909 : i32
        %broadcast_in_dim3A_911 = vector.broadcast %add3A_910 : i32 to vector<16xi32>
        %get3A_912 = arith.index_cast %add3A_910 : i32 to index
        %get3A_913 = arith.constant 0 : index
        %get3A_914 = tpu.vector_load %arg6[%get3A_912, %get3A_913] {strides = array<i32>} : memref<128x64xf32, #tpu.memory_space<vmem>>, vector<16xf32>,
        %get3A_915 = arith.index_cast %add3A_910 : i32 to index
        %get3A_916 = arith.constant 16 : index
        %get3A_917 = tpu.vector_load %arg6[%get3A_915, %get3A_916] {strides = array<i32>} : memref<128x64xf32, #tpu.memory_space<vmem>>, vector<16xf32>,
        %get3A_918 = arith.index_cast %add3A_910 : i32 to index
        %get3A_919 = arith.constant 32 : index
        %get3A_920 = tpu.vector_load %arg6[%get3A_918, %get3A_919] {strides = array<i32>} : memref<128x64xf32, #tpu.memory_space<vmem>>, vector<16xf32>,
        %get3A_921 = arith.index_cast %add3A_910 : i32 to index
        %get3A_922 = arith.constant 48 : index
        %get3A_923 = tpu.vector_load %arg6[%get3A_921, %get3A_922] {strides = array<i32>} : memref<128x64xf32, #tpu.memory_space<vmem>>, vector<16xf32>,
        tpu.vector_store_idx %arg10[%select_n3A, %select_n3A_153, %broadcast_in_dim3A_894], %get3A_897 : memref<8x8x129xf32, #tpu.memory_space<vmem>>[vector<16xi32>, vector<16xi32>, vector<16xi32>], vector<16xf32>,
        tpu.vector_store_idx %arg10[%select_n3A_62, %select_n3A_178, %broadcast_in_dim3A_894], %get3A_900 : memref<8x8x129xf32, #tpu.memory_space<vmem>>[vector<16xi32>, vector<16xi32>, vector<16xi32>], vector<16xf32>,
        tpu.vector_store_idx %arg10[%select_n3A_96, %select_n3A_203, %broadcast_in_dim3A_894], %get3A_903 : memref<8x8x129xf32, #tpu.memory_space<vmem>>[vector<16xi32>, vector<16xi32>, vector<16xi32>], vector<16xf32>,
        tpu.vector_store_idx %arg10[%select_n3A_130, %select_n3A_228, %broadcast_in_dim3A_894], %get3A_906 : memref<8x8x129xf32, #tpu.memory_space<vmem>>[vector<16xi32>, vector<16xi32>, vector<16xi32>], vector<16xf32>,
        %mul3A_924 = arith.constant 16 : i32
        %mul3A_925 = arith.muli %add3A_806, %mul3A_924 : i32
        %add3A_926 = arith.constant 7 : i32
        %add3A_927 = arith.addi %mul3A_925, %add3A_926 : i32
        %broadcast_in_dim3A_928 = vector.broadcast %add3A_927 : i32 to vector<16xi32>
        %get3A_929 = arith.index_cast %add3A_927 : i32 to index
        %get3A_930 = arith.constant 0 : index
        %get3A_931 = tpu.vector_load %arg6[%get3A_929, %get3A_930] {strides = array<i32>} : memref<128x64xf32, #tpu.memory_space<vmem>>, vector<16xf32>,
        %get3A_932 = arith.index_cast %add3A_927 : i32 to index
        %get3A_933 = arith.constant 16 : index
        %get3A_934 = tpu.vector_load %arg6[%get3A_932, %get3A_933] {strides = array<i32>} : memref<128x64xf32, #tpu.memory_space<vmem>>, vector<16xf32>,
        %get3A_935 = arith.index_cast %add3A_927 : i32 to index
        %get3A_936 = arith.constant 32 : index
        %get3A_937 = tpu.vector_load %arg6[%get3A_935, %get3A_936] {strides = array<i32>} : memref<128x64xf32, #tpu.memory_space<vmem>>, vector<16xf32>,
        %get3A_938 = arith.index_cast %add3A_927 : i32 to index
        %get3A_939 = arith.constant 48 : index
        %get3A_940 = tpu.vector_load %arg6[%get3A_938, %get3A_939] {strides = array<i32>} : memref<128x64xf32, #tpu.memory_space<vmem>>, vector<16xf32>,
        tpu.vector_store_idx %arg10[%select_n3A, %select_n3A_153, %broadcast_in_dim3A_911], %get3A_914 : memref<8x8x129xf32, #tpu.memory_space<vmem>>[vector<16xi32>, vector<16xi32>, vector<16xi32>], vector<16xf32>,
        tpu.vector_store_idx %arg10[%select_n3A_62, %select_n3A_178, %broadcast_in_dim3A_911], %get3A_917 : memref<8x8x129xf32, #tpu.memory_space<vmem>>[vector<16xi32>, vector<16xi32>, vector<16xi32>], vector<16xf32>,
        tpu.vector_store_idx %arg10[%select_n3A_96, %select_n3A_203, %broadcast_in_dim3A_911], %get3A_920 : memref<8x8x129xf32, #tpu.memory_space<vmem>>[vector<16xi32>, vector<16xi32>, vector<16xi32>], vector<16xf32>,
        tpu.vector_store_idx %arg10[%select_n3A_130, %select_n3A_228, %broadcast_in_dim3A_911], %get3A_923 : memref<8x8x129xf32, #tpu.memory_space<vmem>>[vector<16xi32>, vector<16xi32>, vector<16xi32>], vector<16xf32>,
        %mul3A_941 = arith.constant 16 : i32
        %mul3A_942 = arith.muli %add3A_806, %mul3A_941 : i32
        %add3A_943 = arith.constant 8 : i32
        %add3A_944 = arith.addi %mul3A_942, %add3A_943 : i32
        %broadcast_in_dim3A_945 = vector.broadcast %add3A_944 : i32 to vector<16xi32>
        %get3A_946 = arith.index_cast %add3A_944 : i32 to index
        %get3A_947 = arith.constant 0 : index
        %get3A_948 = tpu.vector_load %arg6[%get3A_946, %get3A_947] {strides = array<i32>} : memref<128x64xf32, #tpu.memory_space<vmem>>, vector<16xf32>,
        %get3A_949 = arith.index_cast %add3A_944 : i32 to index
        %get3A_950 = arith.constant 16 : index
        %get3A_951 = tpu.vector_load %arg6[%get3A_949, %get3A_950] {strides = array<i32>} : memref<128x64xf32, #tpu.memory_space<vmem>>, vector<16xf32>,
        %get3A_952 = arith.index_cast %add3A_944 : i32 to index
        %get3A_953 = arith.constant 32 : index
        %get3A_954 = tpu.vector_load %arg6[%get3A_952, %get3A_953] {strides = array<i32>} : memref<128x64xf32, #tpu.memory_space<vmem>>, vector<16xf32>,
        %get3A_955 = arith.index_cast %add3A_944 : i32 to index
        %get3A_956 = arith.constant 48 : index
        %get3A_957 = tpu.vector_load %arg6[%get3A_955, %get3A_956] {strides = array<i32>} : memref<128x64xf32, #tpu.memory_space<vmem>>, vector<16xf32>,
        tpu.vector_store_idx %arg10[%select_n3A, %select_n3A_153, %broadcast_in_dim3A_928], %get3A_931 : memref<8x8x129xf32, #tpu.memory_space<vmem>>[vector<16xi32>, vector<16xi32>, vector<16xi32>], vector<16xf32>,
        tpu.vector_store_idx %arg10[%select_n3A_62, %select_n3A_178, %broadcast_in_dim3A_928], %get3A_934 : memref<8x8x129xf32, #tpu.memory_space<vmem>>[vector<16xi32>, vector<16xi32>, vector<16xi32>], vector<16xf32>,
        tpu.vector_store_idx %arg10[%select_n3A_96, %select_n3A_203, %broadcast_in_dim3A_928], %get3A_937 : memref<8x8x129xf32, #tpu.memory_space<vmem>>[vector<16xi32>, vector<16xi32>, vector<16xi32>], vector<16xf32>,
        tpu.vector_store_idx %arg10[%select_n3A_130, %select_n3A_228, %broadcast_in_dim3A_928], %get3A_940 : memref<8x8x129xf32, #tpu.memory_space<vmem>>[vector<16xi32>, vector<16xi32>, vector<16xi32>], vector<16xf32>,
        %mul3A_958 = arith.constant 16 : i32
        %mul3A_959 = arith.muli %add3A_806, %mul3A_958 : i32
        %add3A_960 = arith.constant 9 : i32
        %add3A_961 = arith.addi %mul3A_959, %add3A_960 : i32
        %broadcast_in_dim3A_962 = vector.broadcast %add3A_961 : i32 to vector<16xi32>
        %get3A_963 = arith.index_cast %add3A_961 : i32 to index
        %get3A_964 = arith.constant 0 : index
        %get3A_965 = tpu.vector_load %arg6[%get3A_963, %get3A_964] {strides = array<i32>} : memref<128x64xf32, #tpu.memory_space<vmem>>, vector<16xf32>,
        %get3A_966 = arith.index_cast %add3A_961 : i32 to index
        %get3A_967 = arith.constant 16 : index
        %get3A_968 = tpu.vector_load %arg6[%get3A_966, %get3A_967] {strides = array<i32>} : memref<128x64xf32, #tpu.memory_space<vmem>>, vector<16xf32>,
        %get3A_969 = arith.index_cast %add3A_961 : i32 to index
        %get3A_970 = arith.constant 32 : index
        %get3A_971 = tpu.vector_load %arg6[%get3A_969, %get3A_970] {strides = array<i32>} : memref<128x64xf32, #tpu.memory_space<vmem>>, vector<16xf32>,
        %get3A_972 = arith.index_cast %add3A_961 : i32 to index
        %get3A_973 = arith.constant 48 : index
        %get3A_974 = tpu.vector_load %arg6[%get3A_972, %get3A_973] {strides = array<i32>} : memref<128x64xf32, #tpu.memory_space<vmem>>, vector<16xf32>,
        tpu.vector_store_idx %arg10[%select_n3A, %select_n3A_153, %broadcast_in_dim3A_945], %get3A_948 : memref<8x8x129xf32, #tpu.memory_space<vmem>>[vector<16xi32>, vector<16xi32>, vector<16xi32>], vector<16xf32>,
        tpu.vector_store_idx %arg10[%select_n3A_62, %select_n3A_178, %broadcast_in_dim3A_945], %get3A_951 : memref<8x8x129xf32, #tpu.memory_space<vmem>>[vector<16xi32>, vector<16xi32>, vector<16xi32>], vector<16xf32>,
        tpu.vector_store_idx %arg10[%select_n3A_96, %select_n3A_203, %broadcast_in_dim3A_945], %get3A_954 : memref<8x8x129xf32, #tpu.memory_space<vmem>>[vector<16xi32>, vector<16xi32>, vector<16xi32>], vector<16xf32>,
        tpu.vector_store_idx %arg10[%select_n3A_130, %select_n3A_228, %broadcast_in_dim3A_945], %get3A_957 : memref<8x8x129xf32, #tpu.memory_space<vmem>>[vector<16xi32>, vector<16xi32>, vector<16xi32>], vector<16xf32>,
        %mul3A_975 = arith.constant 16 : i32
        %mul3A_976 = arith.muli %add3A_806, %mul3A_975 : i32
        %add3A_977 = arith.constant 10 : i32
        %add3A_978 = arith.addi %mul3A_976, %add3A_977 : i32
        %broadcast_in_dim3A_979 = vector.broadcast %add3A_978 : i32 to vector<16xi32>
        %get3A_980 = arith.index_cast %add3A_978 : i32 to index
        %get3A_981 = arith.constant 0 : index
        %get3A_982 = tpu.vector_load %arg6[%get3A_980, %get3A_981] {strides = array<i32>} : memref<128x64xf32, #tpu.memory_space<vmem>>, vector<16xf32>,
        %get3A_983 = arith.index_cast %add3A_978 : i32 to index
        %get3A_984 = arith.constant 16 : index
        %get3A_985 = tpu.vector_load %arg6[%get3A_983, %get3A_984] {strides = array<i32>} : memref<128x64xf32, #tpu.memory_space<vmem>>, vector<16xf32>,
        %get3A_986 = arith.index_cast %add3A_978 : i32 to index
        %get3A_987 = arith.constant 32 : index
        %get3A_988 = tpu.vector_load %arg6[%get3A_986, %get3A_987] {strides = array<i32>} : memref<128x64xf32, #tpu.memory_space<vmem>>, vector<16xf32>,
        %get3A_989 = arith.index_cast %add3A_978 : i32 to index
        %get3A_990 = arith.constant 48 : index
        %get3A_991 = tpu.vector_load %arg6[%get3A_989, %get3A_990] {strides = array<i32>} : memref<128x64xf32, #tpu.memory_space<vmem>>, vector<16xf32>,
        tpu.vector_store_idx %arg10[%select_n3A, %select_n3A_153, %broadcast_in_dim3A_962], %get3A_965 : memref<8x8x129xf32, #tpu.memory_space<vmem>>[vector<16xi32>, vector<16xi32>, vector<16xi32>], vector<16xf32>,
        tpu.vector_store_idx %arg10[%select_n3A_62, %select_n3A_178, %broadcast_in_dim3A_962], %get3A_968 : memref<8x8x129xf32, #tpu.memory_space<vmem>>[vector<16xi32>, vector<16xi32>, vector<16xi32>], vector<16xf32>,
        tpu.vector_store_idx %arg10[%select_n3A_96, %select_n3A_203, %broadcast_in_dim3A_962], %get3A_971 : memref<8x8x129xf32, #tpu.memory_space<vmem>>[vector<16xi32>, vector<16xi32>, vector<16xi32>], vector<16xf32>,
        tpu.vector_store_idx %arg10[%select_n3A_130, %select_n3A_228, %broadcast_in_dim3A_962], %get3A_974 : memref<8x8x129xf32, #tpu.memory_space<vmem>>[vector<16xi32>, vector<16xi32>, vector<16xi32>], vector<16xf32>,
        %mul3A_992 = arith.constant 16 : i32
        %mul3A_993 = arith.muli %add3A_806, %mul3A_992 : i32
        %add3A_994 = arith.constant 11 : i32
        %add3A_995 = arith.addi %mul3A_993, %add3A_994 : i32
        %broadcast_in_dim3A_996 = vector.broadcast %add3A_995 : i32 to vector<16xi32>
        %get3A_997 = arith.index_cast %add3A_995 : i32 to index
        %get3A_998 = arith.constant 0 : index
        %get3A_999 = tpu.vector_load %arg6[%get3A_997, %get3A_998] {strides = array<i32>} : memref<128x64xf32, #tpu.memory_space<vmem>>, vector<16xf32>,
        %get3A_1000 = arith.index_cast %add3A_995 : i32 to index
        %get3A_1001 = arith.constant 16 : index
        %get3A_1002 = tpu.vector_load %arg6[%get3A_1000, %get3A_1001] {strides = array<i32>} : memref<128x64xf32, #tpu.memory_space<vmem>>, vector<16xf32>,
        %get3A_1003 = arith.index_cast %add3A_995 : i32 to index
        %get3A_1004 = arith.constant 32 : index
        %get3A_1005 = tpu.vector_load %arg6[%get3A_1003, %get3A_1004] {strides = array<i32>} : memref<128x64xf32, #tpu.memory_space<vmem>>, vector<16xf32>,
        %get3A_1006 = arith.index_cast %add3A_995 : i32 to index
        %get3A_1007 = arith.constant 48 : index
        %get3A_1008 = tpu.vector_load %arg6[%get3A_1006, %get3A_1007] {strides = array<i32>} : memref<128x64xf32, #tpu.memory_space<vmem>>, vector<16xf32>,
        tpu.vector_store_idx %arg10[%select_n3A, %select_n3A_153, %broadcast_in_dim3A_979], %get3A_982 : memref<8x8x129xf32, #tpu.memory_space<vmem>>[vector<16xi32>, vector<16xi32>, vector<16xi32>], vector<16xf32>,
        tpu.vector_store_idx %arg10[%select_n3A_62, %select_n3A_178, %broadcast_in_dim3A_979], %get3A_985 : memref<8x8x129xf32, #tpu.memory_space<vmem>>[vector<16xi32>, vector<16xi32>, vector<16xi32>], vector<16xf32>,
        tpu.vector_store_idx %arg10[%select_n3A_96, %select_n3A_203, %broadcast_in_dim3A_979], %get3A_988 : memref<8x8x129xf32, #tpu.memory_space<vmem>>[vector<16xi32>, vector<16xi32>, vector<16xi32>], vector<16xf32>,
        tpu.vector_store_idx %arg10[%select_n3A_130, %select_n3A_228, %broadcast_in_dim3A_979], %get3A_991 : memref<8x8x129xf32, #tpu.memory_space<vmem>>[vector<16xi32>, vector<16xi32>, vector<16xi32>], vector<16xf32>,
        %mul3A_1009 = arith.constant 16 : i32
        %mul3A_1010 = arith.muli %add3A_806, %mul3A_1009 : i32
        %add3A_1011 = arith.constant 12 : i32
        %add3A_1012 = arith.addi %mul3A_1010, %add3A_1011 : i32
        %broadcast_in_dim3A_1013 = vector.broadcast %add3A_1012 : i32 to vector<16xi32>
        %get3A_1014 = arith.index_cast %add3A_1012 : i32 to index
        %get3A_1015 = arith.constant 0 : index
        %get3A_1016 = tpu.vector_load %arg6[%get3A_1014, %get3A_1015] {strides = array<i32>} : memref<128x64xf32, #tpu.memory_space<vmem>>, vector<16xf32>,
        %get3A_1017 = arith.index_cast %add3A_1012 : i32 to index
        %get3A_1018 = arith.constant 16 : index
        %get3A_1019 = tpu.vector_load %arg6[%get3A_1017, %get3A_1018] {strides = array<i32>} : memref<128x64xf32, #tpu.memory_space<vmem>>, vector<16xf32>,
        %get3A_1020 = arith.index_cast %add3A_1012 : i32 to index
        %get3A_1021 = arith.constant 32 : index
        %get3A_1022 = tpu.vector_load %arg6[%get3A_1020, %get3A_1021] {strides = array<i32>} : memref<128x64xf32, #tpu.memory_space<vmem>>, vector<16xf32>,
        %get3A_1023 = arith.index_cast %add3A_1012 : i32 to index
        %get3A_1024 = arith.constant 48 : index
        %get3A_1025 = tpu.vector_load %arg6[%get3A_1023, %get3A_1024] {strides = array<i32>} : memref<128x64xf32, #tpu.memory_space<vmem>>, vector<16xf32>,
        tpu.vector_store_idx %arg10[%select_n3A, %select_n3A_153, %broadcast_in_dim3A_996], %get3A_999 : memref<8x8x129xf32, #tpu.memory_space<vmem>>[vector<16xi32>, vector<16xi32>, vector<16xi32>], vector<16xf32>,
        tpu.vector_store_idx %arg10[%select_n3A_62, %select_n3A_178, %broadcast_in_dim3A_996], %get3A_1002 : memref<8x8x129xf32, #tpu.memory_space<vmem>>[vector<16xi32>, vector<16xi32>, vector<16xi32>], vector<16xf32>,
        tpu.vector_store_idx %arg10[%select_n3A_96, %select_n3A_203, %broadcast_in_dim3A_996], %get3A_1005 : memref<8x8x129xf32, #tpu.memory_space<vmem>>[vector<16xi32>, vector<16xi32>, vector<16xi32>], vector<16xf32>,
        tpu.vector_store_idx %arg10[%select_n3A_130, %select_n3A_228, %broadcast_in_dim3A_996], %get3A_1008 : memref<8x8x129xf32, #tpu.memory_space<vmem>>[vector<16xi32>, vector<16xi32>, vector<16xi32>], vector<16xf32>,
        %mul3A_1026 = arith.constant 16 : i32
        %mul3A_1027 = arith.muli %add3A_806, %mul3A_1026 : i32
        %add3A_1028 = arith.constant 13 : i32
        %add3A_1029 = arith.addi %mul3A_1027, %add3A_1028 : i32
        %broadcast_in_dim3A_1030 = vector.broadcast %add3A_1029 : i32 to vector<16xi32>
        %get3A_1031 = arith.index_cast %add3A_1029 : i32 to index
        %get3A_1032 = arith.constant 0 : index
        %get3A_1033 = tpu.vector_load %arg6[%get3A_1031, %get3A_1032] {strides = array<i32>} : memref<128x64xf32, #tpu.memory_space<vmem>>, vector<16xf32>,
        %get3A_1034 = arith.index_cast %add3A_1029 : i32 to index
        %get3A_1035 = arith.constant 16 : index
        %get3A_1036 = tpu.vector_load %arg6[%get3A_1034, %get3A_1035] {strides = array<i32>} : memref<128x64xf32, #tpu.memory_space<vmem>>, vector<16xf32>,
        %get3A_1037 = arith.index_cast %add3A_1029 : i32 to index
        %get3A_1038 = arith.constant 32 : index
        %get3A_1039 = tpu.vector_load %arg6[%get3A_1037, %get3A_1038] {strides = array<i32>} : memref<128x64xf32, #tpu.memory_space<vmem>>, vector<16xf32>,
        %get3A_1040 = arith.index_cast %add3A_1029 : i32 to index
        %get3A_1041 = arith.constant 48 : index
        %get3A_1042 = tpu.vector_load %arg6[%get3A_1040, %get3A_1041] {strides = array<i32>} : memref<128x64xf32, #tpu.memory_space<vmem>>, vector<16xf32>,
        tpu.vector_store_idx %arg10[%select_n3A, %select_n3A_153, %broadcast_in_dim3A_1013], %get3A_1016 : memref<8x8x129xf32, #tpu.memory_space<vmem>>[vector<16xi32>, vector<16xi32>, vector<16xi32>], vector<16xf32>,
        tpu.vector_store_idx %arg10[%select_n3A_62, %select_n3A_178, %broadcast_in_dim3A_1013], %get3A_1019 : memref<8x8x129xf32, #tpu.memory_space<vmem>>[vector<16xi32>, vector<16xi32>, vector<16xi32>], vector<16xf32>,
        tpu.vector_store_idx %arg10[%select_n3A_96, %select_n3A_203, %broadcast_in_dim3A_1013], %get3A_1022 : memref<8x8x129xf32, #tpu.memory_space<vmem>>[vector<16xi32>, vector<16xi32>, vector<16xi32>], vector<16xf32>,
        tpu.vector_store_idx %arg10[%select_n3A_130, %select_n3A_228, %broadcast_in_dim3A_1013], %get3A_1025 : memref<8x8x129xf32, #tpu.memory_space<vmem>>[vector<16xi32>, vector<16xi32>, vector<16xi32>], vector<16xf32>,
        %mul3A_1043 = arith.constant 16 : i32
        %mul3A_1044 = arith.muli %add3A_806, %mul3A_1043 : i32
        %add3A_1045 = arith.constant 14 : i32
        %add3A_1046 = arith.addi %mul3A_1044, %add3A_1045 : i32
        %broadcast_in_dim3A_1047 = vector.broadcast %add3A_1046 : i32 to vector<16xi32>
        %get3A_1048 = arith.index_cast %add3A_1046 : i32 to index
        %get3A_1049 = arith.constant 0 : index
        %get3A_1050 = tpu.vector_load %arg6[%get3A_1048, %get3A_1049] {strides = array<i32>} : memref<128x64xf32, #tpu.memory_space<vmem>>, vector<16xf32>,
        %get3A_1051 = arith.index_cast %add3A_1046 : i32 to index
        %get3A_1052 = arith.constant 16 : index
        %get3A_1053 = tpu.vector_load %arg6[%get3A_1051, %get3A_1052] {strides = array<i32>} : memref<128x64xf32, #tpu.memory_space<vmem>>, vector<16xf32>,
        %get3A_1054 = arith.index_cast %add3A_1046 : i32 to index
        %get3A_1055 = arith.constant 32 : index
        %get3A_1056 = tpu.vector_load %arg6[%get3A_1054, %get3A_1055] {strides = array<i32>} : memref<128x64xf32, #tpu.memory_space<vmem>>, vector<16xf32>,
        %get3A_1057 = arith.index_cast %add3A_1046 : i32 to index
        %get3A_1058 = arith.constant 48 : index
        %get3A_1059 = tpu.vector_load %arg6[%get3A_1057, %get3A_1058] {strides = array<i32>} : memref<128x64xf32, #tpu.memory_space<vmem>>, vector<16xf32>,
        tpu.vector_store_idx %arg10[%select_n3A, %select_n3A_153, %broadcast_in_dim3A_1030], %get3A_1033 : memref<8x8x129xf32, #tpu.memory_space<vmem>>[vector<16xi32>, vector<16xi32>, vector<16xi32>], vector<16xf32>,
        tpu.vector_store_idx %arg10[%select_n3A_62, %select_n3A_178, %broadcast_in_dim3A_1030], %get3A_1036 : memref<8x8x129xf32, #tpu.memory_space<vmem>>[vector<16xi32>, vector<16xi32>, vector<16xi32>], vector<16xf32>,
        tpu.vector_store_idx %arg10[%select_n3A_96, %select_n3A_203, %broadcast_in_dim3A_1030], %get3A_1039 : memref<8x8x129xf32, #tpu.memory_space<vmem>>[vector<16xi32>, vector<16xi32>, vector<16xi32>], vector<16xf32>,
        tpu.vector_store_idx %arg10[%select_n3A_130, %select_n3A_228, %broadcast_in_dim3A_1030], %get3A_1042 : memref<8x8x129xf32, #tpu.memory_space<vmem>>[vector<16xi32>, vector<16xi32>, vector<16xi32>], vector<16xf32>,
        %mul3A_1060 = arith.constant 16 : i32
        %mul3A_1061 = arith.muli %add3A_806, %mul3A_1060 : i32
        %add3A_1062 = arith.constant 15 : i32
        %add3A_1063 = arith.addi %mul3A_1061, %add3A_1062 : i32
        %broadcast_in_dim3A_1064 = vector.broadcast %add3A_1063 : i32 to vector<16xi32>
        %get3A_1065 = arith.index_cast %add3A_1063 : i32 to index
        %get3A_1066 = arith.constant 0 : index
        %get3A_1067 = tpu.vector_load %arg6[%get3A_1065, %get3A_1066] {strides = array<i32>} : memref<128x64xf32, #tpu.memory_space<vmem>>, vector<16xf32>,
        %get3A_1068 = arith.index_cast %add3A_1063 : i32 to index
        %get3A_1069 = arith.constant 16 : index
        %get3A_1070 = tpu.vector_load %arg6[%get3A_1068, %get3A_1069] {strides = array<i32>} : memref<128x64xf32, #tpu.memory_space<vmem>>, vector<16xf32>,
        %get3A_1071 = arith.index_cast %add3A_1063 : i32 to index
        %get3A_1072 = arith.constant 32 : index
        %get3A_1073 = tpu.vector_load %arg6[%get3A_1071, %get3A_1072] {strides = array<i32>} : memref<128x64xf32, #tpu.memory_space<vmem>>, vector<16xf32>,
        %get3A_1074 = arith.index_cast %add3A_1063 : i32 to index
        %get3A_1075 = arith.constant 48 : index
        %get3A_1076 = tpu.vector_load %arg6[%get3A_1074, %get3A_1075] {strides = array<i32>} : memref<128x64xf32, #tpu.memory_space<vmem>>, vector<16xf32>,
        tpu.vector_store_idx %arg10[%select_n3A, %select_n3A_153, %broadcast_in_dim3A_1047], %get3A_1050 : memref<8x8x129xf32, #tpu.memory_space<vmem>>[vector<16xi32>, vector<16xi32>, vector<16xi32>], vector<16xf32>,
        tpu.vector_store_idx %arg10[%select_n3A_62, %select_n3A_178, %broadcast_in_dim3A_1047], %get3A_1053 : memref<8x8x129xf32, #tpu.memory_space<vmem>>[vector<16xi32>, vector<16xi32>, vector<16xi32>], vector<16xf32>,
        tpu.vector_store_idx %arg10[%select_n3A_96, %select_n3A_203, %broadcast_in_dim3A_1047], %get3A_1056 : memref<8x8x129xf32, #tpu.memory_space<vmem>>[vector<16xi32>, vector<16xi32>, vector<16xi32>], vector<16xf32>,
        tpu.vector_store_idx %arg10[%select_n3A_130, %select_n3A_228, %broadcast_in_dim3A_1047], %get3A_1059 : memref<8x8x129xf32, #tpu.memory_space<vmem>>[vector<16xi32>, vector<16xi32>, vector<16xi32>], vector<16xf32>,
        tpu.vector_store_idx %arg10[%select_n3A, %select_n3A_153, %broadcast_in_dim3A_1064], %get3A_1067 : memref<8x8x129xf32, #tpu.memory_space<vmem>>[vector<16xi32>, vector<16xi32>, vector<16xi32>], vector<16xf32>,
        tpu.vector_store_idx %arg10[%select_n3A_62, %select_n3A_178, %broadcast_in_dim3A_1064], %get3A_1070 : memref<8x8x129xf32, #tpu.memory_space<vmem>>[vector<16xi32>, vector<16xi32>, vector<16xi32>], vector<16xf32>,
        tpu.vector_store_idx %arg10[%select_n3A_96, %select_n3A_203, %broadcast_in_dim3A_1064], %get3A_1073 : memref<8x8x129xf32, #tpu.memory_space<vmem>>[vector<16xi32>, vector<16xi32>, vector<16xi32>], vector<16xf32>,
        tpu.vector_store_idx %arg10[%select_n3A_130, %select_n3A_228, %broadcast_in_dim3A_1064], %get3A_1076 : memref<8x8x129xf32, #tpu.memory_space<vmem>>[vector<16xi32>, vector<16xi32>, vector<16xi32>], vector<16xf32>,
      }
      %scan3A_359 = arith.constant 8 : i32
      %jit3A_360 = arith.constant 4 : i32
      %div3A_361 = arith.divsi %add3A_298, %jit3A_360 : i32
      %sign3A_362 = arith.constant 0 : i32
      %sign3A_363 = arith.cmpi sgt, %add3A_298, %sign3A_362 : i32
      %sign3A_364 = arith.extui %sign3A_363 : i1 to i32
      %sign3A_365 = arith.constant 0 : i32
      %sign3A_366 = arith.cmpi slt, %add3A_298, %sign3A_365 : i32
      %sign3A_367 = arith.extui %sign3A_366 : i1 to i32
      %sign3A_368 = arith.subi %sign3A_364, %sign3A_367 : i32
      %sign3A_369 = arith.constant 0 : i32
      %sign3A_370 = arith.cmpi sgt, %jit3A_360, %sign3A_369 : i32
      %sign3A_371 = arith.extui %sign3A_370 : i1 to i32
      %sign3A_372 = arith.constant 0 : i32
      %sign3A_373 = arith.cmpi slt, %jit3A_360, %sign3A_372 : i32
      %sign3A_374 = arith.extui %sign3A_373 : i1 to i32
      %sign3A_375 = arith.subi %sign3A_371, %sign3A_374 : i32
      %ne3A_376 = arith.cmpi ne, %sign3A_368, %sign3A_375 : i32
      %rem3A_377 = arith.remsi %add3A_298, %jit3A_360 : i32
      %ne3A_378 = arith.constant 0 : i32
      %ne3A_379 = arith.cmpi ne, %rem3A_377, %ne3A_378 : i32
      %and3A_380 = arith.andi %ne3A_376, %ne3A_379 : i1
      %sub3A_381 = arith.constant 1 : i32
      %sub3A_382 = arith.subi %div3A_361, %sub3A_381 : i32
      %select_n3A_383 = arith.select %and3A_380, %sub3A_382, %div3A_361 : i32
      %jit3A_384 = arith.constant 4 : i32
      %eq3A_385 = arith.constant 0 : i32
      %eq3A_386 = arith.cmpi eq, %jit3A_384, %eq3A_385 : i32
      %jit3A_387 = arith.constant 1 : i32
      %select_n3A_388 = arith.select %eq3A_386, %jit3A_387, %jit3A_384 : i32
      %rem3A_389 = arith.remsi %add3A_298, %select_n3A_388 : i32
      %ne3A_390 = arith.constant 0 : i32
      %ne3A_391 = arith.cmpi ne, %rem3A_389, %ne3A_390 : i32
      %lt3A_392 = arith.constant 0 : i32
      %lt3A_393 = arith.cmpi slt, %rem3A_389, %lt3A_392 : i32
      %lt3A_394 = arith.constant 0 : i32
      %lt3A_395 = arith.cmpi slt, %select_n3A_388, %lt3A_394 : i32
      %ne3A_396 = arith.xori %lt3A_393, %lt3A_395 : i1
      %and3A_397 = arith.andi %ne3A_396, %ne3A_391 : i1
      %add3A_398 = arith.addi %rem3A_389, %select_n3A_388 : i32
      %select_n3A_399 = arith.select %and3A_397, %add3A_398, %rem3A_389 : i32
      %mul3A_400 = arith.constant 4 : i32
      %mul3A_401 = arith.muli %add3A, %mul3A_400 : i32
      %add3A_402 = arith.addi %mul3A_401, %select_n3A_399 : i32
      %dma_start3A_403 = arith.constant 0 : i32
      %dma_start3A_404 = arith.constant 0 : i32
      %dma_start3A_405 = arith.constant 0 : i32
      %dma_start3A_406 = tpu.memref_slice %arg10[%dma_start3A_403, %dma_start3A_404, %dma_start3A_405] : memref<8x8x129xf32, #tpu.memory_space<vmem>> -> memref<8x8x128xf32, #tpu.memory_space<vmem>>
      %dma_start3A_407 = arith.constant 0 : i32
      %dma_start3A_408 = arith.constant 0 : i32
      %dma_start3A_409 = arith.constant 0 : i32
      %dma_start3A_410 = tpu.memref_slice %arg4[%select_n3A_383, %dma_start3A_407, %add3A_402, %dma_start3A_408, %dma_start3A_409] : memref<50x8x128x8x128xf32, #tpu.memory_space<hbm>> -> memref<1x8x1x8x128xf32, #tpu.memory_space<hbm>>
      %dma_start3A_411 = tpu.memref_squeeze %dma_start3A_410 : memref<1x8x1x8x128xf32, #tpu.memory_space<hbm>> -> memref<8x8x128xf32, #tpu.memory_space<hbm>>
      %dma_start3A_412 = arith.constant 0 : i32
      %dma_start3A_413 = arith.constant 0 : i32
      %dma_start3A_414 = arith.constant 0 : i32
      %dma_start3A_415 = tpu.memref_slice %arg4[%select_n3A_383, %dma_start3A_412, %add3A_402, %dma_start3A_413, %dma_start3A_414] : memref<50x8x128x8x128xf32, #tpu.memory_space<hbm>> -> memref<1x8x1x8x128xf32, #tpu.memory_space<hbm>>
      %dma_start3A_416 = tpu.memref_squeeze %dma_start3A_415 : memref<1x8x1x8x128xf32, #tpu.memory_space<hbm>> -> memref<8x8x128xf32, #tpu.memory_space<hbm>>
      %dma_start3A_417 = arith.constant 0 : i32
      %dma_start3A_418 = arith.constant 0 : i32
      %dma_start3A_419 = arith.constant 0 : i32
      %dma_start3A_420 = tpu.memref_slice %arg10[%dma_start3A_417, %dma_start3A_418, %dma_start3A_419] : memref<8x8x129xf32, #tpu.memory_space<vmem>> -> memref<8x8x128xf32, #tpu.memory_space<vmem>>
      tpu.enqueue_dma source(%dma_start3A_420 : memref<8x8x128xf32, #tpu.memory_space<vmem>>) target(%dma_start3A_416 : memref<8x8x128xf32, #tpu.memory_space<hbm>>) target_semaphore(%arg16 : memref<!tpu.dma_semaphore, #tpu.memory_space<semaphore_mem>>)
      %add3A_421 = arith.constant 1 : i32
      %add3A_422 = arith.addi %add3A_296, %add3A_421 : i32
      %add3A_423 = arith.constant 3 : i32
      %add3A_424 = arith.addi %add3A_422, %add3A_423 : i32
      %lt3A_425 = arith.constant 200 : i32
      %lt3A_426 = arith.cmpi slt, %add3A_424, %lt3A_425 : i32
      %convert_element_type3A_427 = arith.extui %lt3A_426 : i1 to i32
      %cond3A_428 = arith.constant 0 : i32
      %cond3A_429 = arith.cmpi ne, %convert_element_type3A_427, %cond3A_428 : i32
      scf.if %cond3A_429 {
        %add3A_802 = arith.constant 3 : i32
        %add3A_803 = arith.addi %add3A_422, %add3A_802 : i32
        %jit3A_804 = arith.constant 4 : i32
        %div3A_805 = arith.divsi %add3A_803, %jit3A_804 : i32
        %sign3A_806 = arith.constant 0 : i32
        %sign3A_807 = arith.cmpi sgt, %add3A_803, %sign3A_806 : i32
        %sign3A_808 = arith.extui %sign3A_807 : i1 to i32
        %sign3A_809 = arith.constant 0 : i32
        %sign3A_810 = arith.cmpi slt, %add3A_803, %sign3A_809 : i32
        %sign3A_811 = arith.extui %sign3A_810 : i1 to i32
        %sign3A_812 = arith.subi %sign3A_808, %sign3A_811 : i32
        %sign3A_813 = arith.constant 0 : i32
        %sign3A_814 = arith.cmpi sgt, %jit3A_804, %sign3A_813 : i32
        %sign3A_815 = arith.extui %sign3A_814 : i1 to i32
        %sign3A_816 = arith.constant 0 : i32
        %sign3A_817 = arith.cmpi slt, %jit3A_804, %sign3A_816 : i32
        %sign3A_818 = arith.extui %sign3A_817 : i1 to i32
        %sign3A_819 = arith.subi %sign3A_815, %sign3A_818 : i32
        %ne3A_820 = arith.cmpi ne, %sign3A_812, %sign3A_819 : i32
        %rem3A_821 = arith.remsi %add3A_803, %jit3A_804 : i32
        %ne3A_822 = arith.constant 0 : i32
        %ne3A_823 = arith.cmpi ne, %rem3A_821, %ne3A_822 : i32
        %and3A_824 = arith.andi %ne3A_820, %ne3A_823 : i1
        %sub3A_825 = arith.constant 1 : i32
        %sub3A_826 = arith.subi %div3A_805, %sub3A_825 : i32
        %select_n3A_827 = arith.select %and3A_824, %sub3A_826, %div3A_805 : i32
        %jit3A_828 = arith.constant 4 : i32
        %eq3A_829 = arith.constant 0 : i32
        %eq3A_830 = arith.cmpi eq, %jit3A_828, %eq3A_829 : i32
        %jit3A_831 = arith.constant 1 : i32
        %select_n3A_832 = arith.select %eq3A_830, %jit3A_831, %jit3A_828 : i32
        %rem3A_833 = arith.remsi %add3A_803, %select_n3A_832 : i32
        %ne3A_834 = arith.constant 0 : i32
        %ne3A_835 = arith.cmpi ne, %rem3A_833, %ne3A_834 : i32
        %lt3A_836 = arith.constant 0 : i32
        %lt3A_837 = arith.cmpi slt, %rem3A_833, %lt3A_836 : i32
        %lt3A_838 = arith.constant 0 : i32
        %lt3A_839 = arith.cmpi slt, %select_n3A_832, %lt3A_838 : i32
        %ne3A_840 = arith.xori %lt3A_837, %lt3A_839 : i1
        %and3A_841 = arith.andi %ne3A_840, %ne3A_835 : i1
        %add3A_842 = arith.addi %rem3A_833, %select_n3A_832 : i32
        %select_n3A_843 = arith.select %and3A_841, %add3A_842, %rem3A_833 : i32
        %mul3A_844 = arith.constant 128 : i32
        %mul3A_845 = arith.muli %select_n3A_843, %mul3A_844 : i32
        %dma_start3A_846 = tpu.memref_slice %arg5[%select_n3A_827, %mul3A_845] : memref<50x512xi32, #tpu.memory_space<vmem>> -> memref<1x128xi32, #tpu.memory_space<vmem>>
        %dma_start3A_847 = tpu.memref_squeeze %dma_start3A_846 : memref<1x128xi32, #tpu.memory_space<vmem>> -> memref<128xi32, #tpu.memory_space<vmem>>
        %dma_start3A_848 = arith.constant 0 : i32
        %dma_start3A_849 = arith.constant 0 : i32
        %dma_start3A_850 = tpu.memref_slice %arg3[%dma_start3A_848, %dma_start3A_849] : memref<1000000x64xf32, #tpu.memory_space<hbm>> -> memref<1000000x64xf32, #tpu.memory_space<hbm>>
        tpu.enqueue_indirect_dma source(%dma_start3A_850 : memref<1000000x64xf32, #tpu.memory_space<hbm>>) target(%arg6 : memref<128x64xf32, #tpu.memory_space<vmem>>) offsets(%dma_start3A_847 : memref<128xi32, #tpu.memory_space<vmem>>) semaphore(%arg12 : memref<!tpu.dma_semaphore, #tpu.memory_space<semaphore_mem>>)
      } else {
      }
      %jit3A_430 = arith.constant 4 : i32
      %div3A_431 = arith.divsi %add3A_422, %jit3A_430 : i32
      %sign3A_432 = arith.constant 0 : i32
      %sign3A_433 = arith.cmpi sgt, %add3A_422, %sign3A_432 : i32
      %sign3A_434 = arith.extui %sign3A_433 : i1 to i32
      %sign3A_435 = arith.constant 0 : i32
      %sign3A_436 = arith.cmpi slt, %add3A_422, %sign3A_435 : i32
      %sign3A_437 = arith.extui %sign3A_436 : i1 to i32
      %sign3A_438 = arith.subi %sign3A_434, %sign3A_437 : i32
      %sign3A_439 = arith.constant 0 : i32
      %sign3A_440 = arith.cmpi sgt, %jit3A_430, %sign3A_439 : i32
      %sign3A_441 = arith.extui %sign3A_440 : i1 to i32
      %sign3A_442 = arith.constant 0 : i32
      %sign3A_443 = arith.cmpi slt, %jit3A_430, %sign3A_442 : i32
      %sign3A_444 = arith.extui %sign3A_443 : i1 to i32
      %sign3A_445 = arith.subi %sign3A_441, %sign3A_444 : i32
      %ne3A_446 = arith.cmpi ne, %sign3A_438, %sign3A_445 : i32
      %rem3A_447 = arith.remsi %add3A_422, %jit3A_430 : i32
      %ne3A_448 = arith.constant 0 : i32
      %ne3A_449 = arith.cmpi ne, %rem3A_447, %ne3A_448 : i32
      %and3A_450 = arith.andi %ne3A_446, %ne3A_449 : i1
      %sub3A_451 = arith.constant 1 : i32
      %sub3A_452 = arith.subi %div3A_431, %sub3A_451 : i32
      %select_n3A_453 = arith.select %and3A_450, %sub3A_452, %div3A_431 : i32
      %jit3A_454 = arith.constant 4 : i32
      %eq3A_455 = arith.constant 0 : i32
      %eq3A_456 = arith.cmpi eq, %jit3A_454, %eq3A_455 : i32
      %jit3A_457 = arith.constant 1 : i32
      %select_n3A_458 = arith.select %eq3A_456, %jit3A_457, %jit3A_454 : i32
      %rem3A_459 = arith.remsi %add3A_422, %select_n3A_458 : i32
      %ne3A_460 = arith.constant 0 : i32
      %ne3A_461 = arith.cmpi ne, %rem3A_459, %ne3A_460 : i32
      %lt3A_462 = arith.constant 0 : i32
      %lt3A_463 = arith.cmpi slt, %rem3A_459, %lt3A_462 : i32
      %lt3A_464 = arith.constant 0 : i32
      %lt3A_465 = arith.cmpi slt, %select_n3A_458, %lt3A_464 : i32
      %ne3A_466 = arith.xori %lt3A_463, %lt3A_465 : i1
      %and3A_467 = arith.andi %ne3A_466, %ne3A_461 : i1
      %add3A_468 = arith.addi %rem3A_459, %select_n3A_458 : i32
      %select_n3A_469 = arith.select %and3A_467, %add3A_468, %rem3A_459 : i32
      %mul3A_470 = arith.constant 128 : i32
      %mul3A_471 = arith.muli %select_n3A_469, %mul3A_470 : i32
      %dma_wait3A_472 = tpu.memref_slice %arg5[%select_n3A_453, %mul3A_471] : memref<50x512xi32, #tpu.memory_space<vmem>> -> memref<1x128xi32, #tpu.memory_space<vmem>>
      %dma_wait3A_473 = tpu.memref_squeeze %dma_wait3A_472 : memref<1x128xi32, #tpu.memory_space<vmem>> -> memref<128xi32, #tpu.memory_space<vmem>>
      %dma_wait3A_474 = arith.constant 0 : i32
      %dma_wait3A_475 = arith.constant 0 : i32
      %dma_wait3A_476 = tpu.memref_slice %arg3[%dma_wait3A_474, %dma_wait3A_475] : memref<1000000x64xf32, #tpu.memory_space<hbm>> -> memref<1000000x64xf32, #tpu.memory_space<hbm>>
      tpu.wait_indirect_dma semaphore(%arg13 : memref<!tpu.dma_semaphore, #tpu.memory_space<semaphore_mem>>) src(%dma_wait3A_476 : memref<1000000x64xf32, #tpu.memory_space<hbm>>) dst(%arg7 : memref<128x64xf32, #tpu.memory_space<vmem>>)
      %ge3A_477 = arith.constant 2 : i32
      %ge3A_478 = arith.cmpi sge, %add3A_422, %ge3A_477 : i32
      %convert_element_type3A_479 = arith.extui %ge3A_478 : i1 to i32
      %cond3A_480 = arith.constant 0 : i32
      %cond3A_481 = arith.cmpi ne, %convert_element_type3A_479, %cond3A_480 : i32
      scf.if %cond3A_481 {
        %dma_wait3A_802 = arith.constant 0 : i32
        %dma_wait3A_803 = arith.constant 0 : i32
        %dma_wait3A_804 = arith.constant 0 : i32
        %dma_wait3A_805 = arith.constant 0 : i32
        %dma_wait3A_806 = arith.constant 0 : i32
        %dma_wait3A_807 = tpu.memref_slice %arg11[%dma_wait3A_804, %dma_wait3A_805, %dma_wait3A_806] : memref<8x8x129xf32, #tpu.memory_space<vmem>> -> memref<8x8x128xf32, #tpu.memory_space<vmem>>
        %dma_wait3A_808 = arith.constant 0 : i32
        %dma_wait3A_809 = arith.constant 0 : i32
        %dma_wait3A_810 = arith.constant 0 : i32
        %dma_wait3A_811 = tpu.memref_slice %arg4[%dma_wait3A_802, %dma_wait3A_808, %dma_wait3A_803, %dma_wait3A_809, %dma_wait3A_810] : memref<50x8x128x8x128xf32, #tpu.memory_space<hbm>> -> memref<1x8x1x8x128xf32, #tpu.memory_space<hbm>>
        %dma_wait3A_812 = tpu.memref_squeeze %dma_wait3A_811 : memref<1x8x1x8x128xf32, #tpu.memory_space<hbm>> -> memref<8x8x128xf32, #tpu.memory_space<hbm>>
        %dma_wait3A_813 = arith.constant 0 : i32
        %dma_wait3A_814 = arith.constant 0 : i32
        %dma_wait3A_815 = arith.constant 0 : i32
        %dma_wait3A_816 = tpu.memref_slice %arg11[%dma_wait3A_813, %dma_wait3A_814, %dma_wait3A_815] : memref<8x8x129xf32, #tpu.memory_space<vmem>> -> memref<8x8x128xf32, #tpu.memory_space<vmem>>
        %dma_wait3A_817 = arith.constant 0 : i32
        %dma_wait3A_818 = arith.constant 0 : i32
        %dma_wait3A_819 = arith.constant 0 : i32
        %dma_wait3A_820 = tpu.memref_slice %arg4[%dma_wait3A_802, %dma_wait3A_817, %dma_wait3A_803, %dma_wait3A_818, %dma_wait3A_819] : memref<50x8x128x8x128xf32, #tpu.memory_space<hbm>> -> memref<1x8x1x8x128xf32, #tpu.memory_space<hbm>>
        %dma_wait3A_821 = tpu.memref_squeeze %dma_wait3A_820 : memref<1x8x1x8x128xf32, #tpu.memory_space<hbm>> -> memref<8x8x128xf32, #tpu.memory_space<hbm>>
        tpu.wait_dma2 semaphore(%arg17 : memref<!tpu.dma_semaphore, #tpu.memory_space<semaphore_mem>>) src(%dma_wait3A_821 : memref<8x8x128xf32, #tpu.memory_space<hbm>>) dst(%dma_wait3A_816 : memref<8x8x128xf32, #tpu.memory_space<vmem>>)
      } else {
      }
      %scan3A_482 = arith.constant 0 : i32
      %scan3A_483 = arith.constant 8 : i32
      %scan3A_484 = arith.addi %scan3A_482, %scan3A_483 : i32
      %scan3A_485 = arith.constant 1 : i32
      scf.for %scan3A_802 = %scan3A_482 to %scan3A_484 step %scan3A_485  : i32 {
        %mul3A_803 = arith.constant 1 : i32
        %mul3A_804 = arith.muli %scan3A_802, %mul3A_803 : i32
        %add3A_805 = arith.constant 0 : i32
        %add3A_806 = arith.addi %add3A_805, %mul3A_804 : i32
        %mul3A_807 = arith.constant 16 : i32
        %mul3A_808 = arith.muli %add3A_806, %mul3A_807 : i32
        %add3A_809 = arith.constant 0 : i32
        %add3A_810 = arith.addi %mul3A_808, %add3A_809 : i32
        %broadcast_in_dim3A = vector.broadcast %add3A_810 : i32 to vector<16xi32>
        %get3A = arith.index_cast %add3A_810 : i32 to index
        %get3A_811 = arith.constant 0 : index
        %get3A_812 = tpu.vector_load %arg7[%get3A, %get3A_811] {strides = array<i32>} : memref<128x64xf32, #tpu.memory_space<vmem>>, vector<16xf32>,
        %get3A_813 = arith.index_cast %add3A_810 : i32 to index
        %get3A_814 = arith.constant 16 : index
        %get3A_815 = tpu.vector_load %arg7[%get3A_813, %get3A_814] {strides = array<i32>} : memref<128x64xf32, #tpu.memory_space<vmem>>, vector<16xf32>,
        %get3A_816 = arith.index_cast %add3A_810 : i32 to index
        %get3A_817 = arith.constant 32 : index
        %get3A_818 = tpu.vector_load %arg7[%get3A_816, %get3A_817] {strides = array<i32>} : memref<128x64xf32, #tpu.memory_space<vmem>>, vector<16xf32>,
        %get3A_819 = arith.index_cast %add3A_810 : i32 to index
        %get3A_820 = arith.constant 48 : index
        %get3A_821 = tpu.vector_load %arg7[%get3A_819, %get3A_820] {strides = array<i32>} : memref<128x64xf32, #tpu.memory_space<vmem>>, vector<16xf32>,
        %mul3A_822 = arith.constant 16 : i32
        %mul3A_823 = arith.muli %add3A_806, %mul3A_822 : i32
        %add3A_824 = arith.constant 1 : i32
        %add3A_825 = arith.addi %mul3A_823, %add3A_824 : i32
        %broadcast_in_dim3A_826 = vector.broadcast %add3A_825 : i32 to vector<16xi32>
        %get3A_827 = arith.index_cast %add3A_825 : i32 to index
        %get3A_828 = arith.constant 0 : index
        %get3A_829 = tpu.vector_load %arg7[%get3A_827, %get3A_828] {strides = array<i32>} : memref<128x64xf32, #tpu.memory_space<vmem>>, vector<16xf32>,
        %get3A_830 = arith.index_cast %add3A_825 : i32 to index
        %get3A_831 = arith.constant 16 : index
        %get3A_832 = tpu.vector_load %arg7[%get3A_830, %get3A_831] {strides = array<i32>} : memref<128x64xf32, #tpu.memory_space<vmem>>, vector<16xf32>,
        %get3A_833 = arith.index_cast %add3A_825 : i32 to index
        %get3A_834 = arith.constant 32 : index
        %get3A_835 = tpu.vector_load %arg7[%get3A_833, %get3A_834] {strides = array<i32>} : memref<128x64xf32, #tpu.memory_space<vmem>>, vector<16xf32>,
        %get3A_836 = arith.index_cast %add3A_825 : i32 to index
        %get3A_837 = arith.constant 48 : index
        %get3A_838 = tpu.vector_load %arg7[%get3A_836, %get3A_837] {strides = array<i32>} : memref<128x64xf32, #tpu.memory_space<vmem>>, vector<16xf32>,
        tpu.vector_store_idx %arg11[%select_n3A, %select_n3A_153, %broadcast_in_dim3A], %get3A_812 : memref<8x8x129xf32, #tpu.memory_space<vmem>>[vector<16xi32>, vector<16xi32>, vector<16xi32>], vector<16xf32>,
        tpu.vector_store_idx %arg11[%select_n3A_62, %select_n3A_178, %broadcast_in_dim3A], %get3A_815 : memref<8x8x129xf32, #tpu.memory_space<vmem>>[vector<16xi32>, vector<16xi32>, vector<16xi32>], vector<16xf32>,
        tpu.vector_store_idx %arg11[%select_n3A_96, %select_n3A_203, %broadcast_in_dim3A], %get3A_818 : memref<8x8x129xf32, #tpu.memory_space<vmem>>[vector<16xi32>, vector<16xi32>, vector<16xi32>], vector<16xf32>,
        tpu.vector_store_idx %arg11[%select_n3A_130, %select_n3A_228, %broadcast_in_dim3A], %get3A_821 : memref<8x8x129xf32, #tpu.memory_space<vmem>>[vector<16xi32>, vector<16xi32>, vector<16xi32>], vector<16xf32>,
        %mul3A_839 = arith.constant 16 : i32
        %mul3A_840 = arith.muli %add3A_806, %mul3A_839 : i32
        %add3A_841 = arith.constant 2 : i32
        %add3A_842 = arith.addi %mul3A_840, %add3A_841 : i32
        %broadcast_in_dim3A_843 = vector.broadcast %add3A_842 : i32 to vector<16xi32>
        %get3A_844 = arith.index_cast %add3A_842 : i32 to index
        %get3A_845 = arith.constant 0 : index
        %get3A_846 = tpu.vector_load %arg7[%get3A_844, %get3A_845] {strides = array<i32>} : memref<128x64xf32, #tpu.memory_space<vmem>>, vector<16xf32>,
        %get3A_847 = arith.index_cast %add3A_842 : i32 to index
        %get3A_848 = arith.constant 16 : index
        %get3A_849 = tpu.vector_load %arg7[%get3A_847, %get3A_848] {strides = array<i32>} : memref<128x64xf32, #tpu.memory_space<vmem>>, vector<16xf32>,
        %get3A_850 = arith.index_cast %add3A_842 : i32 to index
        %get3A_851 = arith.constant 32 : index
        %get3A_852 = tpu.vector_load %arg7[%get3A_850, %get3A_851] {strides = array<i32>} : memref<128x64xf32, #tpu.memory_space<vmem>>, vector<16xf32>,
        %get3A_853 = arith.index_cast %add3A_842 : i32 to index
        %get3A_854 = arith.constant 48 : index
        %get3A_855 = tpu.vector_load %arg7[%get3A_853, %get3A_854] {strides = array<i32>} : memref<128x64xf32, #tpu.memory_space<vmem>>, vector<16xf32>,
        tpu.vector_store_idx %arg11[%select_n3A, %select_n3A_153, %broadcast_in_dim3A_826], %get3A_829 : memref<8x8x129xf32, #tpu.memory_space<vmem>>[vector<16xi32>, vector<16xi32>, vector<16xi32>], vector<16xf32>,
        tpu.vector_store_idx %arg11[%select_n3A_62, %select_n3A_178, %broadcast_in_dim3A_826], %get3A_832 : memref<8x8x129xf32, #tpu.memory_space<vmem>>[vector<16xi32>, vector<16xi32>, vector<16xi32>], vector<16xf32>,
        tpu.vector_store_idx %arg11[%select_n3A_96, %select_n3A_203, %broadcast_in_dim3A_826], %get3A_835 : memref<8x8x129xf32, #tpu.memory_space<vmem>>[vector<16xi32>, vector<16xi32>, vector<16xi32>], vector<16xf32>,
        tpu.vector_store_idx %arg11[%select_n3A_130, %select_n3A_228, %broadcast_in_dim3A_826], %get3A_838 : memref<8x8x129xf32, #tpu.memory_space<vmem>>[vector<16xi32>, vector<16xi32>, vector<16xi32>], vector<16xf32>,
        %mul3A_856 = arith.constant 16 : i32
        %mul3A_857 = arith.muli %add3A_806, %mul3A_856 : i32
        %add3A_858 = arith.constant 3 : i32
        %add3A_859 = arith.addi %mul3A_857, %add3A_858 : i32
        %broadcast_in_dim3A_860 = vector.broadcast %add3A_859 : i32 to vector<16xi32>
        %get3A_861 = arith.index_cast %add3A_859 : i32 to index
        %get3A_862 = arith.constant 0 : index
        %get3A_863 = tpu.vector_load %arg7[%get3A_861, %get3A_862] {strides = array<i32>} : memref<128x64xf32, #tpu.memory_space<vmem>>, vector<16xf32>,
        %get3A_864 = arith.index_cast %add3A_859 : i32 to index
        %get3A_865 = arith.constant 16 : index
        %get3A_866 = tpu.vector_load %arg7[%get3A_864, %get3A_865] {strides = array<i32>} : memref<128x64xf32, #tpu.memory_space<vmem>>, vector<16xf32>,
        %get3A_867 = arith.index_cast %add3A_859 : i32 to index
        %get3A_868 = arith.constant 32 : index
        %get3A_869 = tpu.vector_load %arg7[%get3A_867, %get3A_868] {strides = array<i32>} : memref<128x64xf32, #tpu.memory_space<vmem>>, vector<16xf32>,
        %get3A_870 = arith.index_cast %add3A_859 : i32 to index
        %get3A_871 = arith.constant 48 : index
        %get3A_872 = tpu.vector_load %arg7[%get3A_870, %get3A_871] {strides = array<i32>} : memref<128x64xf32, #tpu.memory_space<vmem>>, vector<16xf32>,
        tpu.vector_store_idx %arg11[%select_n3A, %select_n3A_153, %broadcast_in_dim3A_843], %get3A_846 : memref<8x8x129xf32, #tpu.memory_space<vmem>>[vector<16xi32>, vector<16xi32>, vector<16xi32>], vector<16xf32>,
        tpu.vector_store_idx %arg11[%select_n3A_62, %select_n3A_178, %broadcast_in_dim3A_843], %get3A_849 : memref<8x8x129xf32, #tpu.memory_space<vmem>>[vector<16xi32>, vector<16xi32>, vector<16xi32>], vector<16xf32>,
        tpu.vector_store_idx %arg11[%select_n3A_96, %select_n3A_203, %broadcast_in_dim3A_843], %get3A_852 : memref<8x8x129xf32, #tpu.memory_space<vmem>>[vector<16xi32>, vector<16xi32>, vector<16xi32>], vector<16xf32>,
        tpu.vector_store_idx %arg11[%select_n3A_130, %select_n3A_228, %broadcast_in_dim3A_843], %get3A_855 : memref<8x8x129xf32, #tpu.memory_space<vmem>>[vector<16xi32>, vector<16xi32>, vector<16xi32>], vector<16xf32>,
        %mul3A_873 = arith.constant 16 : i32
        %mul3A_874 = arith.muli %add3A_806, %mul3A_873 : i32
        %add3A_875 = arith.constant 4 : i32
        %add3A_876 = arith.addi %mul3A_874, %add3A_875 : i32
        %broadcast_in_dim3A_877 = vector.broadcast %add3A_876 : i32 to vector<16xi32>
        %get3A_878 = arith.index_cast %add3A_876 : i32 to index
        %get3A_879 = arith.constant 0 : index
        %get3A_880 = tpu.vector_load %arg7[%get3A_878, %get3A_879] {strides = array<i32>} : memref<128x64xf32, #tpu.memory_space<vmem>>, vector<16xf32>,
        %get3A_881 = arith.index_cast %add3A_876 : i32 to index
        %get3A_882 = arith.constant 16 : index
        %get3A_883 = tpu.vector_load %arg7[%get3A_881, %get3A_882] {strides = array<i32>} : memref<128x64xf32, #tpu.memory_space<vmem>>, vector<16xf32>,
        %get3A_884 = arith.index_cast %add3A_876 : i32 to index
        %get3A_885 = arith.constant 32 : index
        %get3A_886 = tpu.vector_load %arg7[%get3A_884, %get3A_885] {strides = array<i32>} : memref<128x64xf32, #tpu.memory_space<vmem>>, vector<16xf32>,
        %get3A_887 = arith.index_cast %add3A_876 : i32 to index
        %get3A_888 = arith.constant 48 : index
        %get3A_889 = tpu.vector_load %arg7[%get3A_887, %get3A_888] {strides = array<i32>} : memref<128x64xf32, #tpu.memory_space<vmem>>, vector<16xf32>,
        tpu.vector_store_idx %arg11[%select_n3A, %select_n3A_153, %broadcast_in_dim3A_860], %get3A_863 : memref<8x8x129xf32, #tpu.memory_space<vmem>>[vector<16xi32>, vector<16xi32>, vector<16xi32>], vector<16xf32>,
        tpu.vector_store_idx %arg11[%select_n3A_62, %select_n3A_178, %broadcast_in_dim3A_860], %get3A_866 : memref<8x8x129xf32, #tpu.memory_space<vmem>>[vector<16xi32>, vector<16xi32>, vector<16xi32>], vector<16xf32>,
        tpu.vector_store_idx %arg11[%select_n3A_96, %select_n3A_203, %broadcast_in_dim3A_860], %get3A_869 : memref<8x8x129xf32, #tpu.memory_space<vmem>>[vector<16xi32>, vector<16xi32>, vector<16xi32>], vector<16xf32>,
        tpu.vector_store_idx %arg11[%select_n3A_130, %select_n3A_228, %broadcast_in_dim3A_860], %get3A_872 : memref<8x8x129xf32, #tpu.memory_space<vmem>>[vector<16xi32>, vector<16xi32>, vector<16xi32>], vector<16xf32>,
        %mul3A_890 = arith.constant 16 : i32
        %mul3A_891 = arith.muli %add3A_806, %mul3A_890 : i32
        %add3A_892 = arith.constant 5 : i32
        %add3A_893 = arith.addi %mul3A_891, %add3A_892 : i32
        %broadcast_in_dim3A_894 = vector.broadcast %add3A_893 : i32 to vector<16xi32>
        %get3A_895 = arith.index_cast %add3A_893 : i32 to index
        %get3A_896 = arith.constant 0 : index
        %get3A_897 = tpu.vector_load %arg7[%get3A_895, %get3A_896] {strides = array<i32>} : memref<128x64xf32, #tpu.memory_space<vmem>>, vector<16xf32>,
        %get3A_898 = arith.index_cast %add3A_893 : i32 to index
        %get3A_899 = arith.constant 16 : index
        %get3A_900 = tpu.vector_load %arg7[%get3A_898, %get3A_899] {strides = array<i32>} : memref<128x64xf32, #tpu.memory_space<vmem>>, vector<16xf32>,
        %get3A_901 = arith.index_cast %add3A_893 : i32 to index
        %get3A_902 = arith.constant 32 : index
        %get3A_903 = tpu.vector_load %arg7[%get3A_901, %get3A_902] {strides = array<i32>} : memref<128x64xf32, #tpu.memory_space<vmem>>, vector<16xf32>,
        %get3A_904 = arith.index_cast %add3A_893 : i32 to index
        %get3A_905 = arith.constant 48 : index
        %get3A_906 = tpu.vector_load %arg7[%get3A_904, %get3A_905] {strides = array<i32>} : memref<128x64xf32, #tpu.memory_space<vmem>>, vector<16xf32>,
        tpu.vector_store_idx %arg11[%select_n3A, %select_n3A_153, %broadcast_in_dim3A_877], %get3A_880 : memref<8x8x129xf32, #tpu.memory_space<vmem>>[vector<16xi32>, vector<16xi32>, vector<16xi32>], vector<16xf32>,
        tpu.vector_store_idx %arg11[%select_n3A_62, %select_n3A_178, %broadcast_in_dim3A_877], %get3A_883 : memref<8x8x129xf32, #tpu.memory_space<vmem>>[vector<16xi32>, vector<16xi32>, vector<16xi32>], vector<16xf32>,
        tpu.vector_store_idx %arg11[%select_n3A_96, %select_n3A_203, %broadcast_in_dim3A_877], %get3A_886 : memref<8x8x129xf32, #tpu.memory_space<vmem>>[vector<16xi32>, vector<16xi32>, vector<16xi32>], vector<16xf32>,
        tpu.vector_store_idx %arg11[%select_n3A_130, %select_n3A_228, %broadcast_in_dim3A_877], %get3A_889 : memref<8x8x129xf32, #tpu.memory_space<vmem>>[vector<16xi32>, vector<16xi32>, vector<16xi32>], vector<16xf32>,
        %mul3A_907 = arith.constant 16 : i32
        %mul3A_908 = arith.muli %add3A_806, %mul3A_907 : i32
        %add3A_909 = arith.constant 6 : i32
        %add3A_910 = arith.addi %mul3A_908, %add3A_909 : i32
        %broadcast_in_dim3A_911 = vector.broadcast %add3A_910 : i32 to vector<16xi32>
        %get3A_912 = arith.index_cast %add3A_910 : i32 to index
        %get3A_913 = arith.constant 0 : index
        %get3A_914 = tpu.vector_load %arg7[%get3A_912, %get3A_913] {strides = array<i32>} : memref<128x64xf32, #tpu.memory_space<vmem>>, vector<16xf32>,
        %get3A_915 = arith.index_cast %add3A_910 : i32 to index
        %get3A_916 = arith.constant 16 : index
        %get3A_917 = tpu.vector_load %arg7[%get3A_915, %get3A_916] {strides = array<i32>} : memref<128x64xf32, #tpu.memory_space<vmem>>, vector<16xf32>,
        %get3A_918 = arith.index_cast %add3A_910 : i32 to index
        %get3A_919 = arith.constant 32 : index
        %get3A_920 = tpu.vector_load %arg7[%get3A_918, %get3A_919] {strides = array<i32>} : memref<128x64xf32, #tpu.memory_space<vmem>>, vector<16xf32>,
        %get3A_921 = arith.index_cast %add3A_910 : i32 to index
        %get3A_922 = arith.constant 48 : index
        %get3A_923 = tpu.vector_load %arg7[%get3A_921, %get3A_922] {strides = array<i32>} : memref<128x64xf32, #tpu.memory_space<vmem>>, vector<16xf32>,
        tpu.vector_store_idx %arg11[%select_n3A, %select_n3A_153, %broadcast_in_dim3A_894], %get3A_897 : memref<8x8x129xf32, #tpu.memory_space<vmem>>[vector<16xi32>, vector<16xi32>, vector<16xi32>], vector<16xf32>,
        tpu.vector_store_idx %arg11[%select_n3A_62, %select_n3A_178, %broadcast_in_dim3A_894], %get3A_900 : memref<8x8x129xf32, #tpu.memory_space<vmem>>[vector<16xi32>, vector<16xi32>, vector<16xi32>], vector<16xf32>,
        tpu.vector_store_idx %arg11[%select_n3A_96, %select_n3A_203, %broadcast_in_dim3A_894], %get3A_903 : memref<8x8x129xf32, #tpu.memory_space<vmem>>[vector<16xi32>, vector<16xi32>, vector<16xi32>], vector<16xf32>,
        tpu.vector_store_idx %arg11[%select_n3A_130, %select_n3A_228, %broadcast_in_dim3A_894], %get3A_906 : memref<8x8x129xf32, #tpu.memory_space<vmem>>[vector<16xi32>, vector<16xi32>, vector<16xi32>], vector<16xf32>,
        %mul3A_924 = arith.constant 16 : i32
        %mul3A_925 = arith.muli %add3A_806, %mul3A_924 : i32
        %add3A_926 = arith.constant 7 : i32
        %add3A_927 = arith.addi %mul3A_925, %add3A_926 : i32
        %broadcast_in_dim3A_928 = vector.broadcast %add3A_927 : i32 to vector<16xi32>
        %get3A_929 = arith.index_cast %add3A_927 : i32 to index
        %get3A_930 = arith.constant 0 : index
        %get3A_931 = tpu.vector_load %arg7[%get3A_929, %get3A_930] {strides = array<i32>} : memref<128x64xf32, #tpu.memory_space<vmem>>, vector<16xf32>,
        %get3A_932 = arith.index_cast %add3A_927 : i32 to index
        %get3A_933 = arith.constant 16 : index
        %get3A_934 = tpu.vector_load %arg7[%get3A_932, %get3A_933] {strides = array<i32>} : memref<128x64xf32, #tpu.memory_space<vmem>>, vector<16xf32>,
        %get3A_935 = arith.index_cast %add3A_927 : i32 to index
        %get3A_936 = arith.constant 32 : index
        %get3A_937 = tpu.vector_load %arg7[%get3A_935, %get3A_936] {strides = array<i32>} : memref<128x64xf32, #tpu.memory_space<vmem>>, vector<16xf32>,
        %get3A_938 = arith.index_cast %add3A_927 : i32 to index
        %get3A_939 = arith.constant 48 : index
        %get3A_940 = tpu.vector_load %arg7[%get3A_938, %get3A_939] {strides = array<i32>} : memref<128x64xf32, #tpu.memory_space<vmem>>, vector<16xf32>,
        tpu.vector_store_idx %arg11[%select_n3A, %select_n3A_153, %broadcast_in_dim3A_911], %get3A_914 : memref<8x8x129xf32, #tpu.memory_space<vmem>>[vector<16xi32>, vector<16xi32>, vector<16xi32>], vector<16xf32>,
        tpu.vector_store_idx %arg11[%select_n3A_62, %select_n3A_178, %broadcast_in_dim3A_911], %get3A_917 : memref<8x8x129xf32, #tpu.memory_space<vmem>>[vector<16xi32>, vector<16xi32>, vector<16xi32>], vector<16xf32>,
        tpu.vector_store_idx %arg11[%select_n3A_96, %select_n3A_203, %broadcast_in_dim3A_911], %get3A_920 : memref<8x8x129xf32, #tpu.memory_space<vmem>>[vector<16xi32>, vector<16xi32>, vector<16xi32>], vector<16xf32>,
        tpu.vector_store_idx %arg11[%select_n3A_130, %select_n3A_228, %broadcast_in_dim3A_911], %get3A_923 : memref<8x8x129xf32, #tpu.memory_space<vmem>>[vector<16xi32>, vector<16xi32>, vector<16xi32>], vector<16xf32>,
        %mul3A_941 = arith.constant 16 : i32
        %mul3A_942 = arith.muli %add3A_806, %mul3A_941 : i32
        %add3A_943 = arith.constant 8 : i32
        %add3A_944 = arith.addi %mul3A_942, %add3A_943 : i32
        %broadcast_in_dim3A_945 = vector.broadcast %add3A_944 : i32 to vector<16xi32>
        %get3A_946 = arith.index_cast %add3A_944 : i32 to index
        %get3A_947 = arith.constant 0 : index
        %get3A_948 = tpu.vector_load %arg7[%get3A_946, %get3A_947] {strides = array<i32>} : memref<128x64xf32, #tpu.memory_space<vmem>>, vector<16xf32>,
        %get3A_949 = arith.index_cast %add3A_944 : i32 to index
        %get3A_950 = arith.constant 16 : index
        %get3A_951 = tpu.vector_load %arg7[%get3A_949, %get3A_950] {strides = array<i32>} : memref<128x64xf32, #tpu.memory_space<vmem>>, vector<16xf32>,
        %get3A_952 = arith.index_cast %add3A_944 : i32 to index
        %get3A_953 = arith.constant 32 : index
        %get3A_954 = tpu.vector_load %arg7[%get3A_952, %get3A_953] {strides = array<i32>} : memref<128x64xf32, #tpu.memory_space<vmem>>, vector<16xf32>,
        %get3A_955 = arith.index_cast %add3A_944 : i32 to index
        %get3A_956 = arith.constant 48 : index
        %get3A_957 = tpu.vector_load %arg7[%get3A_955, %get3A_956] {strides = array<i32>} : memref<128x64xf32, #tpu.memory_space<vmem>>, vector<16xf32>,
        tpu.vector_store_idx %arg11[%select_n3A, %select_n3A_153, %broadcast_in_dim3A_928], %get3A_931 : memref<8x8x129xf32, #tpu.memory_space<vmem>>[vector<16xi32>, vector<16xi32>, vector<16xi32>], vector<16xf32>,
        tpu.vector_store_idx %arg11[%select_n3A_62, %select_n3A_178, %broadcast_in_dim3A_928], %get3A_934 : memref<8x8x129xf32, #tpu.memory_space<vmem>>[vector<16xi32>, vector<16xi32>, vector<16xi32>], vector<16xf32>,
        tpu.vector_store_idx %arg11[%select_n3A_96, %select_n3A_203, %broadcast_in_dim3A_928], %get3A_937 : memref<8x8x129xf32, #tpu.memory_space<vmem>>[vector<16xi32>, vector<16xi32>, vector<16xi32>], vector<16xf32>,
        tpu.vector_store_idx %arg11[%select_n3A_130, %select_n3A_228, %broadcast_in_dim3A_928], %get3A_940 : memref<8x8x129xf32, #tpu.memory_space<vmem>>[vector<16xi32>, vector<16xi32>, vector<16xi32>], vector<16xf32>,
        %mul3A_958 = arith.constant 16 : i32
        %mul3A_959 = arith.muli %add3A_806, %mul3A_958 : i32
        %add3A_960 = arith.constant 9 : i32
        %add3A_961 = arith.addi %mul3A_959, %add3A_960 : i32
        %broadcast_in_dim3A_962 = vector.broadcast %add3A_961 : i32 to vector<16xi32>
        %get3A_963 = arith.index_cast %add3A_961 : i32 to index
        %get3A_964 = arith.constant 0 : index
        %get3A_965 = tpu.vector_load %arg7[%get3A_963, %get3A_964] {strides = array<i32>} : memref<128x64xf32, #tpu.memory_space<vmem>>, vector<16xf32>,
        %get3A_966 = arith.index_cast %add3A_961 : i32 to index
        %get3A_967 = arith.constant 16 : index
        %get3A_968 = tpu.vector_load %arg7[%get3A_966, %get3A_967] {strides = array<i32>} : memref<128x64xf32, #tpu.memory_space<vmem>>, vector<16xf32>,
        %get3A_969 = arith.index_cast %add3A_961 : i32 to index
        %get3A_970 = arith.constant 32 : index
        %get3A_971 = tpu.vector_load %arg7[%get3A_969, %get3A_970] {strides = array<i32>} : memref<128x64xf32, #tpu.memory_space<vmem>>, vector<16xf32>,
        %get3A_972 = arith.index_cast %add3A_961 : i32 to index
        %get3A_973 = arith.constant 48 : index
        %get3A_974 = tpu.vector_load %arg7[%get3A_972, %get3A_973] {strides = array<i32>} : memref<128x64xf32, #tpu.memory_space<vmem>>, vector<16xf32>,
        tpu.vector_store_idx %arg11[%select_n3A, %select_n3A_153, %broadcast_in_dim3A_945], %get3A_948 : memref<8x8x129xf32, #tpu.memory_space<vmem>>[vector<16xi32>, vector<16xi32>, vector<16xi32>], vector<16xf32>,
        tpu.vector_store_idx %arg11[%select_n3A_62, %select_n3A_178, %broadcast_in_dim3A_945], %get3A_951 : memref<8x8x129xf32, #tpu.memory_space<vmem>>[vector<16xi32>, vector<16xi32>, vector<16xi32>], vector<16xf32>,
        tpu.vector_store_idx %arg11[%select_n3A_96, %select_n3A_203, %broadcast_in_dim3A_945], %get3A_954 : memref<8x8x129xf32, #tpu.memory_space<vmem>>[vector<16xi32>, vector<16xi32>, vector<16xi32>], vector<16xf32>,
        tpu.vector_store_idx %arg11[%select_n3A_130, %select_n3A_228, %broadcast_in_dim3A_945], %get3A_957 : memref<8x8x129xf32, #tpu.memory_space<vmem>>[vector<16xi32>, vector<16xi32>, vector<16xi32>], vector<16xf32>,
        %mul3A_975 = arith.constant 16 : i32
        %mul3A_976 = arith.muli %add3A_806, %mul3A_975 : i32
        %add3A_977 = arith.constant 10 : i32
        %add3A_978 = arith.addi %mul3A_976, %add3A_977 : i32
        %broadcast_in_dim3A_979 = vector.broadcast %add3A_978 : i32 to vector<16xi32>
        %get3A_980 = arith.index_cast %add3A_978 : i32 to index
        %get3A_981 = arith.constant 0 : index
        %get3A_982 = tpu.vector_load %arg7[%get3A_980, %get3A_981] {strides = array<i32>} : memref<128x64xf32, #tpu.memory_space<vmem>>, vector<16xf32>,
        %get3A_983 = arith.index_cast %add3A_978 : i32 to index
        %get3A_984 = arith.constant 16 : index
        %get3A_985 = tpu.vector_load %arg7[%get3A_983, %get3A_984] {strides = array<i32>} : memref<128x64xf32, #tpu.memory_space<vmem>>, vector<16xf32>,
        %get3A_986 = arith.index_cast %add3A_978 : i32 to index
        %get3A_987 = arith.constant 32 : index
        %get3A_988 = tpu.vector_load %arg7[%get3A_986, %get3A_987] {strides = array<i32>} : memref<128x64xf32, #tpu.memory_space<vmem>>, vector<16xf32>,
        %get3A_989 = arith.index_cast %add3A_978 : i32 to index
        %get3A_990 = arith.constant 48 : index
        %get3A_991 = tpu.vector_load %arg7[%get3A_989, %get3A_990] {strides = array<i32>} : memref<128x64xf32, #tpu.memory_space<vmem>>, vector<16xf32>,
        tpu.vector_store_idx %arg11[%select_n3A, %select_n3A_153, %broadcast_in_dim3A_962], %get3A_965 : memref<8x8x129xf32, #tpu.memory_space<vmem>>[vector<16xi32>, vector<16xi32>, vector<16xi32>], vector<16xf32>,
        tpu.vector_store_idx %arg11[%select_n3A_62, %select_n3A_178, %broadcast_in_dim3A_962], %get3A_968 : memref<8x8x129xf32, #tpu.memory_space<vmem>>[vector<16xi32>, vector<16xi32>, vector<16xi32>], vector<16xf32>,
        tpu.vector_store_idx %arg11[%select_n3A_96, %select_n3A_203, %broadcast_in_dim3A_962], %get3A_971 : memref<8x8x129xf32, #tpu.memory_space<vmem>>[vector<16xi32>, vector<16xi32>, vector<16xi32>], vector<16xf32>,
        tpu.vector_store_idx %arg11[%select_n3A_130, %select_n3A_228, %broadcast_in_dim3A_962], %get3A_974 : memref<8x8x129xf32, #tpu.memory_space<vmem>>[vector<16xi32>, vector<16xi32>, vector<16xi32>], vector<16xf32>,
        %mul3A_992 = arith.constant 16 : i32
        %mul3A_993 = arith.muli %add3A_806, %mul3A_992 : i32
        %add3A_994 = arith.constant 11 : i32
        %add3A_995 = arith.addi %mul3A_993, %add3A_994 : i32
        %broadcast_in_dim3A_996 = vector.broadcast %add3A_995 : i32 to vector<16xi32>
        %get3A_997 = arith.index_cast %add3A_995 : i32 to index
        %get3A_998 = arith.constant 0 : index
        %get3A_999 = tpu.vector_load %arg7[%get3A_997, %get3A_998] {strides = array<i32>} : memref<128x64xf32, #tpu.memory_space<vmem>>, vector<16xf32>,
        %get3A_1000 = arith.index_cast %add3A_995 : i32 to index
        %get3A_1001 = arith.constant 16 : index
        %get3A_1002 = tpu.vector_load %arg7[%get3A_1000, %get3A_1001] {strides = array<i32>} : memref<128x64xf32, #tpu.memory_space<vmem>>, vector<16xf32>,
        %get3A_1003 = arith.index_cast %add3A_995 : i32 to index
        %get3A_1004 = arith.constant 32 : index
        %get3A_1005 = tpu.vector_load %arg7[%get3A_1003, %get3A_1004] {strides = array<i32>} : memref<128x64xf32, #tpu.memory_space<vmem>>, vector<16xf32>,
        %get3A_1006 = arith.index_cast %add3A_995 : i32 to index
        %get3A_1007 = arith.constant 48 : index
        %get3A_1008 = tpu.vector_load %arg7[%get3A_1006, %get3A_1007] {strides = array<i32>} : memref<128x64xf32, #tpu.memory_space<vmem>>, vector<16xf32>,
        tpu.vector_store_idx %arg11[%select_n3A, %select_n3A_153, %broadcast_in_dim3A_979], %get3A_982 : memref<8x8x129xf32, #tpu.memory_space<vmem>>[vector<16xi32>, vector<16xi32>, vector<16xi32>], vector<16xf32>,
        tpu.vector_store_idx %arg11[%select_n3A_62, %select_n3A_178, %broadcast_in_dim3A_979], %get3A_985 : memref<8x8x129xf32, #tpu.memory_space<vmem>>[vector<16xi32>, vector<16xi32>, vector<16xi32>], vector<16xf32>,
        tpu.vector_store_idx %arg11[%select_n3A_96, %select_n3A_203, %broadcast_in_dim3A_979], %get3A_988 : memref<8x8x129xf32, #tpu.memory_space<vmem>>[vector<16xi32>, vector<16xi32>, vector<16xi32>], vector<16xf32>,
        tpu.vector_store_idx %arg11[%select_n3A_130, %select_n3A_228, %broadcast_in_dim3A_979], %get3A_991 : memref<8x8x129xf32, #tpu.memory_space<vmem>>[vector<16xi32>, vector<16xi32>, vector<16xi32>], vector<16xf32>,
        %mul3A_1009 = arith.constant 16 : i32
        %mul3A_1010 = arith.muli %add3A_806, %mul3A_1009 : i32
        %add3A_1011 = arith.constant 12 : i32
        %add3A_1012 = arith.addi %mul3A_1010, %add3A_1011 : i32
        %broadcast_in_dim3A_1013 = vector.broadcast %add3A_1012 : i32 to vector<16xi32>
        %get3A_1014 = arith.index_cast %add3A_1012 : i32 to index
        %get3A_1015 = arith.constant 0 : index
        %get3A_1016 = tpu.vector_load %arg7[%get3A_1014, %get3A_1015] {strides = array<i32>} : memref<128x64xf32, #tpu.memory_space<vmem>>, vector<16xf32>,
        %get3A_1017 = arith.index_cast %add3A_1012 : i32 to index
        %get3A_1018 = arith.constant 16 : index
        %get3A_1019 = tpu.vector_load %arg7[%get3A_1017, %get3A_1018] {strides = array<i32>} : memref<128x64xf32, #tpu.memory_space<vmem>>, vector<16xf32>,
        %get3A_1020 = arith.index_cast %add3A_1012 : i32 to index
        %get3A_1021 = arith.constant 32 : index
        %get3A_1022 = tpu.vector_load %arg7[%get3A_1020, %get3A_1021] {strides = array<i32>} : memref<128x64xf32, #tpu.memory_space<vmem>>, vector<16xf32>,
        %get3A_1023 = arith.index_cast %add3A_1012 : i32 to index
        %get3A_1024 = arith.constant 48 : index
        %get3A_1025 = tpu.vector_load %arg7[%get3A_1023, %get3A_1024] {strides = array<i32>} : memref<128x64xf32, #tpu.memory_space<vmem>>, vector<16xf32>,
        tpu.vector_store_idx %arg11[%select_n3A, %select_n3A_153, %broadcast_in_dim3A_996], %get3A_999 : memref<8x8x129xf32, #tpu.memory_space<vmem>>[vector<16xi32>, vector<16xi32>, vector<16xi32>], vector<16xf32>,
        tpu.vector_store_idx %arg11[%select_n3A_62, %select_n3A_178, %broadcast_in_dim3A_996], %get3A_1002 : memref<8x8x129xf32, #tpu.memory_space<vmem>>[vector<16xi32>, vector<16xi32>, vector<16xi32>], vector<16xf32>,
        tpu.vector_store_idx %arg11[%select_n3A_96, %select_n3A_203, %broadcast_in_dim3A_996], %get3A_1005 : memref<8x8x129xf32, #tpu.memory_space<vmem>>[vector<16xi32>, vector<16xi32>, vector<16xi32>], vector<16xf32>,
        tpu.vector_store_idx %arg11[%select_n3A_130, %select_n3A_228, %broadcast_in_dim3A_996], %get3A_1008 : memref<8x8x129xf32, #tpu.memory_space<vmem>>[vector<16xi32>, vector<16xi32>, vector<16xi32>], vector<16xf32>,
        %mul3A_1026 = arith.constant 16 : i32
        %mul3A_1027 = arith.muli %add3A_806, %mul3A_1026 : i32
        %add3A_1028 = arith.constant 13 : i32
        %add3A_1029 = arith.addi %mul3A_1027, %add3A_1028 : i32
        %broadcast_in_dim3A_1030 = vector.broadcast %add3A_1029 : i32 to vector<16xi32>
        %get3A_1031 = arith.index_cast %add3A_1029 : i32 to index
        %get3A_1032 = arith.constant 0 : index
        %get3A_1033 = tpu.vector_load %arg7[%get3A_1031, %get3A_1032] {strides = array<i32>} : memref<128x64xf32, #tpu.memory_space<vmem>>, vector<16xf32>,
        %get3A_1034 = arith.index_cast %add3A_1029 : i32 to index
        %get3A_1035 = arith.constant 16 : index
        %get3A_1036 = tpu.vector_load %arg7[%get3A_1034, %get3A_1035] {strides = array<i32>} : memref<128x64xf32, #tpu.memory_space<vmem>>, vector<16xf32>,
        %get3A_1037 = arith.index_cast %add3A_1029 : i32 to index
        %get3A_1038 = arith.constant 32 : index
        %get3A_1039 = tpu.vector_load %arg7[%get3A_1037, %get3A_1038] {strides = array<i32>} : memref<128x64xf32, #tpu.memory_space<vmem>>, vector<16xf32>,
        %get3A_1040 = arith.index_cast %add3A_1029 : i32 to index
        %get3A_1041 = arith.constant 48 : index
        %get3A_1042 = tpu.vector_load %arg7[%get3A_1040, %get3A_1041] {strides = array<i32>} : memref<128x64xf32, #tpu.memory_space<vmem>>, vector<16xf32>,
        tpu.vector_store_idx %arg11[%select_n3A, %select_n3A_153, %broadcast_in_dim3A_1013], %get3A_1016 : memref<8x8x129xf32, #tpu.memory_space<vmem>>[vector<16xi32>, vector<16xi32>, vector<16xi32>], vector<16xf32>,
        tpu.vector_store_idx %arg11[%select_n3A_62, %select_n3A_178, %broadcast_in_dim3A_1013], %get3A_1019 : memref<8x8x129xf32, #tpu.memory_space<vmem>>[vector<16xi32>, vector<16xi32>, vector<16xi32>], vector<16xf32>,
        tpu.vector_store_idx %arg11[%select_n3A_96, %select_n3A_203, %broadcast_in_dim3A_1013], %get3A_1022 : memref<8x8x129xf32, #tpu.memory_space<vmem>>[vector<16xi32>, vector<16xi32>, vector<16xi32>], vector<16xf32>,
        tpu.vector_store_idx %arg11[%select_n3A_130, %select_n3A_228, %broadcast_in_dim3A_1013], %get3A_1025 : memref<8x8x129xf32, #tpu.memory_space<vmem>>[vector<16xi32>, vector<16xi32>, vector<16xi32>], vector<16xf32>,
        %mul3A_1043 = arith.constant 16 : i32
        %mul3A_1044 = arith.muli %add3A_806, %mul3A_1043 : i32
        %add3A_1045 = arith.constant 14 : i32
        %add3A_1046 = arith.addi %mul3A_1044, %add3A_1045 : i32
        %broadcast_in_dim3A_1047 = vector.broadcast %add3A_1046 : i32 to vector<16xi32>
        %get3A_1048 = arith.index_cast %add3A_1046 : i32 to index
        %get3A_1049 = arith.constant 0 : index
        %get3A_1050 = tpu.vector_load %arg7[%get3A_1048, %get3A_1049] {strides = array<i32>} : memref<128x64xf32, #tpu.memory_space<vmem>>, vector<16xf32>,
        %get3A_1051 = arith.index_cast %add3A_1046 : i32 to index
        %get3A_1052 = arith.constant 16 : index
        %get3A_1053 = tpu.vector_load %arg7[%get3A_1051, %get3A_1052] {strides = array<i32>} : memref<128x64xf32, #tpu.memory_space<vmem>>, vector<16xf32>,
        %get3A_1054 = arith.index_cast %add3A_1046 : i32 to index
        %get3A_1055 = arith.constant 32 : index
        %get3A_1056 = tpu.vector_load %arg7[%get3A_1054, %get3A_1055] {strides = array<i32>} : memref<128x64xf32, #tpu.memory_space<vmem>>, vector<16xf32>,
        %get3A_1057 = arith.index_cast %add3A_1046 : i32 to index
        %get3A_1058 = arith.constant 48 : index
        %get3A_1059 = tpu.vector_load %arg7[%get3A_1057, %get3A_1058] {strides = array<i32>} : memref<128x64xf32, #tpu.memory_space<vmem>>, vector<16xf32>,
        tpu.vector_store_idx %arg11[%select_n3A, %select_n3A_153, %broadcast_in_dim3A_1030], %get3A_1033 : memref<8x8x129xf32, #tpu.memory_space<vmem>>[vector<16xi32>, vector<16xi32>, vector<16xi32>], vector<16xf32>,
        tpu.vector_store_idx %arg11[%select_n3A_62, %select_n3A_178, %broadcast_in_dim3A_1030], %get3A_1036 : memref<8x8x129xf32, #tpu.memory_space<vmem>>[vector<16xi32>, vector<16xi32>, vector<16xi32>], vector<16xf32>,
        tpu.vector_store_idx %arg11[%select_n3A_96, %select_n3A_203, %broadcast_in_dim3A_1030], %get3A_1039 : memref<8x8x129xf32, #tpu.memory_space<vmem>>[vector<16xi32>, vector<16xi32>, vector<16xi32>], vector<16xf32>,
        tpu.vector_store_idx %arg11[%select_n3A_130, %select_n3A_228, %broadcast_in_dim3A_1030], %get3A_1042 : memref<8x8x129xf32, #tpu.memory_space<vmem>>[vector<16xi32>, vector<16xi32>, vector<16xi32>], vector<16xf32>,
        %mul3A_1060 = arith.constant 16 : i32
        %mul3A_1061 = arith.muli %add3A_806, %mul3A_1060 : i32
        %add3A_1062 = arith.constant 15 : i32
        %add3A_1063 = arith.addi %mul3A_1061, %add3A_1062 : i32
        %broadcast_in_dim3A_1064 = vector.broadcast %add3A_1063 : i32 to vector<16xi32>
        %get3A_1065 = arith.index_cast %add3A_1063 : i32 to index
        %get3A_1066 = arith.constant 0 : index
        %get3A_1067 = tpu.vector_load %arg7[%get3A_1065, %get3A_1066] {strides = array<i32>} : memref<128x64xf32, #tpu.memory_space<vmem>>, vector<16xf32>,
        %get3A_1068 = arith.index_cast %add3A_1063 : i32 to index
        %get3A_1069 = arith.constant 16 : index
        %get3A_1070 = tpu.vector_load %arg7[%get3A_1068, %get3A_1069] {strides = array<i32>} : memref<128x64xf32, #tpu.memory_space<vmem>>, vector<16xf32>,
        %get3A_1071 = arith.index_cast %add3A_1063 : i32 to index
        %get3A_1072 = arith.constant 32 : index
        %get3A_1073 = tpu.vector_load %arg7[%get3A_1071, %get3A_1072] {strides = array<i32>} : memref<128x64xf32, #tpu.memory_space<vmem>>, vector<16xf32>,
        %get3A_1074 = arith.index_cast %add3A_1063 : i32 to index
        %get3A_1075 = arith.constant 48 : index
        %get3A_1076 = tpu.vector_load %arg7[%get3A_1074, %get3A_1075] {strides = array<i32>} : memref<128x64xf32, #tpu.memory_space<vmem>>, vector<16xf32>,
        tpu.vector_store_idx %arg11[%select_n3A, %select_n3A_153, %broadcast_in_dim3A_1047], %get3A_1050 : memref<8x8x129xf32, #tpu.memory_space<vmem>>[vector<16xi32>, vector<16xi32>, vector<16xi32>], vector<16xf32>,
        tpu.vector_store_idx %arg11[%select_n3A_62, %select_n3A_178, %broadcast_in_dim3A_1047], %get3A_1053 : memref<8x8x129xf32, #tpu.memory_space<vmem>>[vector<16xi32>, vector<16xi32>, vector<16xi32>], vector<16xf32>,
        tpu.vector_store_idx %arg11[%select_n3A_96, %select_n3A_203, %broadcast_in_dim3A_1047], %get3A_1056 : memref<8x8x129xf32, #tpu.memory_space<vmem>>[vector<16xi32>, vector<16xi32>, vector<16xi32>], vector<16xf32>,
        tpu.vector_store_idx %arg11[%select_n3A_130, %select_n3A_228, %broadcast_in_dim3A_1047], %get3A_1059 : memref<8x8x129xf32, #tpu.memory_space<vmem>>[vector<16xi32>, vector<16xi32>, vector<16xi32>], vector<16xf32>,
        tpu.vector_store_idx %arg11[%select_n3A, %select_n3A_153, %broadcast_in_dim3A_1064], %get3A_1067 : memref<8x8x129xf32, #tpu.memory_space<vmem>>[vector<16xi32>, vector<16xi32>, vector<16xi32>], vector<16xf32>,
        tpu.vector_store_idx %arg11[%select_n3A_62, %select_n3A_178, %broadcast_in_dim3A_1064], %get3A_1070 : memref<8x8x129xf32, #tpu.memory_space<vmem>>[vector<16xi32>, vector<16xi32>, vector<16xi32>], vector<16xf32>,
        tpu.vector_store_idx %arg11[%select_n3A_96, %select_n3A_203, %broadcast_in_dim3A_1064], %get3A_1073 : memref<8x8x129xf32, #tpu.memory_space<vmem>>[vector<16xi32>, vector<16xi32>, vector<16xi32>], vector<16xf32>,
        tpu.vector_store_idx %arg11[%select_n3A_130, %select_n3A_228, %broadcast_in_dim3A_1064], %get3A_1076 : memref<8x8x129xf32, #tpu.memory_space<vmem>>[vector<16xi32>, vector<16xi32>, vector<16xi32>], vector<16xf32>,
      }
      %scan3A_486 = arith.constant 8 : i32
      %jit3A_487 = arith.constant 4 : i32
      %div3A_488 = arith.divsi %add3A_422, %jit3A_487 : i32
      %sign3A_489 = arith.constant 0 : i32
      %sign3A_490 = arith.cmpi sgt, %add3A_422, %sign3A_489 : i32
      %sign3A_491 = arith.extui %sign3A_490 : i1 to i32
      %sign3A_492 = arith.constant 0 : i32
      %sign3A_493 = arith.cmpi slt, %add3A_422, %sign3A_492 : i32
      %sign3A_494 = arith.extui %sign3A_493 : i1 to i32
      %sign3A_495 = arith.subi %sign3A_491, %sign3A_494 : i32
      %sign3A_496 = arith.constant 0 : i32
      %sign3A_497 = arith.cmpi sgt, %jit3A_487, %sign3A_496 : i32
      %sign3A_498 = arith.extui %sign3A_497 : i1 to i32
      %sign3A_499 = arith.constant 0 : i32
      %sign3A_500 = arith.cmpi slt, %jit3A_487, %sign3A_499 : i32
      %sign3A_501 = arith.extui %sign3A_500 : i1 to i32
      %sign3A_502 = arith.subi %sign3A_498, %sign3A_501 : i32
      %ne3A_503 = arith.cmpi ne, %sign3A_495, %sign3A_502 : i32
      %rem3A_504 = arith.remsi %add3A_422, %jit3A_487 : i32
      %ne3A_505 = arith.constant 0 : i32
      %ne3A_506 = arith.cmpi ne, %rem3A_504, %ne3A_505 : i32
      %and3A_507 = arith.andi %ne3A_503, %ne3A_506 : i1
      %sub3A_508 = arith.constant 1 : i32
      %sub3A_509 = arith.subi %div3A_488, %sub3A_508 : i32
      %select_n3A_510 = arith.select %and3A_507, %sub3A_509, %div3A_488 : i32
      %jit3A_511 = arith.constant 4 : i32
      %eq3A_512 = arith.constant 0 : i32
      %eq3A_513 = arith.cmpi eq, %jit3A_511, %eq3A_512 : i32
      %jit3A_514 = arith.constant 1 : i32
      %select_n3A_515 = arith.select %eq3A_513, %jit3A_514, %jit3A_511 : i32
      %rem3A_516 = arith.remsi %add3A_422, %select_n3A_515 : i32
      %ne3A_517 = arith.constant 0 : i32
      %ne3A_518 = arith.cmpi ne, %rem3A_516, %ne3A_517 : i32
      %lt3A_519 = arith.constant 0 : i32
      %lt3A_520 = arith.cmpi slt, %rem3A_516, %lt3A_519 : i32
      %lt3A_521 = arith.constant 0 : i32
      %lt3A_522 = arith.cmpi slt, %select_n3A_515, %lt3A_521 : i32
      %ne3A_523 = arith.xori %lt3A_520, %lt3A_522 : i1
      %and3A_524 = arith.andi %ne3A_523, %ne3A_518 : i1
      %add3A_525 = arith.addi %rem3A_516, %select_n3A_515 : i32
      %select_n3A_526 = arith.select %and3A_524, %add3A_525, %rem3A_516 : i32
      %mul3A_527 = arith.constant 4 : i32
      %mul3A_528 = arith.muli %add3A, %mul3A_527 : i32
      %add3A_529 = arith.addi %mul3A_528, %select_n3A_526 : i32
      %dma_start3A_530 = arith.constant 0 : i32
      %dma_start3A_531 = arith.constant 0 : i32
      %dma_start3A_532 = arith.constant 0 : i32
      %dma_start3A_533 = tpu.memref_slice %arg11[%dma_start3A_530, %dma_start3A_531, %dma_start3A_532] : memref<8x8x129xf32, #tpu.memory_space<vmem>> -> memref<8x8x128xf32, #tpu.memory_space<vmem>>
      %dma_start3A_534 = arith.constant 0 : i32
      %dma_start3A_535 = arith.constant 0 : i32
      %dma_start3A_536 = arith.constant 0 : i32
      %dma_start3A_537 = tpu.memref_slice %arg4[%select_n3A_510, %dma_start3A_534, %add3A_529, %dma_start3A_535, %dma_start3A_536] : memref<50x8x128x8x128xf32, #tpu.memory_space<hbm>> -> memref<1x8x1x8x128xf32, #tpu.memory_space<hbm>>
      %dma_start3A_538 = tpu.memref_squeeze %dma_start3A_537 : memref<1x8x1x8x128xf32, #tpu.memory_space<hbm>> -> memref<8x8x128xf32, #tpu.memory_space<hbm>>
      %dma_start3A_539 = arith.constant 0 : i32
      %dma_start3A_540 = arith.constant 0 : i32
      %dma_start3A_541 = arith.constant 0 : i32
      %dma_start3A_542 = tpu.memref_slice %arg4[%select_n3A_510, %dma_start3A_539, %add3A_529, %dma_start3A_540, %dma_start3A_541] : memref<50x8x128x8x128xf32, #tpu.memory_space<hbm>> -> memref<1x8x1x8x128xf32, #tpu.memory_space<hbm>>
      %dma_start3A_543 = tpu.memref_squeeze %dma_start3A_542 : memref<1x8x1x8x128xf32, #tpu.memory_space<hbm>> -> memref<8x8x128xf32, #tpu.memory_space<hbm>>
      %dma_start3A_544 = arith.constant 0 : i32
      %dma_start3A_545 = arith.constant 0 : i32
      %dma_start3A_546 = arith.constant 0 : i32
      %dma_start3A_547 = tpu.memref_slice %arg11[%dma_start3A_544, %dma_start3A_545, %dma_start3A_546] : memref<8x8x129xf32, #tpu.memory_space<vmem>> -> memref<8x8x128xf32, #tpu.memory_space<vmem>>
      tpu.enqueue_dma source(%dma_start3A_547 : memref<8x8x128xf32, #tpu.memory_space<vmem>>) target(%dma_start3A_543 : memref<8x8x128xf32, #tpu.memory_space<hbm>>) target_semaphore(%arg17 : memref<!tpu.dma_semaphore, #tpu.memory_space<semaphore_mem>>)
      %add3A_548 = arith.constant 2 : i32
      %add3A_549 = arith.addi %add3A_296, %add3A_548 : i32
      %add3A_550 = arith.constant 3 : i32
      %add3A_551 = arith.addi %add3A_549, %add3A_550 : i32
      %lt3A_552 = arith.constant 200 : i32
      %lt3A_553 = arith.cmpi slt, %add3A_551, %lt3A_552 : i32
      %convert_element_type3A_554 = arith.extui %lt3A_553 : i1 to i32
      %cond3A_555 = arith.constant 0 : i32
      %cond3A_556 = arith.cmpi ne, %convert_element_type3A_554, %cond3A_555 : i32
      scf.if %cond3A_556 {
        %add3A_802 = arith.constant 3 : i32
        %add3A_803 = arith.addi %add3A_549, %add3A_802 : i32
        %jit3A_804 = arith.constant 4 : i32
        %div3A_805 = arith.divsi %add3A_803, %jit3A_804 : i32
        %sign3A_806 = arith.constant 0 : i32
        %sign3A_807 = arith.cmpi sgt, %add3A_803, %sign3A_806 : i32
        %sign3A_808 = arith.extui %sign3A_807 : i1 to i32
        %sign3A_809 = arith.constant 0 : i32
        %sign3A_810 = arith.cmpi slt, %add3A_803, %sign3A_809 : i32
        %sign3A_811 = arith.extui %sign3A_810 : i1 to i32
        %sign3A_812 = arith.subi %sign3A_808, %sign3A_811 : i32
        %sign3A_813 = arith.constant 0 : i32
        %sign3A_814 = arith.cmpi sgt, %jit3A_804, %sign3A_813 : i32
        %sign3A_815 = arith.extui %sign3A_814 : i1 to i32
        %sign3A_816 = arith.constant 0 : i32
        %sign3A_817 = arith.cmpi slt, %jit3A_804, %sign3A_816 : i32
        %sign3A_818 = arith.extui %sign3A_817 : i1 to i32
        %sign3A_819 = arith.subi %sign3A_815, %sign3A_818 : i32
        %ne3A_820 = arith.cmpi ne, %sign3A_812, %sign3A_819 : i32
        %rem3A_821 = arith.remsi %add3A_803, %jit3A_804 : i32
        %ne3A_822 = arith.constant 0 : i32
        %ne3A_823 = arith.cmpi ne, %rem3A_821, %ne3A_822 : i32
        %and3A_824 = arith.andi %ne3A_820, %ne3A_823 : i1
        %sub3A_825 = arith.constant 1 : i32
        %sub3A_826 = arith.subi %div3A_805, %sub3A_825 : i32
        %select_n3A_827 = arith.select %and3A_824, %sub3A_826, %div3A_805 : i32
        %jit3A_828 = arith.constant 4 : i32
        %eq3A_829 = arith.constant 0 : i32
        %eq3A_830 = arith.cmpi eq, %jit3A_828, %eq3A_829 : i32
        %jit3A_831 = arith.constant 1 : i32
        %select_n3A_832 = arith.select %eq3A_830, %jit3A_831, %jit3A_828 : i32
        %rem3A_833 = arith.remsi %add3A_803, %select_n3A_832 : i32
        %ne3A_834 = arith.constant 0 : i32
        %ne3A_835 = arith.cmpi ne, %rem3A_833, %ne3A_834 : i32
        %lt3A_836 = arith.constant 0 : i32
        %lt3A_837 = arith.cmpi slt, %rem3A_833, %lt3A_836 : i32
        %lt3A_838 = arith.constant 0 : i32
        %lt3A_839 = arith.cmpi slt, %select_n3A_832, %lt3A_838 : i32
        %ne3A_840 = arith.xori %lt3A_837, %lt3A_839 : i1
        %and3A_841 = arith.andi %ne3A_840, %ne3A_835 : i1
        %add3A_842 = arith.addi %rem3A_833, %select_n3A_832 : i32
        %select_n3A_843 = arith.select %and3A_841, %add3A_842, %rem3A_833 : i32
        %mul3A_844 = arith.constant 128 : i32
        %mul3A_845 = arith.muli %select_n3A_843, %mul3A_844 : i32
        %dma_start3A_846 = tpu.memref_slice %arg5[%select_n3A_827, %mul3A_845] : memref<50x512xi32, #tpu.memory_space<vmem>> -> memref<1x128xi32, #tpu.memory_space<vmem>>
        %dma_start3A_847 = tpu.memref_squeeze %dma_start3A_846 : memref<1x128xi32, #tpu.memory_space<vmem>> -> memref<128xi32, #tpu.memory_space<vmem>>
        %dma_start3A_848 = arith.constant 0 : i32
        %dma_start3A_849 = arith.constant 0 : i32
        %dma_start3A_850 = tpu.memref_slice %arg3[%dma_start3A_848, %dma_start3A_849] : memref<1000000x64xf32, #tpu.memory_space<hbm>> -> memref<1000000x64xf32, #tpu.memory_space<hbm>>
        tpu.enqueue_indirect_dma source(%dma_start3A_850 : memref<1000000x64xf32, #tpu.memory_space<hbm>>) target(%arg7 : memref<128x64xf32, #tpu.memory_space<vmem>>) offsets(%dma_start3A_847 : memref<128xi32, #tpu.memory_space<vmem>>) semaphore(%arg13 : memref<!tpu.dma_semaphore, #tpu.memory_space<semaphore_mem>>)
      } else {
      }
      %jit3A_557 = arith.constant 4 : i32
      %div3A_558 = arith.divsi %add3A_549, %jit3A_557 : i32
      %sign3A_559 = arith.constant 0 : i32
      %sign3A_560 = arith.cmpi sgt, %add3A_549, %sign3A_559 : i32
      %sign3A_561 = arith.extui %sign3A_560 : i1 to i32
      %sign3A_562 = arith.constant 0 : i32
      %sign3A_563 = arith.cmpi slt, %add3A_549, %sign3A_562 : i32
      %sign3A_564 = arith.extui %sign3A_563 : i1 to i32
      %sign3A_565 = arith.subi %sign3A_561, %sign3A_564 : i32
      %sign3A_566 = arith.constant 0 : i32
      %sign3A_567 = arith.cmpi sgt, %jit3A_557, %sign3A_566 : i32
      %sign3A_568 = arith.extui %sign3A_567 : i1 to i32
      %sign3A_569 = arith.constant 0 : i32
      %sign3A_570 = arith.cmpi slt, %jit3A_557, %sign3A_569 : i32
      %sign3A_571 = arith.extui %sign3A_570 : i1 to i32
      %sign3A_572 = arith.subi %sign3A_568, %sign3A_571 : i32
      %ne3A_573 = arith.cmpi ne, %sign3A_565, %sign3A_572 : i32
      %rem3A_574 = arith.remsi %add3A_549, %jit3A_557 : i32
      %ne3A_575 = arith.constant 0 : i32
      %ne3A_576 = arith.cmpi ne, %rem3A_574, %ne3A_575 : i32
      %and3A_577 = arith.andi %ne3A_573, %ne3A_576 : i1
      %sub3A_578 = arith.constant 1 : i32
      %sub3A_579 = arith.subi %div3A_558, %sub3A_578 : i32
      %select_n3A_580 = arith.select %and3A_577, %sub3A_579, %div3A_558 : i32
      %jit3A_581 = arith.constant 4 : i32
      %eq3A_582 = arith.constant 0 : i32
      %eq3A_583 = arith.cmpi eq, %jit3A_581, %eq3A_582 : i32
      %jit3A_584 = arith.constant 1 : i32
      %select_n3A_585 = arith.select %eq3A_583, %jit3A_584, %jit3A_581 : i32
      %rem3A_586 = arith.remsi %add3A_549, %select_n3A_585 : i32
      %ne3A_587 = arith.constant 0 : i32
      %ne3A_588 = arith.cmpi ne, %rem3A_586, %ne3A_587 : i32
      %lt3A_589 = arith.constant 0 : i32
      %lt3A_590 = arith.cmpi slt, %rem3A_586, %lt3A_589 : i32
      %lt3A_591 = arith.constant 0 : i32
      %lt3A_592 = arith.cmpi slt, %select_n3A_585, %lt3A_591 : i32
      %ne3A_593 = arith.xori %lt3A_590, %lt3A_592 : i1
      %and3A_594 = arith.andi %ne3A_593, %ne3A_588 : i1
      %add3A_595 = arith.addi %rem3A_586, %select_n3A_585 : i32
      %select_n3A_596 = arith.select %and3A_594, %add3A_595, %rem3A_586 : i32
      %mul3A_597 = arith.constant 128 : i32
      %mul3A_598 = arith.muli %select_n3A_596, %mul3A_597 : i32
      %dma_wait3A_599 = tpu.memref_slice %arg5[%select_n3A_580, %mul3A_598] : memref<50x512xi32, #tpu.memory_space<vmem>> -> memref<1x128xi32, #tpu.memory_space<vmem>>
      %dma_wait3A_600 = tpu.memref_squeeze %dma_wait3A_599 : memref<1x128xi32, #tpu.memory_space<vmem>> -> memref<128xi32, #tpu.memory_space<vmem>>
      %dma_wait3A_601 = arith.constant 0 : i32
      %dma_wait3A_602 = arith.constant 0 : i32
      %dma_wait3A_603 = tpu.memref_slice %arg3[%dma_wait3A_601, %dma_wait3A_602] : memref<1000000x64xf32, #tpu.memory_space<hbm>> -> memref<1000000x64xf32, #tpu.memory_space<hbm>>
      tpu.wait_indirect_dma semaphore(%arg14 : memref<!tpu.dma_semaphore, #tpu.memory_space<semaphore_mem>>) src(%dma_wait3A_603 : memref<1000000x64xf32, #tpu.memory_space<hbm>>) dst(%arg8 : memref<128x64xf32, #tpu.memory_space<vmem>>)
      %ge3A_604 = arith.constant 2 : i32
      %ge3A_605 = arith.cmpi sge, %add3A_549, %ge3A_604 : i32
      %convert_element_type3A_606 = arith.extui %ge3A_605 : i1 to i32
      %cond3A_607 = arith.constant 0 : i32
      %cond3A_608 = arith.cmpi ne, %convert_element_type3A_606, %cond3A_607 : i32
      scf.if %cond3A_608 {
        %dma_wait3A_802 = arith.constant 0 : i32
        %dma_wait3A_803 = arith.constant 0 : i32
        %dma_wait3A_804 = arith.constant 0 : i32
        %dma_wait3A_805 = arith.constant 0 : i32
        %dma_wait3A_806 = arith.constant 0 : i32
        %dma_wait3A_807 = tpu.memref_slice %arg10[%dma_wait3A_804, %dma_wait3A_805, %dma_wait3A_806] : memref<8x8x129xf32, #tpu.memory_space<vmem>> -> memref<8x8x128xf32, #tpu.memory_space<vmem>>
        %dma_wait3A_808 = arith.constant 0 : i32
        %dma_wait3A_809 = arith.constant 0 : i32
        %dma_wait3A_810 = arith.constant 0 : i32
        %dma_wait3A_811 = tpu.memref_slice %arg4[%dma_wait3A_802, %dma_wait3A_808, %dma_wait3A_803, %dma_wait3A_809, %dma_wait3A_810] : memref<50x8x128x8x128xf32, #tpu.memory_space<hbm>> -> memref<1x8x1x8x128xf32, #tpu.memory_space<hbm>>
        %dma_wait3A_812 = tpu.memref_squeeze %dma_wait3A_811 : memref<1x8x1x8x128xf32, #tpu.memory_space<hbm>> -> memref<8x8x128xf32, #tpu.memory_space<hbm>>
        %dma_wait3A_813 = arith.constant 0 : i32
        %dma_wait3A_814 = arith.constant 0 : i32
        %dma_wait3A_815 = arith.constant 0 : i32
        %dma_wait3A_816 = tpu.memref_slice %arg10[%dma_wait3A_813, %dma_wait3A_814, %dma_wait3A_815] : memref<8x8x129xf32, #tpu.memory_space<vmem>> -> memref<8x8x128xf32, #tpu.memory_space<vmem>>
        %dma_wait3A_817 = arith.constant 0 : i32
        %dma_wait3A_818 = arith.constant 0 : i32
        %dma_wait3A_819 = arith.constant 0 : i32
        %dma_wait3A_820 = tpu.memref_slice %arg4[%dma_wait3A_802, %dma_wait3A_817, %dma_wait3A_803, %dma_wait3A_818, %dma_wait3A_819] : memref<50x8x128x8x128xf32, #tpu.memory_space<hbm>> -> memref<1x8x1x8x128xf32, #tpu.memory_space<hbm>>
        %dma_wait3A_821 = tpu.memref_squeeze %dma_wait3A_820 : memref<1x8x1x8x128xf32, #tpu.memory_space<hbm>> -> memref<8x8x128xf32, #tpu.memory_space<hbm>>
        tpu.wait_dma2 semaphore(%arg16 : memref<!tpu.dma_semaphore, #tpu.memory_space<semaphore_mem>>) src(%dma_wait3A_821 : memref<8x8x128xf32, #tpu.memory_space<hbm>>) dst(%dma_wait3A_816 : memref<8x8x128xf32, #tpu.memory_space<vmem>>)
      } else {
      }
      %scan3A_609 = arith.constant 0 : i32
      %scan3A_610 = arith.constant 8 : i32
      %scan3A_611 = arith.addi %scan3A_609, %scan3A_610 : i32
      %scan3A_612 = arith.constant 1 : i32
      scf.for %scan3A_802 = %scan3A_609 to %scan3A_611 step %scan3A_612  : i32 {
        %mul3A_803 = arith.constant 1 : i32
        %mul3A_804 = arith.muli %scan3A_802, %mul3A_803 : i32
        %add3A_805 = arith.constant 0 : i32
        %add3A_806 = arith.addi %add3A_805, %mul3A_804 : i32
        %mul3A_807 = arith.constant 16 : i32
        %mul3A_808 = arith.muli %add3A_806, %mul3A_807 : i32
        %add3A_809 = arith.constant 0 : i32
        %add3A_810 = arith.addi %mul3A_808, %add3A_809 : i32
        %broadcast_in_dim3A = vector.broadcast %add3A_810 : i32 to vector<16xi32>
        %get3A = arith.index_cast %add3A_810 : i32 to index
        %get3A_811 = arith.constant 0 : index
        %get3A_812 = tpu.vector_load %arg8[%get3A, %get3A_811] {strides = array<i32>} : memref<128x64xf32, #tpu.memory_space<vmem>>, vector<16xf32>,
        %get3A_813 = arith.index_cast %add3A_810 : i32 to index
        %get3A_814 = arith.constant 16 : index
        %get3A_815 = tpu.vector_load %arg8[%get3A_813, %get3A_814] {strides = array<i32>} : memref<128x64xf32, #tpu.memory_space<vmem>>, vector<16xf32>,
        %get3A_816 = arith.index_cast %add3A_810 : i32 to index
        %get3A_817 = arith.constant 32 : index
        %get3A_818 = tpu.vector_load %arg8[%get3A_816, %get3A_817] {strides = array<i32>} : memref<128x64xf32, #tpu.memory_space<vmem>>, vector<16xf32>,
        %get3A_819 = arith.index_cast %add3A_810 : i32 to index
        %get3A_820 = arith.constant 48 : index
        %get3A_821 = tpu.vector_load %arg8[%get3A_819, %get3A_820] {strides = array<i32>} : memref<128x64xf32, #tpu.memory_space<vmem>>, vector<16xf32>,
        %mul3A_822 = arith.constant 16 : i32
        %mul3A_823 = arith.muli %add3A_806, %mul3A_822 : i32
        %add3A_824 = arith.constant 1 : i32
        %add3A_825 = arith.addi %mul3A_823, %add3A_824 : i32
        %broadcast_in_dim3A_826 = vector.broadcast %add3A_825 : i32 to vector<16xi32>
        %get3A_827 = arith.index_cast %add3A_825 : i32 to index
        %get3A_828 = arith.constant 0 : index
        %get3A_829 = tpu.vector_load %arg8[%get3A_827, %get3A_828] {strides = array<i32>} : memref<128x64xf32, #tpu.memory_space<vmem>>, vector<16xf32>,
        %get3A_830 = arith.index_cast %add3A_825 : i32 to index
        %get3A_831 = arith.constant 16 : index
        %get3A_832 = tpu.vector_load %arg8[%get3A_830, %get3A_831] {strides = array<i32>} : memref<128x64xf32, #tpu.memory_space<vmem>>, vector<16xf32>,
        %get3A_833 = arith.index_cast %add3A_825 : i32 to index
        %get3A_834 = arith.constant 32 : index
        %get3A_835 = tpu.vector_load %arg8[%get3A_833, %get3A_834] {strides = array<i32>} : memref<128x64xf32, #tpu.memory_space<vmem>>, vector<16xf32>,
        %get3A_836 = arith.index_cast %add3A_825 : i32 to index
        %get3A_837 = arith.constant 48 : index
        %get3A_838 = tpu.vector_load %arg8[%get3A_836, %get3A_837] {strides = array<i32>} : memref<128x64xf32, #tpu.memory_space<vmem>>, vector<16xf32>,
        tpu.vector_store_idx %arg10[%select_n3A, %select_n3A_153, %broadcast_in_dim3A], %get3A_812 : memref<8x8x129xf32, #tpu.memory_space<vmem>>[vector<16xi32>, vector<16xi32>, vector<16xi32>], vector<16xf32>,
        tpu.vector_store_idx %arg10[%select_n3A_62, %select_n3A_178, %broadcast_in_dim3A], %get3A_815 : memref<8x8x129xf32, #tpu.memory_space<vmem>>[vector<16xi32>, vector<16xi32>, vector<16xi32>], vector<16xf32>,
        tpu.vector_store_idx %arg10[%select_n3A_96, %select_n3A_203, %broadcast_in_dim3A], %get3A_818 : memref<8x8x129xf32, #tpu.memory_space<vmem>>[vector<16xi32>, vector<16xi32>, vector<16xi32>], vector<16xf32>,
        tpu.vector_store_idx %arg10[%select_n3A_130, %select_n3A_228, %broadcast_in_dim3A], %get3A_821 : memref<8x8x129xf32, #tpu.memory_space<vmem>>[vector<16xi32>, vector<16xi32>, vector<16xi32>], vector<16xf32>,
        %mul3A_839 = arith.constant 16 : i32
        %mul3A_840 = arith.muli %add3A_806, %mul3A_839 : i32
        %add3A_841 = arith.constant 2 : i32
        %add3A_842 = arith.addi %mul3A_840, %add3A_841 : i32
        %broadcast_in_dim3A_843 = vector.broadcast %add3A_842 : i32 to vector<16xi32>
        %get3A_844 = arith.index_cast %add3A_842 : i32 to index
        %get3A_845 = arith.constant 0 : index
        %get3A_846 = tpu.vector_load %arg8[%get3A_844, %get3A_845] {strides = array<i32>} : memref<128x64xf32, #tpu.memory_space<vmem>>, vector<16xf32>,
        %get3A_847 = arith.index_cast %add3A_842 : i32 to index
        %get3A_848 = arith.constant 16 : index
        %get3A_849 = tpu.vector_load %arg8[%get3A_847, %get3A_848] {strides = array<i32>} : memref<128x64xf32, #tpu.memory_space<vmem>>, vector<16xf32>,
        %get3A_850 = arith.index_cast %add3A_842 : i32 to index
        %get3A_851 = arith.constant 32 : index
        %get3A_852 = tpu.vector_load %arg8[%get3A_850, %get3A_851] {strides = array<i32>} : memref<128x64xf32, #tpu.memory_space<vmem>>, vector<16xf32>,
        %get3A_853 = arith.index_cast %add3A_842 : i32 to index
        %get3A_854 = arith.constant 48 : index
        %get3A_855 = tpu.vector_load %arg8[%get3A_853, %get3A_854] {strides = array<i32>} : memref<128x64xf32, #tpu.memory_space<vmem>>, vector<16xf32>,
        tpu.vector_store_idx %arg10[%select_n3A, %select_n3A_153, %broadcast_in_dim3A_826], %get3A_829 : memref<8x8x129xf32, #tpu.memory_space<vmem>>[vector<16xi32>, vector<16xi32>, vector<16xi32>], vector<16xf32>,
        tpu.vector_store_idx %arg10[%select_n3A_62, %select_n3A_178, %broadcast_in_dim3A_826], %get3A_832 : memref<8x8x129xf32, #tpu.memory_space<vmem>>[vector<16xi32>, vector<16xi32>, vector<16xi32>], vector<16xf32>,
        tpu.vector_store_idx %arg10[%select_n3A_96, %select_n3A_203, %broadcast_in_dim3A_826], %get3A_835 : memref<8x8x129xf32, #tpu.memory_space<vmem>>[vector<16xi32>, vector<16xi32>, vector<16xi32>], vector<16xf32>,
        tpu.vector_store_idx %arg10[%select_n3A_130, %select_n3A_228, %broadcast_in_dim3A_826], %get3A_838 : memref<8x8x129xf32, #tpu.memory_space<vmem>>[vector<16xi32>, vector<16xi32>, vector<16xi32>], vector<16xf32>,
        %mul3A_856 = arith.constant 16 : i32
        %mul3A_857 = arith.muli %add3A_806, %mul3A_856 : i32
        %add3A_858 = arith.constant 3 : i32
        %add3A_859 = arith.addi %mul3A_857, %add3A_858 : i32
        %broadcast_in_dim3A_860 = vector.broadcast %add3A_859 : i32 to vector<16xi32>
        %get3A_861 = arith.index_cast %add3A_859 : i32 to index
        %get3A_862 = arith.constant 0 : index
        %get3A_863 = tpu.vector_load %arg8[%get3A_861, %get3A_862] {strides = array<i32>} : memref<128x64xf32, #tpu.memory_space<vmem>>, vector<16xf32>,
        %get3A_864 = arith.index_cast %add3A_859 : i32 to index
        %get3A_865 = arith.constant 16 : index
        %get3A_866 = tpu.vector_load %arg8[%get3A_864, %get3A_865] {strides = array<i32>} : memref<128x64xf32, #tpu.memory_space<vmem>>, vector<16xf32>,
        %get3A_867 = arith.index_cast %add3A_859 : i32 to index
        %get3A_868 = arith.constant 32 : index
        %get3A_869 = tpu.vector_load %arg8[%get3A_867, %get3A_868] {strides = array<i32>} : memref<128x64xf32, #tpu.memory_space<vmem>>, vector<16xf32>,
        %get3A_870 = arith.index_cast %add3A_859 : i32 to index
        %get3A_871 = arith.constant 48 : index
        %get3A_872 = tpu.vector_load %arg8[%get3A_870, %get3A_871] {strides = array<i32>} : memref<128x64xf32, #tpu.memory_space<vmem>>, vector<16xf32>,
        tpu.vector_store_idx %arg10[%select_n3A, %select_n3A_153, %broadcast_in_dim3A_843], %get3A_846 : memref<8x8x129xf32, #tpu.memory_space<vmem>>[vector<16xi32>, vector<16xi32>, vector<16xi32>], vector<16xf32>,
        tpu.vector_store_idx %arg10[%select_n3A_62, %select_n3A_178, %broadcast_in_dim3A_843], %get3A_849 : memref<8x8x129xf32, #tpu.memory_space<vmem>>[vector<16xi32>, vector<16xi32>, vector<16xi32>], vector<16xf32>,
        tpu.vector_store_idx %arg10[%select_n3A_96, %select_n3A_203, %broadcast_in_dim3A_843], %get3A_852 : memref<8x8x129xf32, #tpu.memory_space<vmem>>[vector<16xi32>, vector<16xi32>, vector<16xi32>], vector<16xf32>,
        tpu.vector_store_idx %arg10[%select_n3A_130, %select_n3A_228, %broadcast_in_dim3A_843], %get3A_855 : memref<8x8x129xf32, #tpu.memory_space<vmem>>[vector<16xi32>, vector<16xi32>, vector<16xi32>], vector<16xf32>,
        %mul3A_873 = arith.constant 16 : i32
        %mul3A_874 = arith.muli %add3A_806, %mul3A_873 : i32
        %add3A_875 = arith.constant 4 : i32
        %add3A_876 = arith.addi %mul3A_874, %add3A_875 : i32
        %broadcast_in_dim3A_877 = vector.broadcast %add3A_876 : i32 to vector<16xi32>
        %get3A_878 = arith.index_cast %add3A_876 : i32 to index
        %get3A_879 = arith.constant 0 : index
        %get3A_880 = tpu.vector_load %arg8[%get3A_878, %get3A_879] {strides = array<i32>} : memref<128x64xf32, #tpu.memory_space<vmem>>, vector<16xf32>,
        %get3A_881 = arith.index_cast %add3A_876 : i32 to index
        %get3A_882 = arith.constant 16 : index
        %get3A_883 = tpu.vector_load %arg8[%get3A_881, %get3A_882] {strides = array<i32>} : memref<128x64xf32, #tpu.memory_space<vmem>>, vector<16xf32>,
        %get3A_884 = arith.index_cast %add3A_876 : i32 to index
        %get3A_885 = arith.constant 32 : index
        %get3A_886 = tpu.vector_load %arg8[%get3A_884, %get3A_885] {strides = array<i32>} : memref<128x64xf32, #tpu.memory_space<vmem>>, vector<16xf32>,
        %get3A_887 = arith.index_cast %add3A_876 : i32 to index
        %get3A_888 = arith.constant 48 : index
        %get3A_889 = tpu.vector_load %arg8[%get3A_887, %get3A_888] {strides = array<i32>} : memref<128x64xf32, #tpu.memory_space<vmem>>, vector<16xf32>,
        tpu.vector_store_idx %arg10[%select_n3A, %select_n3A_153, %broadcast_in_dim3A_860], %get3A_863 : memref<8x8x129xf32, #tpu.memory_space<vmem>>[vector<16xi32>, vector<16xi32>, vector<16xi32>], vector<16xf32>,
        tpu.vector_store_idx %arg10[%select_n3A_62, %select_n3A_178, %broadcast_in_dim3A_860], %get3A_866 : memref<8x8x129xf32, #tpu.memory_space<vmem>>[vector<16xi32>, vector<16xi32>, vector<16xi32>], vector<16xf32>,
        tpu.vector_store_idx %arg10[%select_n3A_96, %select_n3A_203, %broadcast_in_dim3A_860], %get3A_869 : memref<8x8x129xf32, #tpu.memory_space<vmem>>[vector<16xi32>, vector<16xi32>, vector<16xi32>], vector<16xf32>,
        tpu.vector_store_idx %arg10[%select_n3A_130, %select_n3A_228, %broadcast_in_dim3A_860], %get3A_872 : memref<8x8x129xf32, #tpu.memory_space<vmem>>[vector<16xi32>, vector<16xi32>, vector<16xi32>], vector<16xf32>,
        %mul3A_890 = arith.constant 16 : i32
        %mul3A_891 = arith.muli %add3A_806, %mul3A_890 : i32
        %add3A_892 = arith.constant 5 : i32
        %add3A_893 = arith.addi %mul3A_891, %add3A_892 : i32
        %broadcast_in_dim3A_894 = vector.broadcast %add3A_893 : i32 to vector<16xi32>
        %get3A_895 = arith.index_cast %add3A_893 : i32 to index
        %get3A_896 = arith.constant 0 : index
        %get3A_897 = tpu.vector_load %arg8[%get3A_895, %get3A_896] {strides = array<i32>} : memref<128x64xf32, #tpu.memory_space<vmem>>, vector<16xf32>,
        %get3A_898 = arith.index_cast %add3A_893 : i32 to index
        %get3A_899 = arith.constant 16 : index
        %get3A_900 = tpu.vector_load %arg8[%get3A_898, %get3A_899] {strides = array<i32>} : memref<128x64xf32, #tpu.memory_space<vmem>>, vector<16xf32>,
        %get3A_901 = arith.index_cast %add3A_893 : i32 to index
        %get3A_902 = arith.constant 32 : index
        %get3A_903 = tpu.vector_load %arg8[%get3A_901, %get3A_902] {strides = array<i32>} : memref<128x64xf32, #tpu.memory_space<vmem>>, vector<16xf32>,
        %get3A_904 = arith.index_cast %add3A_893 : i32 to index
        %get3A_905 = arith.constant 48 : index
        %get3A_906 = tpu.vector_load %arg8[%get3A_904, %get3A_905] {strides = array<i32>} : memref<128x64xf32, #tpu.memory_space<vmem>>, vector<16xf32>,
        tpu.vector_store_idx %arg10[%select_n3A, %select_n3A_153, %broadcast_in_dim3A_877], %get3A_880 : memref<8x8x129xf32, #tpu.memory_space<vmem>>[vector<16xi32>, vector<16xi32>, vector<16xi32>], vector<16xf32>,
        tpu.vector_store_idx %arg10[%select_n3A_62, %select_n3A_178, %broadcast_in_dim3A_877], %get3A_883 : memref<8x8x129xf32, #tpu.memory_space<vmem>>[vector<16xi32>, vector<16xi32>, vector<16xi32>], vector<16xf32>,
        tpu.vector_store_idx %arg10[%select_n3A_96, %select_n3A_203, %broadcast_in_dim3A_877], %get3A_886 : memref<8x8x129xf32, #tpu.memory_space<vmem>>[vector<16xi32>, vector<16xi32>, vector<16xi32>], vector<16xf32>,
        tpu.vector_store_idx %arg10[%select_n3A_130, %select_n3A_228, %broadcast_in_dim3A_877], %get3A_889 : memref<8x8x129xf32, #tpu.memory_space<vmem>>[vector<16xi32>, vector<16xi32>, vector<16xi32>], vector<16xf32>,
        %mul3A_907 = arith.constant 16 : i32
        %mul3A_908 = arith.muli %add3A_806, %mul3A_907 : i32
        %add3A_909 = arith.constant 6 : i32
        %add3A_910 = arith.addi %mul3A_908, %add3A_909 : i32
        %broadcast_in_dim3A_911 = vector.broadcast %add3A_910 : i32 to vector<16xi32>
        %get3A_912 = arith.index_cast %add3A_910 : i32 to index
        %get3A_913 = arith.constant 0 : index
        %get3A_914 = tpu.vector_load %arg8[%get3A_912, %get3A_913] {strides = array<i32>} : memref<128x64xf32, #tpu.memory_space<vmem>>, vector<16xf32>,
        %get3A_915 = arith.index_cast %add3A_910 : i32 to index
        %get3A_916 = arith.constant 16 : index
        %get3A_917 = tpu.vector_load %arg8[%get3A_915, %get3A_916] {strides = array<i32>} : memref<128x64xf32, #tpu.memory_space<vmem>>, vector<16xf32>,
        %get3A_918 = arith.index_cast %add3A_910 : i32 to index
        %get3A_919 = arith.constant 32 : index
        %get3A_920 = tpu.vector_load %arg8[%get3A_918, %get3A_919] {strides = array<i32>} : memref<128x64xf32, #tpu.memory_space<vmem>>, vector<16xf32>,
        %get3A_921 = arith.index_cast %add3A_910 : i32 to index
        %get3A_922 = arith.constant 48 : index
        %get3A_923 = tpu.vector_load %arg8[%get3A_921, %get3A_922] {strides = array<i32>} : memref<128x64xf32, #tpu.memory_space<vmem>>, vector<16xf32>,
        tpu.vector_store_idx %arg10[%select_n3A, %select_n3A_153, %broadcast_in_dim3A_894], %get3A_897 : memref<8x8x129xf32, #tpu.memory_space<vmem>>[vector<16xi32>, vector<16xi32>, vector<16xi32>], vector<16xf32>,
        tpu.vector_store_idx %arg10[%select_n3A_62, %select_n3A_178, %broadcast_in_dim3A_894], %get3A_900 : memref<8x8x129xf32, #tpu.memory_space<vmem>>[vector<16xi32>, vector<16xi32>, vector<16xi32>], vector<16xf32>,
        tpu.vector_store_idx %arg10[%select_n3A_96, %select_n3A_203, %broadcast_in_dim3A_894], %get3A_903 : memref<8x8x129xf32, #tpu.memory_space<vmem>>[vector<16xi32>, vector<16xi32>, vector<16xi32>], vector<16xf32>,
        tpu.vector_store_idx %arg10[%select_n3A_130, %select_n3A_228, %broadcast_in_dim3A_894], %get3A_906 : memref<8x8x129xf32, #tpu.memory_space<vmem>>[vector<16xi32>, vector<16xi32>, vector<16xi32>], vector<16xf32>,
        %mul3A_924 = arith.constant 16 : i32
        %mul3A_925 = arith.muli %add3A_806, %mul3A_924 : i32
        %add3A_926 = arith.constant 7 : i32
        %add3A_927 = arith.addi %mul3A_925, %add3A_926 : i32
        %broadcast_in_dim3A_928 = vector.broadcast %add3A_927 : i32 to vector<16xi32>
        %get3A_929 = arith.index_cast %add3A_927 : i32 to index
        %get3A_930 = arith.constant 0 : index
        %get3A_931 = tpu.vector_load %arg8[%get3A_929, %get3A_930] {strides = array<i32>} : memref<128x64xf32, #tpu.memory_space<vmem>>, vector<16xf32>,
        %get3A_932 = arith.index_cast %add3A_927 : i32 to index
        %get3A_933 = arith.constant 16 : index
        %get3A_934 = tpu.vector_load %arg8[%get3A_932, %get3A_933] {strides = array<i32>} : memref<128x64xf32, #tpu.memory_space<vmem>>, vector<16xf32>,
        %get3A_935 = arith.index_cast %add3A_927 : i32 to index
        %get3A_936 = arith.constant 32 : index
        %get3A_937 = tpu.vector_load %arg8[%get3A_935, %get3A_936] {strides = array<i32>} : memref<128x64xf32, #tpu.memory_space<vmem>>, vector<16xf32>,
        %get3A_938 = arith.index_cast %add3A_927 : i32 to index
        %get3A_939 = arith.constant 48 : index
        %get3A_940 = tpu.vector_load %arg8[%get3A_938, %get3A_939] {strides = array<i32>} : memref<128x64xf32, #tpu.memory_space<vmem>>, vector<16xf32>,
        tpu.vector_store_idx %arg10[%select_n3A, %select_n3A_153, %broadcast_in_dim3A_911], %get3A_914 : memref<8x8x129xf32, #tpu.memory_space<vmem>>[vector<16xi32>, vector<16xi32>, vector<16xi32>], vector<16xf32>,
        tpu.vector_store_idx %arg10[%select_n3A_62, %select_n3A_178, %broadcast_in_dim3A_911], %get3A_917 : memref<8x8x129xf32, #tpu.memory_space<vmem>>[vector<16xi32>, vector<16xi32>, vector<16xi32>], vector<16xf32>,
        tpu.vector_store_idx %arg10[%select_n3A_96, %select_n3A_203, %broadcast_in_dim3A_911], %get3A_920 : memref<8x8x129xf32, #tpu.memory_space<vmem>>[vector<16xi32>, vector<16xi32>, vector<16xi32>], vector<16xf32>,
        tpu.vector_store_idx %arg10[%select_n3A_130, %select_n3A_228, %broadcast_in_dim3A_911], %get3A_923 : memref<8x8x129xf32, #tpu.memory_space<vmem>>[vector<16xi32>, vector<16xi32>, vector<16xi32>], vector<16xf32>,
        %mul3A_941 = arith.constant 16 : i32
        %mul3A_942 = arith.muli %add3A_806, %mul3A_941 : i32
        %add3A_943 = arith.constant 8 : i32
        %add3A_944 = arith.addi %mul3A_942, %add3A_943 : i32
        %broadcast_in_dim3A_945 = vector.broadcast %add3A_944 : i32 to vector<16xi32>
        %get3A_946 = arith.index_cast %add3A_944 : i32 to index
        %get3A_947 = arith.constant 0 : index
        %get3A_948 = tpu.vector_load %arg8[%get3A_946, %get3A_947] {strides = array<i32>} : memref<128x64xf32, #tpu.memory_space<vmem>>, vector<16xf32>,
        %get3A_949 = arith.index_cast %add3A_944 : i32 to index
        %get3A_950 = arith.constant 16 : index
        %get3A_951 = tpu.vector_load %arg8[%get3A_949, %get3A_950] {strides = array<i32>} : memref<128x64xf32, #tpu.memory_space<vmem>>, vector<16xf32>,
        %get3A_952 = arith.index_cast %add3A_944 : i32 to index
        %get3A_953 = arith.constant 32 : index
        %get3A_954 = tpu.vector_load %arg8[%get3A_952, %get3A_953] {strides = array<i32>} : memref<128x64xf32, #tpu.memory_space<vmem>>, vector<16xf32>,
        %get3A_955 = arith.index_cast %add3A_944 : i32 to index
        %get3A_956 = arith.constant 48 : index
        %get3A_957 = tpu.vector_load %arg8[%get3A_955, %get3A_956] {strides = array<i32>} : memref<128x64xf32, #tpu.memory_space<vmem>>, vector<16xf32>,
        tpu.vector_store_idx %arg10[%select_n3A, %select_n3A_153, %broadcast_in_dim3A_928], %get3A_931 : memref<8x8x129xf32, #tpu.memory_space<vmem>>[vector<16xi32>, vector<16xi32>, vector<16xi32>], vector<16xf32>,
        tpu.vector_store_idx %arg10[%select_n3A_62, %select_n3A_178, %broadcast_in_dim3A_928], %get3A_934 : memref<8x8x129xf32, #tpu.memory_space<vmem>>[vector<16xi32>, vector<16xi32>, vector<16xi32>], vector<16xf32>,
        tpu.vector_store_idx %arg10[%select_n3A_96, %select_n3A_203, %broadcast_in_dim3A_928], %get3A_937 : memref<8x8x129xf32, #tpu.memory_space<vmem>>[vector<16xi32>, vector<16xi32>, vector<16xi32>], vector<16xf32>,
        tpu.vector_store_idx %arg10[%select_n3A_130, %select_n3A_228, %broadcast_in_dim3A_928], %get3A_940 : memref<8x8x129xf32, #tpu.memory_space<vmem>>[vector<16xi32>, vector<16xi32>, vector<16xi32>], vector<16xf32>,
        %mul3A_958 = arith.constant 16 : i32
        %mul3A_959 = arith.muli %add3A_806, %mul3A_958 : i32
        %add3A_960 = arith.constant 9 : i32
        %add3A_961 = arith.addi %mul3A_959, %add3A_960 : i32
        %broadcast_in_dim3A_962 = vector.broadcast %add3A_961 : i32 to vector<16xi32>
        %get3A_963 = arith.index_cast %add3A_961 : i32 to index
        %get3A_964 = arith.constant 0 : index
        %get3A_965 = tpu.vector_load %arg8[%get3A_963, %get3A_964] {strides = array<i32>} : memref<128x64xf32, #tpu.memory_space<vmem>>, vector<16xf32>,
        %get3A_966 = arith.index_cast %add3A_961 : i32 to index
        %get3A_967 = arith.constant 16 : index
        %get3A_968 = tpu.vector_load %arg8[%get3A_966, %get3A_967] {strides = array<i32>} : memref<128x64xf32, #tpu.memory_space<vmem>>, vector<16xf32>,
        %get3A_969 = arith.index_cast %add3A_961 : i32 to index
        %get3A_970 = arith.constant 32 : index
        %get3A_971 = tpu.vector_load %arg8[%get3A_969, %get3A_970] {strides = array<i32>} : memref<128x64xf32, #tpu.memory_space<vmem>>, vector<16xf32>,
        %get3A_972 = arith.index_cast %add3A_961 : i32 to index
        %get3A_973 = arith.constant 48 : index
        %get3A_974 = tpu.vector_load %arg8[%get3A_972, %get3A_973] {strides = array<i32>} : memref<128x64xf32, #tpu.memory_space<vmem>>, vector<16xf32>,
        tpu.vector_store_idx %arg10[%select_n3A, %select_n3A_153, %broadcast_in_dim3A_945], %get3A_948 : memref<8x8x129xf32, #tpu.memory_space<vmem>>[vector<16xi32>, vector<16xi32>, vector<16xi32>], vector<16xf32>,
        tpu.vector_store_idx %arg10[%select_n3A_62, %select_n3A_178, %broadcast_in_dim3A_945], %get3A_951 : memref<8x8x129xf32, #tpu.memory_space<vmem>>[vector<16xi32>, vector<16xi32>, vector<16xi32>], vector<16xf32>,
        tpu.vector_store_idx %arg10[%select_n3A_96, %select_n3A_203, %broadcast_in_dim3A_945], %get3A_954 : memref<8x8x129xf32, #tpu.memory_space<vmem>>[vector<16xi32>, vector<16xi32>, vector<16xi32>], vector<16xf32>,
        tpu.vector_store_idx %arg10[%select_n3A_130, %select_n3A_228, %broadcast_in_dim3A_945], %get3A_957 : memref<8x8x129xf32, #tpu.memory_space<vmem>>[vector<16xi32>, vector<16xi32>, vector<16xi32>], vector<16xf32>,
        %mul3A_975 = arith.constant 16 : i32
        %mul3A_976 = arith.muli %add3A_806, %mul3A_975 : i32
        %add3A_977 = arith.constant 10 : i32
        %add3A_978 = arith.addi %mul3A_976, %add3A_977 : i32
        %broadcast_in_dim3A_979 = vector.broadcast %add3A_978 : i32 to vector<16xi32>
        %get3A_980 = arith.index_cast %add3A_978 : i32 to index
        %get3A_981 = arith.constant 0 : index
        %get3A_982 = tpu.vector_load %arg8[%get3A_980, %get3A_981] {strides = array<i32>} : memref<128x64xf32, #tpu.memory_space<vmem>>, vector<16xf32>,
        %get3A_983 = arith.index_cast %add3A_978 : i32 to index
        %get3A_984 = arith.constant 16 : index
        %get3A_985 = tpu.vector_load %arg8[%get3A_983, %get3A_984] {strides = array<i32>} : memref<128x64xf32, #tpu.memory_space<vmem>>, vector<16xf32>,
        %get3A_986 = arith.index_cast %add3A_978 : i32 to index
        %get3A_987 = arith.constant 32 : index
        %get3A_988 = tpu.vector_load %arg8[%get3A_986, %get3A_987] {strides = array<i32>} : memref<128x64xf32, #tpu.memory_space<vmem>>, vector<16xf32>,
        %get3A_989 = arith.index_cast %add3A_978 : i32 to index
        %get3A_990 = arith.constant 48 : index
        %get3A_991 = tpu.vector_load %arg8[%get3A_989, %get3A_990] {strides = array<i32>} : memref<128x64xf32, #tpu.memory_space<vmem>>, vector<16xf32>,
        tpu.vector_store_idx %arg10[%select_n3A, %select_n3A_153, %broadcast_in_dim3A_962], %get3A_965 : memref<8x8x129xf32, #tpu.memory_space<vmem>>[vector<16xi32>, vector<16xi32>, vector<16xi32>], vector<16xf32>,
        tpu.vector_store_idx %arg10[%select_n3A_62, %select_n3A_178, %broadcast_in_dim3A_962], %get3A_968 : memref<8x8x129xf32, #tpu.memory_space<vmem>>[vector<16xi32>, vector<16xi32>, vector<16xi32>], vector<16xf32>,
        tpu.vector_store_idx %arg10[%select_n3A_96, %select_n3A_203, %broadcast_in_dim3A_962], %get3A_971 : memref<8x8x129xf32, #tpu.memory_space<vmem>>[vector<16xi32>, vector<16xi32>, vector<16xi32>], vector<16xf32>,
        tpu.vector_store_idx %arg10[%select_n3A_130, %select_n3A_228, %broadcast_in_dim3A_962], %get3A_974 : memref<8x8x129xf32, #tpu.memory_space<vmem>>[vector<16xi32>, vector<16xi32>, vector<16xi32>], vector<16xf32>,
        %mul3A_992 = arith.constant 16 : i32
        %mul3A_993 = arith.muli %add3A_806, %mul3A_992 : i32
        %add3A_994 = arith.constant 11 : i32
        %add3A_995 = arith.addi %mul3A_993, %add3A_994 : i32
        %broadcast_in_dim3A_996 = vector.broadcast %add3A_995 : i32 to vector<16xi32>
        %get3A_997 = arith.index_cast %add3A_995 : i32 to index
        %get3A_998 = arith.constant 0 : index
        %get3A_999 = tpu.vector_load %arg8[%get3A_997, %get3A_998] {strides = array<i32>} : memref<128x64xf32, #tpu.memory_space<vmem>>, vector<16xf32>,
        %get3A_1000 = arith.index_cast %add3A_995 : i32 to index
        %get3A_1001 = arith.constant 16 : index
        %get3A_1002 = tpu.vector_load %arg8[%get3A_1000, %get3A_1001] {strides = array<i32>} : memref<128x64xf32, #tpu.memory_space<vmem>>, vector<16xf32>,
        %get3A_1003 = arith.index_cast %add3A_995 : i32 to index
        %get3A_1004 = arith.constant 32 : index
        %get3A_1005 = tpu.vector_load %arg8[%get3A_1003, %get3A_1004] {strides = array<i32>} : memref<128x64xf32, #tpu.memory_space<vmem>>, vector<16xf32>,
        %get3A_1006 = arith.index_cast %add3A_995 : i32 to index
        %get3A_1007 = arith.constant 48 : index
        %get3A_1008 = tpu.vector_load %arg8[%get3A_1006, %get3A_1007] {strides = array<i32>} : memref<128x64xf32, #tpu.memory_space<vmem>>, vector<16xf32>,
        tpu.vector_store_idx %arg10[%select_n3A, %select_n3A_153, %broadcast_in_dim3A_979], %get3A_982 : memref<8x8x129xf32, #tpu.memory_space<vmem>>[vector<16xi32>, vector<16xi32>, vector<16xi32>], vector<16xf32>,
        tpu.vector_store_idx %arg10[%select_n3A_62, %select_n3A_178, %broadcast_in_dim3A_979], %get3A_985 : memref<8x8x129xf32, #tpu.memory_space<vmem>>[vector<16xi32>, vector<16xi32>, vector<16xi32>], vector<16xf32>,
        tpu.vector_store_idx %arg10[%select_n3A_96, %select_n3A_203, %broadcast_in_dim3A_979], %get3A_988 : memref<8x8x129xf32, #tpu.memory_space<vmem>>[vector<16xi32>, vector<16xi32>, vector<16xi32>], vector<16xf32>,
        tpu.vector_store_idx %arg10[%select_n3A_130, %select_n3A_228, %broadcast_in_dim3A_979], %get3A_991 : memref<8x8x129xf32, #tpu.memory_space<vmem>>[vector<16xi32>, vector<16xi32>, vector<16xi32>], vector<16xf32>,
        %mul3A_1009 = arith.constant 16 : i32
        %mul3A_1010 = arith.muli %add3A_806, %mul3A_1009 : i32
        %add3A_1011 = arith.constant 12 : i32
        %add3A_1012 = arith.addi %mul3A_1010, %add3A_1011 : i32
        %broadcast_in_dim3A_1013 = vector.broadcast %add3A_1012 : i32 to vector<16xi32>
        %get3A_1014 = arith.index_cast %add3A_1012 : i32 to index
        %get3A_1015 = arith.constant 0 : index
        %get3A_1016 = tpu.vector_load %arg8[%get3A_1014, %get3A_1015] {strides = array<i32>} : memref<128x64xf32, #tpu.memory_space<vmem>>, vector<16xf32>,
        %get3A_1017 = arith.index_cast %add3A_1012 : i32 to index
        %get3A_1018 = arith.constant 16 : index
        %get3A_1019 = tpu.vector_load %arg8[%get3A_1017, %get3A_1018] {strides = array<i32>} : memref<128x64xf32, #tpu.memory_space<vmem>>, vector<16xf32>,
        %get3A_1020 = arith.index_cast %add3A_1012 : i32 to index
        %get3A_1021 = arith.constant 32 : index
        %get3A_1022 = tpu.vector_load %arg8[%get3A_1020, %get3A_1021] {strides = array<i32>} : memref<128x64xf32, #tpu.memory_space<vmem>>, vector<16xf32>,
        %get3A_1023 = arith.index_cast %add3A_1012 : i32 to index
        %get3A_1024 = arith.constant 48 : index
        %get3A_1025 = tpu.vector_load %arg8[%get3A_1023, %get3A_1024] {strides = array<i32>} : memref<128x64xf32, #tpu.memory_space<vmem>>, vector<16xf32>,
        tpu.vector_store_idx %arg10[%select_n3A, %select_n3A_153, %broadcast_in_dim3A_996], %get3A_999 : memref<8x8x129xf32, #tpu.memory_space<vmem>>[vector<16xi32>, vector<16xi32>, vector<16xi32>], vector<16xf32>,
        tpu.vector_store_idx %arg10[%select_n3A_62, %select_n3A_178, %broadcast_in_dim3A_996], %get3A_1002 : memref<8x8x129xf32, #tpu.memory_space<vmem>>[vector<16xi32>, vector<16xi32>, vector<16xi32>], vector<16xf32>,
        tpu.vector_store_idx %arg10[%select_n3A_96, %select_n3A_203, %broadcast_in_dim3A_996], %get3A_1005 : memref<8x8x129xf32, #tpu.memory_space<vmem>>[vector<16xi32>, vector<16xi32>, vector<16xi32>], vector<16xf32>,
        tpu.vector_store_idx %arg10[%select_n3A_130, %select_n3A_228, %broadcast_in_dim3A_996], %get3A_1008 : memref<8x8x129xf32, #tpu.memory_space<vmem>>[vector<16xi32>, vector<16xi32>, vector<16xi32>], vector<16xf32>,
        %mul3A_1026 = arith.constant 16 : i32
        %mul3A_1027 = arith.muli %add3A_806, %mul3A_1026 : i32
        %add3A_1028 = arith.constant 13 : i32
        %add3A_1029 = arith.addi %mul3A_1027, %add3A_1028 : i32
        %broadcast_in_dim3A_1030 = vector.broadcast %add3A_1029 : i32 to vector<16xi32>
        %get3A_1031 = arith.index_cast %add3A_1029 : i32 to index
        %get3A_1032 = arith.constant 0 : index
        %get3A_1033 = tpu.vector_load %arg8[%get3A_1031, %get3A_1032] {strides = array<i32>} : memref<128x64xf32, #tpu.memory_space<vmem>>, vector<16xf32>,
        %get3A_1034 = arith.index_cast %add3A_1029 : i32 to index
        %get3A_1035 = arith.constant 16 : index
        %get3A_1036 = tpu.vector_load %arg8[%get3A_1034, %get3A_1035] {strides = array<i32>} : memref<128x64xf32, #tpu.memory_space<vmem>>, vector<16xf32>,
        %get3A_1037 = arith.index_cast %add3A_1029 : i32 to index
        %get3A_1038 = arith.constant 32 : index
        %get3A_1039 = tpu.vector_load %arg8[%get3A_1037, %get3A_1038] {strides = array<i32>} : memref<128x64xf32, #tpu.memory_space<vmem>>, vector<16xf32>,
        %get3A_1040 = arith.index_cast %add3A_1029 : i32 to index
        %get3A_1041 = arith.constant 48 : index
        %get3A_1042 = tpu.vector_load %arg8[%get3A_1040, %get3A_1041] {strides = array<i32>} : memref<128x64xf32, #tpu.memory_space<vmem>>, vector<16xf32>,
        tpu.vector_store_idx %arg10[%select_n3A, %select_n3A_153, %broadcast_in_dim3A_1013], %get3A_1016 : memref<8x8x129xf32, #tpu.memory_space<vmem>>[vector<16xi32>, vector<16xi32>, vector<16xi32>], vector<16xf32>,
        tpu.vector_store_idx %arg10[%select_n3A_62, %select_n3A_178, %broadcast_in_dim3A_1013], %get3A_1019 : memref<8x8x129xf32, #tpu.memory_space<vmem>>[vector<16xi32>, vector<16xi32>, vector<16xi32>], vector<16xf32>,
        tpu.vector_store_idx %arg10[%select_n3A_96, %select_n3A_203, %broadcast_in_dim3A_1013], %get3A_1022 : memref<8x8x129xf32, #tpu.memory_space<vmem>>[vector<16xi32>, vector<16xi32>, vector<16xi32>], vector<16xf32>,
        tpu.vector_store_idx %arg10[%select_n3A_130, %select_n3A_228, %broadcast_in_dim3A_1013], %get3A_1025 : memref<8x8x129xf32, #tpu.memory_space<vmem>>[vector<16xi32>, vector<16xi32>, vector<16xi32>], vector<16xf32>,
        %mul3A_1043 = arith.constant 16 : i32
        %mul3A_1044 = arith.muli %add3A_806, %mul3A_1043 : i32
        %add3A_1045 = arith.constant 14 : i32
        %add3A_1046 = arith.addi %mul3A_1044, %add3A_1045 : i32
        %broadcast_in_dim3A_1047 = vector.broadcast %add3A_1046 : i32 to vector<16xi32>
        %get3A_1048 = arith.index_cast %add3A_1046 : i32 to index
        %get3A_1049 = arith.constant 0 : index
        %get3A_1050 = tpu.vector_load %arg8[%get3A_1048, %get3A_1049] {strides = array<i32>} : memref<128x64xf32, #tpu.memory_space<vmem>>, vector<16xf32>,
        %get3A_1051 = arith.index_cast %add3A_1046 : i32 to index
        %get3A_1052 = arith.constant 16 : index
        %get3A_1053 = tpu.vector_load %arg8[%get3A_1051, %get3A_1052] {strides = array<i32>} : memref<128x64xf32, #tpu.memory_space<vmem>>, vector<16xf32>,
        %get3A_1054 = arith.index_cast %add3A_1046 : i32 to index
        %get3A_1055 = arith.constant 32 : index
        %get3A_1056 = tpu.vector_load %arg8[%get3A_1054, %get3A_1055] {strides = array<i32>} : memref<128x64xf32, #tpu.memory_space<vmem>>, vector<16xf32>,
        %get3A_1057 = arith.index_cast %add3A_1046 : i32 to index
        %get3A_1058 = arith.constant 48 : index
        %get3A_1059 = tpu.vector_load %arg8[%get3A_1057, %get3A_1058] {strides = array<i32>} : memref<128x64xf32, #tpu.memory_space<vmem>>, vector<16xf32>,
        tpu.vector_store_idx %arg10[%select_n3A, %select_n3A_153, %broadcast_in_dim3A_1030], %get3A_1033 : memref<8x8x129xf32, #tpu.memory_space<vmem>>[vector<16xi32>, vector<16xi32>, vector<16xi32>], vector<16xf32>,
        tpu.vector_store_idx %arg10[%select_n3A_62, %select_n3A_178, %broadcast_in_dim3A_1030], %get3A_1036 : memref<8x8x129xf32, #tpu.memory_space<vmem>>[vector<16xi32>, vector<16xi32>, vector<16xi32>], vector<16xf32>,
        tpu.vector_store_idx %arg10[%select_n3A_96, %select_n3A_203, %broadcast_in_dim3A_1030], %get3A_1039 : memref<8x8x129xf32, #tpu.memory_space<vmem>>[vector<16xi32>, vector<16xi32>, vector<16xi32>], vector<16xf32>,
        tpu.vector_store_idx %arg10[%select_n3A_130, %select_n3A_228, %broadcast_in_dim3A_1030], %get3A_1042 : memref<8x8x129xf32, #tpu.memory_space<vmem>>[vector<16xi32>, vector<16xi32>, vector<16xi32>], vector<16xf32>,
        %mul3A_1060 = arith.constant 16 : i32
        %mul3A_1061 = arith.muli %add3A_806, %mul3A_1060 : i32
        %add3A_1062 = arith.constant 15 : i32
        %add3A_1063 = arith.addi %mul3A_1061, %add3A_1062 : i32
        %broadcast_in_dim3A_1064 = vector.broadcast %add3A_1063 : i32 to vector<16xi32>
        %get3A_1065 = arith.index_cast %add3A_1063 : i32 to index
        %get3A_1066 = arith.constant 0 : index
        %get3A_1067 = tpu.vector_load %arg8[%get3A_1065, %get3A_1066] {strides = array<i32>} : memref<128x64xf32, #tpu.memory_space<vmem>>, vector<16xf32>,
        %get3A_1068 = arith.index_cast %add3A_1063 : i32 to index
        %get3A_1069 = arith.constant 16 : index
        %get3A_1070 = tpu.vector_load %arg8[%get3A_1068, %get3A_1069] {strides = array<i32>} : memref<128x64xf32, #tpu.memory_space<vmem>>, vector<16xf32>,
        %get3A_1071 = arith.index_cast %add3A_1063 : i32 to index
        %get3A_1072 = arith.constant 32 : index
        %get3A_1073 = tpu.vector_load %arg8[%get3A_1071, %get3A_1072] {strides = array<i32>} : memref<128x64xf32, #tpu.memory_space<vmem>>, vector<16xf32>,
        %get3A_1074 = arith.index_cast %add3A_1063 : i32 to index
        %get3A_1075 = arith.constant 48 : index
        %get3A_1076 = tpu.vector_load %arg8[%get3A_1074, %get3A_1075] {strides = array<i32>} : memref<128x64xf32, #tpu.memory_space<vmem>>, vector<16xf32>,
        tpu.vector_store_idx %arg10[%select_n3A, %select_n3A_153, %broadcast_in_dim3A_1047], %get3A_1050 : memref<8x8x129xf32, #tpu.memory_space<vmem>>[vector<16xi32>, vector<16xi32>, vector<16xi32>], vector<16xf32>,
        tpu.vector_store_idx %arg10[%select_n3A_62, %select_n3A_178, %broadcast_in_dim3A_1047], %get3A_1053 : memref<8x8x129xf32, #tpu.memory_space<vmem>>[vector<16xi32>, vector<16xi32>, vector<16xi32>], vector<16xf32>,
        tpu.vector_store_idx %arg10[%select_n3A_96, %select_n3A_203, %broadcast_in_dim3A_1047], %get3A_1056 : memref<8x8x129xf32, #tpu.memory_space<vmem>>[vector<16xi32>, vector<16xi32>, vector<16xi32>], vector<16xf32>,
        tpu.vector_store_idx %arg10[%select_n3A_130, %select_n3A_228, %broadcast_in_dim3A_1047], %get3A_1059 : memref<8x8x129xf32, #tpu.memory_space<vmem>>[vector<16xi32>, vector<16xi32>, vector<16xi32>], vector<16xf32>,
        tpu.vector_store_idx %arg10[%select_n3A, %select_n3A_153, %broadcast_in_dim3A_1064], %get3A_1067 : memref<8x8x129xf32, #tpu.memory_space<vmem>>[vector<16xi32>, vector<16xi32>, vector<16xi32>], vector<16xf32>,
        tpu.vector_store_idx %arg10[%select_n3A_62, %select_n3A_178, %broadcast_in_dim3A_1064], %get3A_1070 : memref<8x8x129xf32, #tpu.memory_space<vmem>>[vector<16xi32>, vector<16xi32>, vector<16xi32>], vector<16xf32>,
        tpu.vector_store_idx %arg10[%select_n3A_96, %select_n3A_203, %broadcast_in_dim3A_1064], %get3A_1073 : memref<8x8x129xf32, #tpu.memory_space<vmem>>[vector<16xi32>, vector<16xi32>, vector<16xi32>], vector<16xf32>,
        tpu.vector_store_idx %arg10[%select_n3A_130, %select_n3A_228, %broadcast_in_dim3A_1064], %get3A_1076 : memref<8x8x129xf32, #tpu.memory_space<vmem>>[vector<16xi32>, vector<16xi32>, vector<16xi32>], vector<16xf32>,
      }
      %scan3A_613 = arith.constant 8 : i32
      %jit3A_614 = arith.constant 4 : i32
      %div3A_615 = arith.divsi %add3A_549, %jit3A_614 : i32
      %sign3A_616 = arith.constant 0 : i32
      %sign3A_617 = arith.cmpi sgt, %add3A_549, %sign3A_616 : i32
      %sign3A_618 = arith.extui %sign3A_617 : i1 to i32
      %sign3A_619 = arith.constant 0 : i32
      %sign3A_620 = arith.cmpi slt, %add3A_549, %sign3A_619 : i32
      %sign3A_621 = arith.extui %sign3A_620 : i1 to i32
      %sign3A_622 = arith.subi %sign3A_618, %sign3A_621 : i32
      %sign3A_623 = arith.constant 0 : i32
      %sign3A_624 = arith.cmpi sgt, %jit3A_614, %sign3A_623 : i32
      %sign3A_625 = arith.extui %sign3A_624 : i1 to i32
      %sign3A_626 = arith.constant 0 : i32
      %sign3A_627 = arith.cmpi slt, %jit3A_614, %sign3A_626 : i32
      %sign3A_628 = arith.extui %sign3A_627 : i1 to i32
      %sign3A_629 = arith.subi %sign3A_625, %sign3A_628 : i32
      %ne3A_630 = arith.cmpi ne, %sign3A_622, %sign3A_629 : i32
      %rem3A_631 = arith.remsi %add3A_549, %jit3A_614 : i32
      %ne3A_632 = arith.constant 0 : i32
      %ne3A_633 = arith.cmpi ne, %rem3A_631, %ne3A_632 : i32
      %and3A_634 = arith.andi %ne3A_630, %ne3A_633 : i1
      %sub3A_635 = arith.constant 1 : i32
      %sub3A_636 = arith.subi %div3A_615, %sub3A_635 : i32
      %select_n3A_637 = arith.select %and3A_634, %sub3A_636, %div3A_615 : i32
      %jit3A_638 = arith.constant 4 : i32
      %eq3A_639 = arith.constant 0 : i32
      %eq3A_640 = arith.cmpi eq, %jit3A_638, %eq3A_639 : i32
      %jit3A_641 = arith.constant 1 : i32
      %select_n3A_642 = arith.select %eq3A_640, %jit3A_641, %jit3A_638 : i32
      %rem3A_643 = arith.remsi %add3A_549, %select_n3A_642 : i32
      %ne3A_644 = arith.constant 0 : i32
      %ne3A_645 = arith.cmpi ne, %rem3A_643, %ne3A_644 : i32
      %lt3A_646 = arith.constant 0 : i32
      %lt3A_647 = arith.cmpi slt, %rem3A_643, %lt3A_646 : i32
      %lt3A_648 = arith.constant 0 : i32
      %lt3A_649 = arith.cmpi slt, %select_n3A_642, %lt3A_648 : i32
      %ne3A_650 = arith.xori %lt3A_647, %lt3A_649 : i1
      %and3A_651 = arith.andi %ne3A_650, %ne3A_645 : i1
      %add3A_652 = arith.addi %rem3A_643, %select_n3A_642 : i32
      %select_n3A_653 = arith.select %and3A_651, %add3A_652, %rem3A_643 : i32
      %mul3A_654 = arith.constant 4 : i32
      %mul3A_655 = arith.muli %add3A, %mul3A_654 : i32
      %add3A_656 = arith.addi %mul3A_655, %select_n3A_653 : i32
      %dma_start3A_657 = arith.constant 0 : i32
      %dma_start3A_658 = arith.constant 0 : i32
      %dma_start3A_659 = arith.constant 0 : i32
      %dma_start3A_660 = tpu.memref_slice %arg10[%dma_start3A_657, %dma_start3A_658, %dma_start3A_659] : memref<8x8x129xf32, #tpu.memory_space<vmem>> -> memref<8x8x128xf32, #tpu.memory_space<vmem>>
      %dma_start3A_661 = arith.constant 0 : i32
      %dma_start3A_662 = arith.constant 0 : i32
      %dma_start3A_663 = arith.constant 0 : i32
      %dma_start3A_664 = tpu.memref_slice %arg4[%select_n3A_637, %dma_start3A_661, %add3A_656, %dma_start3A_662, %dma_start3A_663] : memref<50x8x128x8x128xf32, #tpu.memory_space<hbm>> -> memref<1x8x1x8x128xf32, #tpu.memory_space<hbm>>
      %dma_start3A_665 = tpu.memref_squeeze %dma_start3A_664 : memref<1x8x1x8x128xf32, #tpu.memory_space<hbm>> -> memref<8x8x128xf32, #tpu.memory_space<hbm>>
      %dma_start3A_666 = arith.constant 0 : i32
      %dma_start3A_667 = arith.constant 0 : i32
      %dma_start3A_668 = arith.constant 0 : i32
      %dma_start3A_669 = tpu.memref_slice %arg4[%select_n3A_637, %dma_start3A_666, %add3A_656, %dma_start3A_667, %dma_start3A_668] : memref<50x8x128x8x128xf32, #tpu.memory_space<hbm>> -> memref<1x8x1x8x128xf32, #tpu.memory_space<hbm>>
      %dma_start3A_670 = tpu.memref_squeeze %dma_start3A_669 : memref<1x8x1x8x128xf32, #tpu.memory_space<hbm>> -> memref<8x8x128xf32, #tpu.memory_space<hbm>>
      %dma_start3A_671 = arith.constant 0 : i32
      %dma_start3A_672 = arith.constant 0 : i32
      %dma_start3A_673 = arith.constant 0 : i32
      %dma_start3A_674 = tpu.memref_slice %arg10[%dma_start3A_671, %dma_start3A_672, %dma_start3A_673] : memref<8x8x129xf32, #tpu.memory_space<vmem>> -> memref<8x8x128xf32, #tpu.memory_space<vmem>>
      tpu.enqueue_dma source(%dma_start3A_674 : memref<8x8x128xf32, #tpu.memory_space<vmem>>) target(%dma_start3A_670 : memref<8x8x128xf32, #tpu.memory_space<hbm>>) target_semaphore(%arg16 : memref<!tpu.dma_semaphore, #tpu.memory_space<semaphore_mem>>)
      %add3A_675 = arith.constant 3 : i32
      %add3A_676 = arith.addi %add3A_296, %add3A_675 : i32
      %add3A_677 = arith.constant 3 : i32
      %add3A_678 = arith.addi %add3A_676, %add3A_677 : i32
      %lt3A_679 = arith.constant 200 : i32
      %lt3A_680 = arith.cmpi slt, %add3A_678, %lt3A_679 : i32
      %convert_element_type3A_681 = arith.extui %lt3A_680 : i1 to i32
      %cond3A_682 = arith.constant 0 : i32
      %cond3A_683 = arith.cmpi ne, %convert_element_type3A_681, %cond3A_682 : i32
      scf.if %cond3A_683 {
        %add3A_802 = arith.constant 3 : i32
        %add3A_803 = arith.addi %add3A_676, %add3A_802 : i32
        %jit3A_804 = arith.constant 4 : i32
        %div3A_805 = arith.divsi %add3A_803, %jit3A_804 : i32
        %sign3A_806 = arith.constant 0 : i32
        %sign3A_807 = arith.cmpi sgt, %add3A_803, %sign3A_806 : i32
        %sign3A_808 = arith.extui %sign3A_807 : i1 to i32
        %sign3A_809 = arith.constant 0 : i32
        %sign3A_810 = arith.cmpi slt, %add3A_803, %sign3A_809 : i32
        %sign3A_811 = arith.extui %sign3A_810 : i1 to i32
        %sign3A_812 = arith.subi %sign3A_808, %sign3A_811 : i32
        %sign3A_813 = arith.constant 0 : i32
        %sign3A_814 = arith.cmpi sgt, %jit3A_804, %sign3A_813 : i32
        %sign3A_815 = arith.extui %sign3A_814 : i1 to i32
        %sign3A_816 = arith.constant 0 : i32
        %sign3A_817 = arith.cmpi slt, %jit3A_804, %sign3A_816 : i32
        %sign3A_818 = arith.extui %sign3A_817 : i1 to i32
        %sign3A_819 = arith.subi %sign3A_815, %sign3A_818 : i32
        %ne3A_820 = arith.cmpi ne, %sign3A_812, %sign3A_819 : i32
        %rem3A_821 = arith.remsi %add3A_803, %jit3A_804 : i32
        %ne3A_822 = arith.constant 0 : i32
        %ne3A_823 = arith.cmpi ne, %rem3A_821, %ne3A_822 : i32
        %and3A_824 = arith.andi %ne3A_820, %ne3A_823 : i1
        %sub3A_825 = arith.constant 1 : i32
        %sub3A_826 = arith.subi %div3A_805, %sub3A_825 : i32
        %select_n3A_827 = arith.select %and3A_824, %sub3A_826, %div3A_805 : i32
        %jit3A_828 = arith.constant 4 : i32
        %eq3A_829 = arith.constant 0 : i32
        %eq3A_830 = arith.cmpi eq, %jit3A_828, %eq3A_829 : i32
        %jit3A_831 = arith.constant 1 : i32
        %select_n3A_832 = arith.select %eq3A_830, %jit3A_831, %jit3A_828 : i32
        %rem3A_833 = arith.remsi %add3A_803, %select_n3A_832 : i32
        %ne3A_834 = arith.constant 0 : i32
        %ne3A_835 = arith.cmpi ne, %rem3A_833, %ne3A_834 : i32
        %lt3A_836 = arith.constant 0 : i32
        %lt3A_837 = arith.cmpi slt, %rem3A_833, %lt3A_836 : i32
        %lt3A_838 = arith.constant 0 : i32
        %lt3A_839 = arith.cmpi slt, %select_n3A_832, %lt3A_838 : i32
        %ne3A_840 = arith.xori %lt3A_837, %lt3A_839 : i1
        %and3A_841 = arith.andi %ne3A_840, %ne3A_835 : i1
        %add3A_842 = arith.addi %rem3A_833, %select_n3A_832 : i32
        %select_n3A_843 = arith.select %and3A_841, %add3A_842, %rem3A_833 : i32
        %mul3A_844 = arith.constant 128 : i32
        %mul3A_845 = arith.muli %select_n3A_843, %mul3A_844 : i32
        %dma_start3A_846 = tpu.memref_slice %arg5[%select_n3A_827, %mul3A_845] : memref<50x512xi32, #tpu.memory_space<vmem>> -> memref<1x128xi32, #tpu.memory_space<vmem>>
        %dma_start3A_847 = tpu.memref_squeeze %dma_start3A_846 : memref<1x128xi32, #tpu.memory_space<vmem>> -> memref<128xi32, #tpu.memory_space<vmem>>
        %dma_start3A_848 = arith.constant 0 : i32
        %dma_start3A_849 = arith.constant 0 : i32
        %dma_start3A_850 = tpu.memref_slice %arg3[%dma_start3A_848, %dma_start3A_849] : memref<1000000x64xf32, #tpu.memory_space<hbm>> -> memref<1000000x64xf32, #tpu.memory_space<hbm>>
        tpu.enqueue_indirect_dma source(%dma_start3A_850 : memref<1000000x64xf32, #tpu.memory_space<hbm>>) target(%arg8 : memref<128x64xf32, #tpu.memory_space<vmem>>) offsets(%dma_start3A_847 : memref<128xi32, #tpu.memory_space<vmem>>) semaphore(%arg14 : memref<!tpu.dma_semaphore, #tpu.memory_space<semaphore_mem>>)
      } else {
      }
      %jit3A_684 = arith.constant 4 : i32
      %div3A_685 = arith.divsi %add3A_676, %jit3A_684 : i32
      %sign3A_686 = arith.constant 0 : i32
      %sign3A_687 = arith.cmpi sgt, %add3A_676, %sign3A_686 : i32
      %sign3A_688 = arith.extui %sign3A_687 : i1 to i32
      %sign3A_689 = arith.constant 0 : i32
      %sign3A_690 = arith.cmpi slt, %add3A_676, %sign3A_689 : i32
      %sign3A_691 = arith.extui %sign3A_690 : i1 to i32
      %sign3A_692 = arith.subi %sign3A_688, %sign3A_691 : i32
      %sign3A_693 = arith.constant 0 : i32
      %sign3A_694 = arith.cmpi sgt, %jit3A_684, %sign3A_693 : i32
      %sign3A_695 = arith.extui %sign3A_694 : i1 to i32
      %sign3A_696 = arith.constant 0 : i32
      %sign3A_697 = arith.cmpi slt, %jit3A_684, %sign3A_696 : i32
      %sign3A_698 = arith.extui %sign3A_697 : i1 to i32
      %sign3A_699 = arith.subi %sign3A_695, %sign3A_698 : i32
      %ne3A_700 = arith.cmpi ne, %sign3A_692, %sign3A_699 : i32
      %rem3A_701 = arith.remsi %add3A_676, %jit3A_684 : i32
      %ne3A_702 = arith.constant 0 : i32
      %ne3A_703 = arith.cmpi ne, %rem3A_701, %ne3A_702 : i32
      %and3A_704 = arith.andi %ne3A_700, %ne3A_703 : i1
      %sub3A_705 = arith.constant 1 : i32
      %sub3A_706 = arith.subi %div3A_685, %sub3A_705 : i32
      %select_n3A_707 = arith.select %and3A_704, %sub3A_706, %div3A_685 : i32
      %jit3A_708 = arith.constant 4 : i32
      %eq3A_709 = arith.constant 0 : i32
      %eq3A_710 = arith.cmpi eq, %jit3A_708, %eq3A_709 : i32
      %jit3A_711 = arith.constant 1 : i32
      %select_n3A_712 = arith.select %eq3A_710, %jit3A_711, %jit3A_708 : i32
      %rem3A_713 = arith.remsi %add3A_676, %select_n3A_712 : i32
      %ne3A_714 = arith.constant 0 : i32
      %ne3A_715 = arith.cmpi ne, %rem3A_713, %ne3A_714 : i32
      %lt3A_716 = arith.constant 0 : i32
      %lt3A_717 = arith.cmpi slt, %rem3A_713, %lt3A_716 : i32
      %lt3A_718 = arith.constant 0 : i32
      %lt3A_719 = arith.cmpi slt, %select_n3A_712, %lt3A_718 : i32
      %ne3A_720 = arith.xori %lt3A_717, %lt3A_719 : i1
      %and3A_721 = arith.andi %ne3A_720, %ne3A_715 : i1
      %add3A_722 = arith.addi %rem3A_713, %select_n3A_712 : i32
      %select_n3A_723 = arith.select %and3A_721, %add3A_722, %rem3A_713 : i32
      %mul3A_724 = arith.constant 128 : i32
      %mul3A_725 = arith.muli %select_n3A_723, %mul3A_724 : i32
      %dma_wait3A_726 = tpu.memref_slice %arg5[%select_n3A_707, %mul3A_725] : memref<50x512xi32, #tpu.memory_space<vmem>> -> memref<1x128xi32, #tpu.memory_space<vmem>>
      %dma_wait3A_727 = tpu.memref_squeeze %dma_wait3A_726 : memref<1x128xi32, #tpu.memory_space<vmem>> -> memref<128xi32, #tpu.memory_space<vmem>>
      %dma_wait3A_728 = arith.constant 0 : i32
      %dma_wait3A_729 = arith.constant 0 : i32
      %dma_wait3A_730 = tpu.memref_slice %arg3[%dma_wait3A_728, %dma_wait3A_729] : memref<1000000x64xf32, #tpu.memory_space<hbm>> -> memref<1000000x64xf32, #tpu.memory_space<hbm>>
      tpu.wait_indirect_dma semaphore(%arg15 : memref<!tpu.dma_semaphore, #tpu.memory_space<semaphore_mem>>) src(%dma_wait3A_730 : memref<1000000x64xf32, #tpu.memory_space<hbm>>) dst(%arg9 : memref<128x64xf32, #tpu.memory_space<vmem>>)
      %ge3A_731 = arith.constant 2 : i32
      %ge3A_732 = arith.cmpi sge, %add3A_676, %ge3A_731 : i32
      %convert_element_type3A_733 = arith.extui %ge3A_732 : i1 to i32
      %cond3A_734 = arith.constant 0 : i32
      %cond3A_735 = arith.cmpi ne, %convert_element_type3A_733, %cond3A_734 : i32
      scf.if %cond3A_735 {
        %dma_wait3A_802 = arith.constant 0 : i32
        %dma_wait3A_803 = arith.constant 0 : i32
        %dma_wait3A_804 = arith.constant 0 : i32
        %dma_wait3A_805 = arith.constant 0 : i32
        %dma_wait3A_806 = arith.constant 0 : i32
        %dma_wait3A_807 = tpu.memref_slice %arg11[%dma_wait3A_804, %dma_wait3A_805, %dma_wait3A_806] : memref<8x8x129xf32, #tpu.memory_space<vmem>> -> memref<8x8x128xf32, #tpu.memory_space<vmem>>
        %dma_wait3A_808 = arith.constant 0 : i32
        %dma_wait3A_809 = arith.constant 0 : i32
        %dma_wait3A_810 = arith.constant 0 : i32
        %dma_wait3A_811 = tpu.memref_slice %arg4[%dma_wait3A_802, %dma_wait3A_808, %dma_wait3A_803, %dma_wait3A_809, %dma_wait3A_810] : memref<50x8x128x8x128xf32, #tpu.memory_space<hbm>> -> memref<1x8x1x8x128xf32, #tpu.memory_space<hbm>>
        %dma_wait3A_812 = tpu.memref_squeeze %dma_wait3A_811 : memref<1x8x1x8x128xf32, #tpu.memory_space<hbm>> -> memref<8x8x128xf32, #tpu.memory_space<hbm>>
        %dma_wait3A_813 = arith.constant 0 : i32
        %dma_wait3A_814 = arith.constant 0 : i32
        %dma_wait3A_815 = arith.constant 0 : i32
        %dma_wait3A_816 = tpu.memref_slice %arg11[%dma_wait3A_813, %dma_wait3A_814, %dma_wait3A_815] : memref<8x8x129xf32, #tpu.memory_space<vmem>> -> memref<8x8x128xf32, #tpu.memory_space<vmem>>
        %dma_wait3A_817 = arith.constant 0 : i32
        %dma_wait3A_818 = arith.constant 0 : i32
        %dma_wait3A_819 = arith.constant 0 : i32
        %dma_wait3A_820 = tpu.memref_slice %arg4[%dma_wait3A_802, %dma_wait3A_817, %dma_wait3A_803, %dma_wait3A_818, %dma_wait3A_819] : memref<50x8x128x8x128xf32, #tpu.memory_space<hbm>> -> memref<1x8x1x8x128xf32, #tpu.memory_space<hbm>>
        %dma_wait3A_821 = tpu.memref_squeeze %dma_wait3A_820 : memref<1x8x1x8x128xf32, #tpu.memory_space<hbm>> -> memref<8x8x128xf32, #tpu.memory_space<hbm>>
        tpu.wait_dma2 semaphore(%arg17 : memref<!tpu.dma_semaphore, #tpu.memory_space<semaphore_mem>>) src(%dma_wait3A_821 : memref<8x8x128xf32, #tpu.memory_space<hbm>>) dst(%dma_wait3A_816 : memref<8x8x128xf32, #tpu.memory_space<vmem>>)
      } else {
      }
      %scan3A_736 = arith.constant 0 : i32
      %scan3A_737 = arith.constant 8 : i32
      %scan3A_738 = arith.addi %scan3A_736, %scan3A_737 : i32
      %scan3A_739 = arith.constant 1 : i32
      scf.for %scan3A_802 = %scan3A_736 to %scan3A_738 step %scan3A_739  : i32 {
        %mul3A_803 = arith.constant 1 : i32
        %mul3A_804 = arith.muli %scan3A_802, %mul3A_803 : i32
        %add3A_805 = arith.constant 0 : i32
        %add3A_806 = arith.addi %add3A_805, %mul3A_804 : i32
        %mul3A_807 = arith.constant 16 : i32
        %mul3A_808 = arith.muli %add3A_806, %mul3A_807 : i32
        %add3A_809 = arith.constant 0 : i32
        %add3A_810 = arith.addi %mul3A_808, %add3A_809 : i32
        %broadcast_in_dim3A = vector.broadcast %add3A_810 : i32 to vector<16xi32>
        %get3A = arith.index_cast %add3A_810 : i32 to index
        %get3A_811 = arith.constant 0 : index
        %get3A_812 = tpu.vector_load %arg9[%get3A, %get3A_811] {strides = array<i32>} : memref<128x64xf32, #tpu.memory_space<vmem>>, vector<16xf32>,
        %get3A_813 = arith.index_cast %add3A_810 : i32 to index
        %get3A_814 = arith.constant 16 : index
        %get3A_815 = tpu.vector_load %arg9[%get3A_813, %get3A_814] {strides = array<i32>} : memref<128x64xf32, #tpu.memory_space<vmem>>, vector<16xf32>,
        %get3A_816 = arith.index_cast %add3A_810 : i32 to index
        %get3A_817 = arith.constant 32 : index
        %get3A_818 = tpu.vector_load %arg9[%get3A_816, %get3A_817] {strides = array<i32>} : memref<128x64xf32, #tpu.memory_space<vmem>>, vector<16xf32>,
        %get3A_819 = arith.index_cast %add3A_810 : i32 to index
        %get3A_820 = arith.constant 48 : index
        %get3A_821 = tpu.vector_load %arg9[%get3A_819, %get3A_820] {strides = array<i32>} : memref<128x64xf32, #tpu.memory_space<vmem>>, vector<16xf32>,
        %mul3A_822 = arith.constant 16 : i32
        %mul3A_823 = arith.muli %add3A_806, %mul3A_822 : i32
        %add3A_824 = arith.constant 1 : i32
        %add3A_825 = arith.addi %mul3A_823, %add3A_824 : i32
        %broadcast_in_dim3A_826 = vector.broadcast %add3A_825 : i32 to vector<16xi32>
        %get3A_827 = arith.index_cast %add3A_825 : i32 to index
        %get3A_828 = arith.constant 0 : index
        %get3A_829 = tpu.vector_load %arg9[%get3A_827, %get3A_828] {strides = array<i32>} : memref<128x64xf32, #tpu.memory_space<vmem>>, vector<16xf32>,
        %get3A_830 = arith.index_cast %add3A_825 : i32 to index
        %get3A_831 = arith.constant 16 : index
        %get3A_832 = tpu.vector_load %arg9[%get3A_830, %get3A_831] {strides = array<i32>} : memref<128x64xf32, #tpu.memory_space<vmem>>, vector<16xf32>,
        %get3A_833 = arith.index_cast %add3A_825 : i32 to index
        %get3A_834 = arith.constant 32 : index
        %get3A_835 = tpu.vector_load %arg9[%get3A_833, %get3A_834] {strides = array<i32>} : memref<128x64xf32, #tpu.memory_space<vmem>>, vector<16xf32>,
        %get3A_836 = arith.index_cast %add3A_825 : i32 to index
        %get3A_837 = arith.constant 48 : index
        %get3A_838 = tpu.vector_load %arg9[%get3A_836, %get3A_837] {strides = array<i32>} : memref<128x64xf32, #tpu.memory_space<vmem>>, vector<16xf32>,
        tpu.vector_store_idx %arg11[%select_n3A, %select_n3A_153, %broadcast_in_dim3A], %get3A_812 : memref<8x8x129xf32, #tpu.memory_space<vmem>>[vector<16xi32>, vector<16xi32>, vector<16xi32>], vector<16xf32>,
        tpu.vector_store_idx %arg11[%select_n3A_62, %select_n3A_178, %broadcast_in_dim3A], %get3A_815 : memref<8x8x129xf32, #tpu.memory_space<vmem>>[vector<16xi32>, vector<16xi32>, vector<16xi32>], vector<16xf32>,
        tpu.vector_store_idx %arg11[%select_n3A_96, %select_n3A_203, %broadcast_in_dim3A], %get3A_818 : memref<8x8x129xf32, #tpu.memory_space<vmem>>[vector<16xi32>, vector<16xi32>, vector<16xi32>], vector<16xf32>,
        tpu.vector_store_idx %arg11[%select_n3A_130, %select_n3A_228, %broadcast_in_dim3A], %get3A_821 : memref<8x8x129xf32, #tpu.memory_space<vmem>>[vector<16xi32>, vector<16xi32>, vector<16xi32>], vector<16xf32>,
        %mul3A_839 = arith.constant 16 : i32
        %mul3A_840 = arith.muli %add3A_806, %mul3A_839 : i32
        %add3A_841 = arith.constant 2 : i32
        %add3A_842 = arith.addi %mul3A_840, %add3A_841 : i32
        %broadcast_in_dim3A_843 = vector.broadcast %add3A_842 : i32 to vector<16xi32>
        %get3A_844 = arith.index_cast %add3A_842 : i32 to index
        %get3A_845 = arith.constant 0 : index
        %get3A_846 = tpu.vector_load %arg9[%get3A_844, %get3A_845] {strides = array<i32>} : memref<128x64xf32, #tpu.memory_space<vmem>>, vector<16xf32>,
        %get3A_847 = arith.index_cast %add3A_842 : i32 to index
        %get3A_848 = arith.constant 16 : index
        %get3A_849 = tpu.vector_load %arg9[%get3A_847, %get3A_848] {strides = array<i32>} : memref<128x64xf32, #tpu.memory_space<vmem>>, vector<16xf32>,
        %get3A_850 = arith.index_cast %add3A_842 : i32 to index
        %get3A_851 = arith.constant 32 : index
        %get3A_852 = tpu.vector_load %arg9[%get3A_850, %get3A_851] {strides = array<i32>} : memref<128x64xf32, #tpu.memory_space<vmem>>, vector<16xf32>,
        %get3A_853 = arith.index_cast %add3A_842 : i32 to index
        %get3A_854 = arith.constant 48 : index
        %get3A_855 = tpu.vector_load %arg9[%get3A_853, %get3A_854] {strides = array<i32>} : memref<128x64xf32, #tpu.memory_space<vmem>>, vector<16xf32>,
        tpu.vector_store_idx %arg11[%select_n3A, %select_n3A_153, %broadcast_in_dim3A_826], %get3A_829 : memref<8x8x129xf32, #tpu.memory_space<vmem>>[vector<16xi32>, vector<16xi32>, vector<16xi32>], vector<16xf32>,
        tpu.vector_store_idx %arg11[%select_n3A_62, %select_n3A_178, %broadcast_in_dim3A_826], %get3A_832 : memref<8x8x129xf32, #tpu.memory_space<vmem>>[vector<16xi32>, vector<16xi32>, vector<16xi32>], vector<16xf32>,
        tpu.vector_store_idx %arg11[%select_n3A_96, %select_n3A_203, %broadcast_in_dim3A_826], %get3A_835 : memref<8x8x129xf32, #tpu.memory_space<vmem>>[vector<16xi32>, vector<16xi32>, vector<16xi32>], vector<16xf32>,
        tpu.vector_store_idx %arg11[%select_n3A_130, %select_n3A_228, %broadcast_in_dim3A_826], %get3A_838 : memref<8x8x129xf32, #tpu.memory_space<vmem>>[vector<16xi32>, vector<16xi32>, vector<16xi32>], vector<16xf32>,
        %mul3A_856 = arith.constant 16 : i32
        %mul3A_857 = arith.muli %add3A_806, %mul3A_856 : i32
        %add3A_858 = arith.constant 3 : i32
        %add3A_859 = arith.addi %mul3A_857, %add3A_858 : i32
        %broadcast_in_dim3A_860 = vector.broadcast %add3A_859 : i32 to vector<16xi32>
        %get3A_861 = arith.index_cast %add3A_859 : i32 to index
        %get3A_862 = arith.constant 0 : index
        %get3A_863 = tpu.vector_load %arg9[%get3A_861, %get3A_862] {strides = array<i32>} : memref<128x64xf32, #tpu.memory_space<vmem>>, vector<16xf32>,
        %get3A_864 = arith.index_cast %add3A_859 : i32 to index
        %get3A_865 = arith.constant 16 : index
        %get3A_866 = tpu.vector_load %arg9[%get3A_864, %get3A_865] {strides = array<i32>} : memref<128x64xf32, #tpu.memory_space<vmem>>, vector<16xf32>,
        %get3A_867 = arith.index_cast %add3A_859 : i32 to index
        %get3A_868 = arith.constant 32 : index
        %get3A_869 = tpu.vector_load %arg9[%get3A_867, %get3A_868] {strides = array<i32>} : memref<128x64xf32, #tpu.memory_space<vmem>>, vector<16xf32>,
        %get3A_870 = arith.index_cast %add3A_859 : i32 to index
        %get3A_871 = arith.constant 48 : index
        %get3A_872 = tpu.vector_load %arg9[%get3A_870, %get3A_871] {strides = array<i32>} : memref<128x64xf32, #tpu.memory_space<vmem>>, vector<16xf32>,
        tpu.vector_store_idx %arg11[%select_n3A, %select_n3A_153, %broadcast_in_dim3A_843], %get3A_846 : memref<8x8x129xf32, #tpu.memory_space<vmem>>[vector<16xi32>, vector<16xi32>, vector<16xi32>], vector<16xf32>,
        tpu.vector_store_idx %arg11[%select_n3A_62, %select_n3A_178, %broadcast_in_dim3A_843], %get3A_849 : memref<8x8x129xf32, #tpu.memory_space<vmem>>[vector<16xi32>, vector<16xi32>, vector<16xi32>], vector<16xf32>,
        tpu.vector_store_idx %arg11[%select_n3A_96, %select_n3A_203, %broadcast_in_dim3A_843], %get3A_852 : memref<8x8x129xf32, #tpu.memory_space<vmem>>[vector<16xi32>, vector<16xi32>, vector<16xi32>], vector<16xf32>,
        tpu.vector_store_idx %arg11[%select_n3A_130, %select_n3A_228, %broadcast_in_dim3A_843], %get3A_855 : memref<8x8x129xf32, #tpu.memory_space<vmem>>[vector<16xi32>, vector<16xi32>, vector<16xi32>], vector<16xf32>,
        %mul3A_873 = arith.constant 16 : i32
        %mul3A_874 = arith.muli %add3A_806, %mul3A_873 : i32
        %add3A_875 = arith.constant 4 : i32
        %add3A_876 = arith.addi %mul3A_874, %add3A_875 : i32
        %broadcast_in_dim3A_877 = vector.broadcast %add3A_876 : i32 to vector<16xi32>
        %get3A_878 = arith.index_cast %add3A_876 : i32 to index
        %get3A_879 = arith.constant 0 : index
        %get3A_880 = tpu.vector_load %arg9[%get3A_878, %get3A_879] {strides = array<i32>} : memref<128x64xf32, #tpu.memory_space<vmem>>, vector<16xf32>,
        %get3A_881 = arith.index_cast %add3A_876 : i32 to index
        %get3A_882 = arith.constant 16 : index
        %get3A_883 = tpu.vector_load %arg9[%get3A_881, %get3A_882] {strides = array<i32>} : memref<128x64xf32, #tpu.memory_space<vmem>>, vector<16xf32>,
        %get3A_884 = arith.index_cast %add3A_876 : i32 to index
        %get3A_885 = arith.constant 32 : index
        %get3A_886 = tpu.vector_load %arg9[%get3A_884, %get3A_885] {strides = array<i32>} : memref<128x64xf32, #tpu.memory_space<vmem>>, vector<16xf32>,
        %get3A_887 = arith.index_cast %add3A_876 : i32 to index
        %get3A_888 = arith.constant 48 : index
        %get3A_889 = tpu.vector_load %arg9[%get3A_887, %get3A_888] {strides = array<i32>} : memref<128x64xf32, #tpu.memory_space<vmem>>, vector<16xf32>,
        tpu.vector_store_idx %arg11[%select_n3A, %select_n3A_153, %broadcast_in_dim3A_860], %get3A_863 : memref<8x8x129xf32, #tpu.memory_space<vmem>>[vector<16xi32>, vector<16xi32>, vector<16xi32>], vector<16xf32>,
        tpu.vector_store_idx %arg11[%select_n3A_62, %select_n3A_178, %broadcast_in_dim3A_860], %get3A_866 : memref<8x8x129xf32, #tpu.memory_space<vmem>>[vector<16xi32>, vector<16xi32>, vector<16xi32>], vector<16xf32>,
        tpu.vector_store_idx %arg11[%select_n3A_96, %select_n3A_203, %broadcast_in_dim3A_860], %get3A_869 : memref<8x8x129xf32, #tpu.memory_space<vmem>>[vector<16xi32>, vector<16xi32>, vector<16xi32>], vector<16xf32>,
        tpu.vector_store_idx %arg11[%select_n3A_130, %select_n3A_228, %broadcast_in_dim3A_860], %get3A_872 : memref<8x8x129xf32, #tpu.memory_space<vmem>>[vector<16xi32>, vector<16xi32>, vector<16xi32>], vector<16xf32>,
        %mul3A_890 = arith.constant 16 : i32
        %mul3A_891 = arith.muli %add3A_806, %mul3A_890 : i32
        %add3A_892 = arith.constant 5 : i32
        %add3A_893 = arith.addi %mul3A_891, %add3A_892 : i32
        %broadcast_in_dim3A_894 = vector.broadcast %add3A_893 : i32 to vector<16xi32>
        %get3A_895 = arith.index_cast %add3A_893 : i32 to index
        %get3A_896 = arith.constant 0 : index
        %get3A_897 = tpu.vector_load %arg9[%get3A_895, %get3A_896] {strides = array<i32>} : memref<128x64xf32, #tpu.memory_space<vmem>>, vector<16xf32>,
        %get3A_898 = arith.index_cast %add3A_893 : i32 to index
        %get3A_899 = arith.constant 16 : index
        %get3A_900 = tpu.vector_load %arg9[%get3A_898, %get3A_899] {strides = array<i32>} : memref<128x64xf32, #tpu.memory_space<vmem>>, vector<16xf32>,
        %get3A_901 = arith.index_cast %add3A_893 : i32 to index
        %get3A_902 = arith.constant 32 : index
        %get3A_903 = tpu.vector_load %arg9[%get3A_901, %get3A_902] {strides = array<i32>} : memref<128x64xf32, #tpu.memory_space<vmem>>, vector<16xf32>,
        %get3A_904 = arith.index_cast %add3A_893 : i32 to index
        %get3A_905 = arith.constant 48 : index
        %get3A_906 = tpu.vector_load %arg9[%get3A_904, %get3A_905] {strides = array<i32>} : memref<128x64xf32, #tpu.memory_space<vmem>>, vector<16xf32>,
        tpu.vector_store_idx %arg11[%select_n3A, %select_n3A_153, %broadcast_in_dim3A_877], %get3A_880 : memref<8x8x129xf32, #tpu.memory_space<vmem>>[vector<16xi32>, vector<16xi32>, vector<16xi32>], vector<16xf32>,
        tpu.vector_store_idx %arg11[%select_n3A_62, %select_n3A_178, %broadcast_in_dim3A_877], %get3A_883 : memref<8x8x129xf32, #tpu.memory_space<vmem>>[vector<16xi32>, vector<16xi32>, vector<16xi32>], vector<16xf32>,
        tpu.vector_store_idx %arg11[%select_n3A_96, %select_n3A_203, %broadcast_in_dim3A_877], %get3A_886 : memref<8x8x129xf32, #tpu.memory_space<vmem>>[vector<16xi32>, vector<16xi32>, vector<16xi32>], vector<16xf32>,
        tpu.vector_store_idx %arg11[%select_n3A_130, %select_n3A_228, %broadcast_in_dim3A_877], %get3A_889 : memref<8x8x129xf32, #tpu.memory_space<vmem>>[vector<16xi32>, vector<16xi32>, vector<16xi32>], vector<16xf32>,
        %mul3A_907 = arith.constant 16 : i32
        %mul3A_908 = arith.muli %add3A_806, %mul3A_907 : i32
        %add3A_909 = arith.constant 6 : i32
        %add3A_910 = arith.addi %mul3A_908, %add3A_909 : i32
        %broadcast_in_dim3A_911 = vector.broadcast %add3A_910 : i32 to vector<16xi32>
        %get3A_912 = arith.index_cast %add3A_910 : i32 to index
        %get3A_913 = arith.constant 0 : index
        %get3A_914 = tpu.vector_load %arg9[%get3A_912, %get3A_913] {strides = array<i32>} : memref<128x64xf32, #tpu.memory_space<vmem>>, vector<16xf32>,
        %get3A_915 = arith.index_cast %add3A_910 : i32 to index
        %get3A_916 = arith.constant 16 : index
        %get3A_917 = tpu.vector_load %arg9[%get3A_915, %get3A_916] {strides = array<i32>} : memref<128x64xf32, #tpu.memory_space<vmem>>, vector<16xf32>,
        %get3A_918 = arith.index_cast %add3A_910 : i32 to index
        %get3A_919 = arith.constant 32 : index
        %get3A_920 = tpu.vector_load %arg9[%get3A_918, %get3A_919] {strides = array<i32>} : memref<128x64xf32, #tpu.memory_space<vmem>>, vector<16xf32>,
        %get3A_921 = arith.index_cast %add3A_910 : i32 to index
        %get3A_922 = arith.constant 48 : index
        %get3A_923 = tpu.vector_load %arg9[%get3A_921, %get3A_922] {strides = array<i32>} : memref<128x64xf32, #tpu.memory_space<vmem>>, vector<16xf32>,
        tpu.vector_store_idx %arg11[%select_n3A, %select_n3A_153, %broadcast_in_dim3A_894], %get3A_897 : memref<8x8x129xf32, #tpu.memory_space<vmem>>[vector<16xi32>, vector<16xi32>, vector<16xi32>], vector<16xf32>,
        tpu.vector_store_idx %arg11[%select_n3A_62, %select_n3A_178, %broadcast_in_dim3A_894], %get3A_900 : memref<8x8x129xf32, #tpu.memory_space<vmem>>[vector<16xi32>, vector<16xi32>, vector<16xi32>], vector<16xf32>,
        tpu.vector_store_idx %arg11[%select_n3A_96, %select_n3A_203, %broadcast_in_dim3A_894], %get3A_903 : memref<8x8x129xf32, #tpu.memory_space<vmem>>[vector<16xi32>, vector<16xi32>, vector<16xi32>], vector<16xf32>,
        tpu.vector_store_idx %arg11[%select_n3A_130, %select_n3A_228, %broadcast_in_dim3A_894], %get3A_906 : memref<8x8x129xf32, #tpu.memory_space<vmem>>[vector<16xi32>, vector<16xi32>, vector<16xi32>], vector<16xf32>,
        %mul3A_924 = arith.constant 16 : i32
        %mul3A_925 = arith.muli %add3A_806, %mul3A_924 : i32
        %add3A_926 = arith.constant 7 : i32
        %add3A_927 = arith.addi %mul3A_925, %add3A_926 : i32
        %broadcast_in_dim3A_928 = vector.broadcast %add3A_927 : i32 to vector<16xi32>
        %get3A_929 = arith.index_cast %add3A_927 : i32 to index
        %get3A_930 = arith.constant 0 : index
        %get3A_931 = tpu.vector_load %arg9[%get3A_929, %get3A_930] {strides = array<i32>} : memref<128x64xf32, #tpu.memory_space<vmem>>, vector<16xf32>,
        %get3A_932 = arith.index_cast %add3A_927 : i32 to index
        %get3A_933 = arith.constant 16 : index
        %get3A_934 = tpu.vector_load %arg9[%get3A_932, %get3A_933] {strides = array<i32>} : memref<128x64xf32, #tpu.memory_space<vmem>>, vector<16xf32>,
        %get3A_935 = arith.index_cast %add3A_927 : i32 to index
        %get3A_936 = arith.constant 32 : index
        %get3A_937 = tpu.vector_load %arg9[%get3A_935, %get3A_936] {strides = array<i32>} : memref<128x64xf32, #tpu.memory_space<vmem>>, vector<16xf32>,
        %get3A_938 = arith.index_cast %add3A_927 : i32 to index
        %get3A_939 = arith.constant 48 : index
        %get3A_940 = tpu.vector_load %arg9[%get3A_938, %get3A_939] {strides = array<i32>} : memref<128x64xf32, #tpu.memory_space<vmem>>, vector<16xf32>,
        tpu.vector_store_idx %arg11[%select_n3A, %select_n3A_153, %broadcast_in_dim3A_911], %get3A_914 : memref<8x8x129xf32, #tpu.memory_space<vmem>>[vector<16xi32>, vector<16xi32>, vector<16xi32>], vector<16xf32>,
        tpu.vector_store_idx %arg11[%select_n3A_62, %select_n3A_178, %broadcast_in_dim3A_911], %get3A_917 : memref<8x8x129xf32, #tpu.memory_space<vmem>>[vector<16xi32>, vector<16xi32>, vector<16xi32>], vector<16xf32>,
        tpu.vector_store_idx %arg11[%select_n3A_96, %select_n3A_203, %broadcast_in_dim3A_911], %get3A_920 : memref<8x8x129xf32, #tpu.memory_space<vmem>>[vector<16xi32>, vector<16xi32>, vector<16xi32>], vector<16xf32>,
        tpu.vector_store_idx %arg11[%select_n3A_130, %select_n3A_228, %broadcast_in_dim3A_911], %get3A_923 : memref<8x8x129xf32, #tpu.memory_space<vmem>>[vector<16xi32>, vector<16xi32>, vector<16xi32>], vector<16xf32>,
        %mul3A_941 = arith.constant 16 : i32
        %mul3A_942 = arith.muli %add3A_806, %mul3A_941 : i32
        %add3A_943 = arith.constant 8 : i32
        %add3A_944 = arith.addi %mul3A_942, %add3A_943 : i32
        %broadcast_in_dim3A_945 = vector.broadcast %add3A_944 : i32 to vector<16xi32>
        %get3A_946 = arith.index_cast %add3A_944 : i32 to index
        %get3A_947 = arith.constant 0 : index
        %get3A_948 = tpu.vector_load %arg9[%get3A_946, %get3A_947] {strides = array<i32>} : memref<128x64xf32, #tpu.memory_space<vmem>>, vector<16xf32>,
        %get3A_949 = arith.index_cast %add3A_944 : i32 to index
        %get3A_950 = arith.constant 16 : index
        %get3A_951 = tpu.vector_load %arg9[%get3A_949, %get3A_950] {strides = array<i32>} : memref<128x64xf32, #tpu.memory_space<vmem>>, vector<16xf32>,
        %get3A_952 = arith.index_cast %add3A_944 : i32 to index
        %get3A_953 = arith.constant 32 : index
        %get3A_954 = tpu.vector_load %arg9[%get3A_952, %get3A_953] {strides = array<i32>} : memref<128x64xf32, #tpu.memory_space<vmem>>, vector<16xf32>,
        %get3A_955 = arith.index_cast %add3A_944 : i32 to index
        %get3A_956 = arith.constant 48 : index
        %get3A_957 = tpu.vector_load %arg9[%get3A_955, %get3A_956] {strides = array<i32>} : memref<128x64xf32, #tpu.memory_space<vmem>>, vector<16xf32>,
        tpu.vector_store_idx %arg11[%select_n3A, %select_n3A_153, %broadcast_in_dim3A_928], %get3A_931 : memref<8x8x129xf32, #tpu.memory_space<vmem>>[vector<16xi32>, vector<16xi32>, vector<16xi32>], vector<16xf32>,
        tpu.vector_store_idx %arg11[%select_n3A_62, %select_n3A_178, %broadcast_in_dim3A_928], %get3A_934 : memref<8x8x129xf32, #tpu.memory_space<vmem>>[vector<16xi32>, vector<16xi32>, vector<16xi32>], vector<16xf32>,
        tpu.vector_store_idx %arg11[%select_n3A_96, %select_n3A_203, %broadcast_in_dim3A_928], %get3A_937 : memref<8x8x129xf32, #tpu.memory_space<vmem>>[vector<16xi32>, vector<16xi32>, vector<16xi32>], vector<16xf32>,
        tpu.vector_store_idx %arg11[%select_n3A_130, %select_n3A_228, %broadcast_in_dim3A_928], %get3A_940 : memref<8x8x129xf32, #tpu.memory_space<vmem>>[vector<16xi32>, vector<16xi32>, vector<16xi32>], vector<16xf32>,
        %mul3A_958 = arith.constant 16 : i32
        %mul3A_959 = arith.muli %add3A_806, %mul3A_958 : i32
        %add3A_960 = arith.constant 9 : i32
        %add3A_961 = arith.addi %mul3A_959, %add3A_960 : i32
        %broadcast_in_dim3A_962 = vector.broadcast %add3A_961 : i32 to vector<16xi32>
        %get3A_963 = arith.index_cast %add3A_961 : i32 to index
        %get3A_964 = arith.constant 0 : index
        %get3A_965 = tpu.vector_load %arg9[%get3A_963, %get3A_964] {strides = array<i32>} : memref<128x64xf32, #tpu.memory_space<vmem>>, vector<16xf32>,
        %get3A_966 = arith.index_cast %add3A_961 : i32 to index
        %get3A_967 = arith.constant 16 : index
        %get3A_968 = tpu.vector_load %arg9[%get3A_966, %get3A_967] {strides = array<i32>} : memref<128x64xf32, #tpu.memory_space<vmem>>, vector<16xf32>,
        %get3A_969 = arith.index_cast %add3A_961 : i32 to index
        %get3A_970 = arith.constant 32 : index
        %get3A_971 = tpu.vector_load %arg9[%get3A_969, %get3A_970] {strides = array<i32>} : memref<128x64xf32, #tpu.memory_space<vmem>>, vector<16xf32>,
        %get3A_972 = arith.index_cast %add3A_961 : i32 to index
        %get3A_973 = arith.constant 48 : index
        %get3A_974 = tpu.vector_load %arg9[%get3A_972, %get3A_973] {strides = array<i32>} : memref<128x64xf32, #tpu.memory_space<vmem>>, vector<16xf32>,
        tpu.vector_store_idx %arg11[%select_n3A, %select_n3A_153, %broadcast_in_dim3A_945], %get3A_948 : memref<8x8x129xf32, #tpu.memory_space<vmem>>[vector<16xi32>, vector<16xi32>, vector<16xi32>], vector<16xf32>,
        tpu.vector_store_idx %arg11[%select_n3A_62, %select_n3A_178, %broadcast_in_dim3A_945], %get3A_951 : memref<8x8x129xf32, #tpu.memory_space<vmem>>[vector<16xi32>, vector<16xi32>, vector<16xi32>], vector<16xf32>,
        tpu.vector_store_idx %arg11[%select_n3A_96, %select_n3A_203, %broadcast_in_dim3A_945], %get3A_954 : memref<8x8x129xf32, #tpu.memory_space<vmem>>[vector<16xi32>, vector<16xi32>, vector<16xi32>], vector<16xf32>,
        tpu.vector_store_idx %arg11[%select_n3A_130, %select_n3A_228, %broadcast_in_dim3A_945], %get3A_957 : memref<8x8x129xf32, #tpu.memory_space<vmem>>[vector<16xi32>, vector<16xi32>, vector<16xi32>], vector<16xf32>,
        %mul3A_975 = arith.constant 16 : i32
        %mul3A_976 = arith.muli %add3A_806, %mul3A_975 : i32
        %add3A_977 = arith.constant 10 : i32
        %add3A_978 = arith.addi %mul3A_976, %add3A_977 : i32
        %broadcast_in_dim3A_979 = vector.broadcast %add3A_978 : i32 to vector<16xi32>
        %get3A_980 = arith.index_cast %add3A_978 : i32 to index
        %get3A_981 = arith.constant 0 : index
        %get3A_982 = tpu.vector_load %arg9[%get3A_980, %get3A_981] {strides = array<i32>} : memref<128x64xf32, #tpu.memory_space<vmem>>, vector<16xf32>,
        %get3A_983 = arith.index_cast %add3A_978 : i32 to index
        %get3A_984 = arith.constant 16 : index
        %get3A_985 = tpu.vector_load %arg9[%get3A_983, %get3A_984] {strides = array<i32>} : memref<128x64xf32, #tpu.memory_space<vmem>>, vector<16xf32>,
        %get3A_986 = arith.index_cast %add3A_978 : i32 to index
        %get3A_987 = arith.constant 32 : index
        %get3A_988 = tpu.vector_load %arg9[%get3A_986, %get3A_987] {strides = array<i32>} : memref<128x64xf32, #tpu.memory_space<vmem>>, vector<16xf32>,
        %get3A_989 = arith.index_cast %add3A_978 : i32 to index
        %get3A_990 = arith.constant 48 : index
        %get3A_991 = tpu.vector_load %arg9[%get3A_989, %get3A_990] {strides = array<i32>} : memref<128x64xf32, #tpu.memory_space<vmem>>, vector<16xf32>,
        tpu.vector_store_idx %arg11[%select_n3A, %select_n3A_153, %broadcast_in_dim3A_962], %get3A_965 : memref<8x8x129xf32, #tpu.memory_space<vmem>>[vector<16xi32>, vector<16xi32>, vector<16xi32>], vector<16xf32>,
        tpu.vector_store_idx %arg11[%select_n3A_62, %select_n3A_178, %broadcast_in_dim3A_962], %get3A_968 : memref<8x8x129xf32, #tpu.memory_space<vmem>>[vector<16xi32>, vector<16xi32>, vector<16xi32>], vector<16xf32>,
        tpu.vector_store_idx %arg11[%select_n3A_96, %select_n3A_203, %broadcast_in_dim3A_962], %get3A_971 : memref<8x8x129xf32, #tpu.memory_space<vmem>>[vector<16xi32>, vector<16xi32>, vector<16xi32>], vector<16xf32>,
        tpu.vector_store_idx %arg11[%select_n3A_130, %select_n3A_228, %broadcast_in_dim3A_962], %get3A_974 : memref<8x8x129xf32, #tpu.memory_space<vmem>>[vector<16xi32>, vector<16xi32>, vector<16xi32>], vector<16xf32>,
        %mul3A_992 = arith.constant 16 : i32
        %mul3A_993 = arith.muli %add3A_806, %mul3A_992 : i32
        %add3A_994 = arith.constant 11 : i32
        %add3A_995 = arith.addi %mul3A_993, %add3A_994 : i32
        %broadcast_in_dim3A_996 = vector.broadcast %add3A_995 : i32 to vector<16xi32>
        %get3A_997 = arith.index_cast %add3A_995 : i32 to index
        %get3A_998 = arith.constant 0 : index
        %get3A_999 = tpu.vector_load %arg9[%get3A_997, %get3A_998] {strides = array<i32>} : memref<128x64xf32, #tpu.memory_space<vmem>>, vector<16xf32>,
        %get3A_1000 = arith.index_cast %add3A_995 : i32 to index
        %get3A_1001 = arith.constant 16 : index
        %get3A_1002 = tpu.vector_load %arg9[%get3A_1000, %get3A_1001] {strides = array<i32>} : memref<128x64xf32, #tpu.memory_space<vmem>>, vector<16xf32>,
        %get3A_1003 = arith.index_cast %add3A_995 : i32 to index
        %get3A_1004 = arith.constant 32 : index
        %get3A_1005 = tpu.vector_load %arg9[%get3A_1003, %get3A_1004] {strides = array<i32>} : memref<128x64xf32, #tpu.memory_space<vmem>>, vector<16xf32>,
        %get3A_1006 = arith.index_cast %add3A_995 : i32 to index
        %get3A_1007 = arith.constant 48 : index
        %get3A_1008 = tpu.vector_load %arg9[%get3A_1006, %get3A_1007] {strides = array<i32>} : memref<128x64xf32, #tpu.memory_space<vmem>>, vector<16xf32>,
        tpu.vector_store_idx %arg11[%select_n3A, %select_n3A_153, %broadcast_in_dim3A_979], %get3A_982 : memref<8x8x129xf32, #tpu.memory_space<vmem>>[vector<16xi32>, vector<16xi32>, vector<16xi32>], vector<16xf32>,
        tpu.vector_store_idx %arg11[%select_n3A_62, %select_n3A_178, %broadcast_in_dim3A_979], %get3A_985 : memref<8x8x129xf32, #tpu.memory_space<vmem>>[vector<16xi32>, vector<16xi32>, vector<16xi32>], vector<16xf32>,
        tpu.vector_store_idx %arg11[%select_n3A_96, %select_n3A_203, %broadcast_in_dim3A_979], %get3A_988 : memref<8x8x129xf32, #tpu.memory_space<vmem>>[vector<16xi32>, vector<16xi32>, vector<16xi32>], vector<16xf32>,
        tpu.vector_store_idx %arg11[%select_n3A_130, %select_n3A_228, %broadcast_in_dim3A_979], %get3A_991 : memref<8x8x129xf32, #tpu.memory_space<vmem>>[vector<16xi32>, vector<16xi32>, vector<16xi32>], vector<16xf32>,
        %mul3A_1009 = arith.constant 16 : i32
        %mul3A_1010 = arith.muli %add3A_806, %mul3A_1009 : i32
        %add3A_1011 = arith.constant 12 : i32
        %add3A_1012 = arith.addi %mul3A_1010, %add3A_1011 : i32
        %broadcast_in_dim3A_1013 = vector.broadcast %add3A_1012 : i32 to vector<16xi32>
        %get3A_1014 = arith.index_cast %add3A_1012 : i32 to index
        %get3A_1015 = arith.constant 0 : index
        %get3A_1016 = tpu.vector_load %arg9[%get3A_1014, %get3A_1015] {strides = array<i32>} : memref<128x64xf32, #tpu.memory_space<vmem>>, vector<16xf32>,
        %get3A_1017 = arith.index_cast %add3A_1012 : i32 to index
        %get3A_1018 = arith.constant 16 : index
        %get3A_1019 = tpu.vector_load %arg9[%get3A_1017, %get3A_1018] {strides = array<i32>} : memref<128x64xf32, #tpu.memory_space<vmem>>, vector<16xf32>,
        %get3A_1020 = arith.index_cast %add3A_1012 : i32 to index
        %get3A_1021 = arith.constant 32 : index
        %get3A_1022 = tpu.vector_load %arg9[%get3A_1020, %get3A_1021] {strides = array<i32>} : memref<128x64xf32, #tpu.memory_space<vmem>>, vector<16xf32>,
        %get3A_1023 = arith.index_cast %add3A_1012 : i32 to index
        %get3A_1024 = arith.constant 48 : index
        %get3A_1025 = tpu.vector_load %arg9[%get3A_1023, %get3A_1024] {strides = array<i32>} : memref<128x64xf32, #tpu.memory_space<vmem>>, vector<16xf32>,
        tpu.vector_store_idx %arg11[%select_n3A, %select_n3A_153, %broadcast_in_dim3A_996], %get3A_999 : memref<8x8x129xf32, #tpu.memory_space<vmem>>[vector<16xi32>, vector<16xi32>, vector<16xi32>], vector<16xf32>,
        tpu.vector_store_idx %arg11[%select_n3A_62, %select_n3A_178, %broadcast_in_dim3A_996], %get3A_1002 : memref<8x8x129xf32, #tpu.memory_space<vmem>>[vector<16xi32>, vector<16xi32>, vector<16xi32>], vector<16xf32>,
        tpu.vector_store_idx %arg11[%select_n3A_96, %select_n3A_203, %broadcast_in_dim3A_996], %get3A_1005 : memref<8x8x129xf32, #tpu.memory_space<vmem>>[vector<16xi32>, vector<16xi32>, vector<16xi32>], vector<16xf32>,
        tpu.vector_store_idx %arg11[%select_n3A_130, %select_n3A_228, %broadcast_in_dim3A_996], %get3A_1008 : memref<8x8x129xf32, #tpu.memory_space<vmem>>[vector<16xi32>, vector<16xi32>, vector<16xi32>], vector<16xf32>,
        %mul3A_1026 = arith.constant 16 : i32
        %mul3A_1027 = arith.muli %add3A_806, %mul3A_1026 : i32
        %add3A_1028 = arith.constant 13 : i32
        %add3A_1029 = arith.addi %mul3A_1027, %add3A_1028 : i32
        %broadcast_in_dim3A_1030 = vector.broadcast %add3A_1029 : i32 to vector<16xi32>
        %get3A_1031 = arith.index_cast %add3A_1029 : i32 to index
        %get3A_1032 = arith.constant 0 : index
        %get3A_1033 = tpu.vector_load %arg9[%get3A_1031, %get3A_1032] {strides = array<i32>} : memref<128x64xf32, #tpu.memory_space<vmem>>, vector<16xf32>,
        %get3A_1034 = arith.index_cast %add3A_1029 : i32 to index
        %get3A_1035 = arith.constant 16 : index
        %get3A_1036 = tpu.vector_load %arg9[%get3A_1034, %get3A_1035] {strides = array<i32>} : memref<128x64xf32, #tpu.memory_space<vmem>>, vector<16xf32>,
        %get3A_1037 = arith.index_cast %add3A_1029 : i32 to index
        %get3A_1038 = arith.constant 32 : index
        %get3A_1039 = tpu.vector_load %arg9[%get3A_1037, %get3A_1038] {strides = array<i32>} : memref<128x64xf32, #tpu.memory_space<vmem>>, vector<16xf32>,
        %get3A_1040 = arith.index_cast %add3A_1029 : i32 to index
        %get3A_1041 = arith.constant 48 : index
        %get3A_1042 = tpu.vector_load %arg9[%get3A_1040, %get3A_1041] {strides = array<i32>} : memref<128x64xf32, #tpu.memory_space<vmem>>, vector<16xf32>,
        tpu.vector_store_idx %arg11[%select_n3A, %select_n3A_153, %broadcast_in_dim3A_1013], %get3A_1016 : memref<8x8x129xf32, #tpu.memory_space<vmem>>[vector<16xi32>, vector<16xi32>, vector<16xi32>], vector<16xf32>,
        tpu.vector_store_idx %arg11[%select_n3A_62, %select_n3A_178, %broadcast_in_dim3A_1013], %get3A_1019 : memref<8x8x129xf32, #tpu.memory_space<vmem>>[vector<16xi32>, vector<16xi32>, vector<16xi32>], vector<16xf32>,
        tpu.vector_store_idx %arg11[%select_n3A_96, %select_n3A_203, %broadcast_in_dim3A_1013], %get3A_1022 : memref<8x8x129xf32, #tpu.memory_space<vmem>>[vector<16xi32>, vector<16xi32>, vector<16xi32>], vector<16xf32>,
        tpu.vector_store_idx %arg11[%select_n3A_130, %select_n3A_228, %broadcast_in_dim3A_1013], %get3A_1025 : memref<8x8x129xf32, #tpu.memory_space<vmem>>[vector<16xi32>, vector<16xi32>, vector<16xi32>], vector<16xf32>,
        %mul3A_1043 = arith.constant 16 : i32
        %mul3A_1044 = arith.muli %add3A_806, %mul3A_1043 : i32
        %add3A_1045 = arith.constant 14 : i32
        %add3A_1046 = arith.addi %mul3A_1044, %add3A_1045 : i32
        %broadcast_in_dim3A_1047 = vector.broadcast %add3A_1046 : i32 to vector<16xi32>
        %get3A_1048 = arith.index_cast %add3A_1046 : i32 to index
        %get3A_1049 = arith.constant 0 : index
        %get3A_1050 = tpu.vector_load %arg9[%get3A_1048, %get3A_1049] {strides = array<i32>} : memref<128x64xf32, #tpu.memory_space<vmem>>, vector<16xf32>,
        %get3A_1051 = arith.index_cast %add3A_1046 : i32 to index
        %get3A_1052 = arith.constant 16 : index
        %get3A_1053 = tpu.vector_load %arg9[%get3A_1051, %get3A_1052] {strides = array<i32>} : memref<128x64xf32, #tpu.memory_space<vmem>>, vector<16xf32>,
        %get3A_1054 = arith.index_cast %add3A_1046 : i32 to index
        %get3A_1055 = arith.constant 32 : index
        %get3A_1056 = tpu.vector_load %arg9[%get3A_1054, %get3A_1055] {strides = array<i32>} : memref<128x64xf32, #tpu.memory_space<vmem>>, vector<16xf32>,
        %get3A_1057 = arith.index_cast %add3A_1046 : i32 to index
        %get3A_1058 = arith.constant 48 : index
        %get3A_1059 = tpu.vector_load %arg9[%get3A_1057, %get3A_1058] {strides = array<i32>} : memref<128x64xf32, #tpu.memory_space<vmem>>, vector<16xf32>,
        tpu.vector_store_idx %arg11[%select_n3A, %select_n3A_153, %broadcast_in_dim3A_1030], %get3A_1033 : memref<8x8x129xf32, #tpu.memory_space<vmem>>[vector<16xi32>, vector<16xi32>, vector<16xi32>], vector<16xf32>,
        tpu.vector_store_idx %arg11[%select_n3A_62, %select_n3A_178, %broadcast_in_dim3A_1030], %get3A_1036 : memref<8x8x129xf32, #tpu.memory_space<vmem>>[vector<16xi32>, vector<16xi32>, vector<16xi32>], vector<16xf32>,
        tpu.vector_store_idx %arg11[%select_n3A_96, %select_n3A_203, %broadcast_in_dim3A_1030], %get3A_1039 : memref<8x8x129xf32, #tpu.memory_space<vmem>>[vector<16xi32>, vector<16xi32>, vector<16xi32>], vector<16xf32>,
        tpu.vector_store_idx %arg11[%select_n3A_130, %select_n3A_228, %broadcast_in_dim3A_1030], %get3A_1042 : memref<8x8x129xf32, #tpu.memory_space<vmem>>[vector<16xi32>, vector<16xi32>, vector<16xi32>], vector<16xf32>,
        %mul3A_1060 = arith.constant 16 : i32
        %mul3A_1061 = arith.muli %add3A_806, %mul3A_1060 : i32
        %add3A_1062 = arith.constant 15 : i32
        %add3A_1063 = arith.addi %mul3A_1061, %add3A_1062 : i32
        %broadcast_in_dim3A_1064 = vector.broadcast %add3A_1063 : i32 to vector<16xi32>
        %get3A_1065 = arith.index_cast %add3A_1063 : i32 to index
        %get3A_1066 = arith.constant 0 : index
        %get3A_1067 = tpu.vector_load %arg9[%get3A_1065, %get3A_1066] {strides = array<i32>} : memref<128x64xf32, #tpu.memory_space<vmem>>, vector<16xf32>,
        %get3A_1068 = arith.index_cast %add3A_1063 : i32 to index
        %get3A_1069 = arith.constant 16 : index
        %get3A_1070 = tpu.vector_load %arg9[%get3A_1068, %get3A_1069] {strides = array<i32>} : memref<128x64xf32, #tpu.memory_space<vmem>>, vector<16xf32>,
        %get3A_1071 = arith.index_cast %add3A_1063 : i32 to index
        %get3A_1072 = arith.constant 32 : index
        %get3A_1073 = tpu.vector_load %arg9[%get3A_1071, %get3A_1072] {strides = array<i32>} : memref<128x64xf32, #tpu.memory_space<vmem>>, vector<16xf32>,
        %get3A_1074 = arith.index_cast %add3A_1063 : i32 to index
        %get3A_1075 = arith.constant 48 : index
        %get3A_1076 = tpu.vector_load %arg9[%get3A_1074, %get3A_1075] {strides = array<i32>} : memref<128x64xf32, #tpu.memory_space<vmem>>, vector<16xf32>,
        tpu.vector_store_idx %arg11[%select_n3A, %select_n3A_153, %broadcast_in_dim3A_1047], %get3A_1050 : memref<8x8x129xf32, #tpu.memory_space<vmem>>[vector<16xi32>, vector<16xi32>, vector<16xi32>], vector<16xf32>,
        tpu.vector_store_idx %arg11[%select_n3A_62, %select_n3A_178, %broadcast_in_dim3A_1047], %get3A_1053 : memref<8x8x129xf32, #tpu.memory_space<vmem>>[vector<16xi32>, vector<16xi32>, vector<16xi32>], vector<16xf32>,
        tpu.vector_store_idx %arg11[%select_n3A_96, %select_n3A_203, %broadcast_in_dim3A_1047], %get3A_1056 : memref<8x8x129xf32, #tpu.memory_space<vmem>>[vector<16xi32>, vector<16xi32>, vector<16xi32>], vector<16xf32>,
        tpu.vector_store_idx %arg11[%select_n3A_130, %select_n3A_228, %broadcast_in_dim3A_1047], %get3A_1059 : memref<8x8x129xf32, #tpu.memory_space<vmem>>[vector<16xi32>, vector<16xi32>, vector<16xi32>], vector<16xf32>,
        tpu.vector_store_idx %arg11[%select_n3A, %select_n3A_153, %broadcast_in_dim3A_1064], %get3A_1067 : memref<8x8x129xf32, #tpu.memory_space<vmem>>[vector<16xi32>, vector<16xi32>, vector<16xi32>], vector<16xf32>,
        tpu.vector_store_idx %arg11[%select_n3A_62, %select_n3A_178, %broadcast_in_dim3A_1064], %get3A_1070 : memref<8x8x129xf32, #tpu.memory_space<vmem>>[vector<16xi32>, vector<16xi32>, vector<16xi32>], vector<16xf32>,
        tpu.vector_store_idx %arg11[%select_n3A_96, %select_n3A_203, %broadcast_in_dim3A_1064], %get3A_1073 : memref<8x8x129xf32, #tpu.memory_space<vmem>>[vector<16xi32>, vector<16xi32>, vector<16xi32>], vector<16xf32>,
        tpu.vector_store_idx %arg11[%select_n3A_130, %select_n3A_228, %broadcast_in_dim3A_1064], %get3A_1076 : memref<8x8x129xf32, #tpu.memory_space<vmem>>[vector<16xi32>, vector<16xi32>, vector<16xi32>], vector<16xf32>,
      }
      %scan3A_740 = arith.constant 8 : i32
      %jit3A_741 = arith.constant 4 : i32
      %div3A_742 = arith.divsi %add3A_676, %jit3A_741 : i32
      %sign3A_743 = arith.constant 0 : i32
      %sign3A_744 = arith.cmpi sgt, %add3A_676, %sign3A_743 : i32
      %sign3A_745 = arith.extui %sign3A_744 : i1 to i32
      %sign3A_746 = arith.constant 0 : i32
      %sign3A_747 = arith.cmpi slt, %add3A_676, %sign3A_746 : i32
      %sign3A_748 = arith.extui %sign3A_747 : i1 to i32
      %sign3A_749 = arith.subi %sign3A_745, %sign3A_748 : i32
      %sign3A_750 = arith.constant 0 : i32
      %sign3A_751 = arith.cmpi sgt, %jit3A_741, %sign3A_750 : i32
      %sign3A_752 = arith.extui %sign3A_751 : i1 to i32
      %sign3A_753 = arith.constant 0 : i32
      %sign3A_754 = arith.cmpi slt, %jit3A_741, %sign3A_753 : i32
      %sign3A_755 = arith.extui %sign3A_754 : i1 to i32
      %sign3A_756 = arith.subi %sign3A_752, %sign3A_755 : i32
      %ne3A_757 = arith.cmpi ne, %sign3A_749, %sign3A_756 : i32
      %rem3A_758 = arith.remsi %add3A_676, %jit3A_741 : i32
      %ne3A_759 = arith.constant 0 : i32
      %ne3A_760 = arith.cmpi ne, %rem3A_758, %ne3A_759 : i32
      %and3A_761 = arith.andi %ne3A_757, %ne3A_760 : i1
      %sub3A_762 = arith.constant 1 : i32
      %sub3A_763 = arith.subi %div3A_742, %sub3A_762 : i32
      %select_n3A_764 = arith.select %and3A_761, %sub3A_763, %div3A_742 : i32
      %jit3A_765 = arith.constant 4 : i32
      %eq3A_766 = arith.constant 0 : i32
      %eq3A_767 = arith.cmpi eq, %jit3A_765, %eq3A_766 : i32
      %jit3A_768 = arith.constant 1 : i32
      %select_n3A_769 = arith.select %eq3A_767, %jit3A_768, %jit3A_765 : i32
      %rem3A_770 = arith.remsi %add3A_676, %select_n3A_769 : i32
      %ne3A_771 = arith.constant 0 : i32
      %ne3A_772 = arith.cmpi ne, %rem3A_770, %ne3A_771 : i32
      %lt3A_773 = arith.constant 0 : i32
      %lt3A_774 = arith.cmpi slt, %rem3A_770, %lt3A_773 : i32
      %lt3A_775 = arith.constant 0 : i32
      %lt3A_776 = arith.cmpi slt, %select_n3A_769, %lt3A_775 : i32
      %ne3A_777 = arith.xori %lt3A_774, %lt3A_776 : i1
      %and3A_778 = arith.andi %ne3A_777, %ne3A_772 : i1
      %add3A_779 = arith.addi %rem3A_770, %select_n3A_769 : i32
      %select_n3A_780 = arith.select %and3A_778, %add3A_779, %rem3A_770 : i32
      %mul3A_781 = arith.constant 4 : i32
      %mul3A_782 = arith.muli %add3A, %mul3A_781 : i32
      %add3A_783 = arith.addi %mul3A_782, %select_n3A_780 : i32
      %dma_start3A_784 = arith.constant 0 : i32
      %dma_start3A_785 = arith.constant 0 : i32
      %dma_start3A_786 = arith.constant 0 : i32
      %dma_start3A_787 = tpu.memref_slice %arg11[%dma_start3A_784, %dma_start3A_785, %dma_start3A_786] : memref<8x8x129xf32, #tpu.memory_space<vmem>> -> memref<8x8x128xf32, #tpu.memory_space<vmem>>
      %dma_start3A_788 = arith.constant 0 : i32
      %dma_start3A_789 = arith.constant 0 : i32
      %dma_start3A_790 = arith.constant 0 : i32
      %dma_start3A_791 = tpu.memref_slice %arg4[%select_n3A_764, %dma_start3A_788, %add3A_783, %dma_start3A_789, %dma_start3A_790] : memref<50x8x128x8x128xf32, #tpu.memory_space<hbm>> -> memref<1x8x1x8x128xf32, #tpu.memory_space<hbm>>
      %dma_start3A_792 = tpu.memref_squeeze %dma_start3A_791 : memref<1x8x1x8x128xf32, #tpu.memory_space<hbm>> -> memref<8x8x128xf32, #tpu.memory_space<hbm>>
      %dma_start3A_793 = arith.constant 0 : i32
      %dma_start3A_794 = arith.constant 0 : i32
      %dma_start3A_795 = arith.constant 0 : i32
      %dma_start3A_796 = tpu.memref_slice %arg4[%select_n3A_764, %dma_start3A_793, %add3A_783, %dma_start3A_794, %dma_start3A_795] : memref<50x8x128x8x128xf32, #tpu.memory_space<hbm>> -> memref<1x8x1x8x128xf32, #tpu.memory_space<hbm>>
      %dma_start3A_797 = tpu.memref_squeeze %dma_start3A_796 : memref<1x8x1x8x128xf32, #tpu.memory_space<hbm>> -> memref<8x8x128xf32, #tpu.memory_space<hbm>>
      %dma_start3A_798 = arith.constant 0 : i32
      %dma_start3A_799 = arith.constant 0 : i32
      %dma_start3A_800 = arith.constant 0 : i32
      %dma_start3A_801 = tpu.memref_slice %arg11[%dma_start3A_798, %dma_start3A_799, %dma_start3A_800] : memref<8x8x129xf32, #tpu.memory_space<vmem>> -> memref<8x8x128xf32, #tpu.memory_space<vmem>>
      tpu.enqueue_dma source(%dma_start3A_801 : memref<8x8x128xf32, #tpu.memory_space<vmem>>) target(%dma_start3A_797 : memref<8x8x128xf32, #tpu.memory_space<hbm>>) target_semaphore(%arg17 : memref<!tpu.dma_semaphore, #tpu.memory_space<semaphore_mem>>)
    }
    %scan3A_252 = arith.constant 50 : i32
    %dma_wait3A = arith.constant 0 : i32
    %dma_wait3A_253 = arith.constant 0 : i32
    %dma_wait3A_254 = arith.constant 0 : i32
    %dma_wait3A_255 = arith.constant 0 : i32
    %dma_wait3A_256 = arith.constant 0 : i32
    %dma_wait3A_257 = tpu.memref_slice %arg10[%dma_wait3A_254, %dma_wait3A_255, %dma_wait3A_256] : memref<8x8x129xf32, #tpu.memory_space<vmem>> -> memref<8x8x128xf32, #tpu.memory_space<vmem>>
    %dma_wait3A_258 = arith.constant 0 : i32
    %dma_wait3A_259 = arith.constant 0 : i32
    %dma_wait3A_260 = arith.constant 0 : i32
    %dma_wait3A_261 = tpu.memref_slice %arg4[%dma_wait3A, %dma_wait3A_258, %dma_wait3A_253, %dma_wait3A_259, %dma_wait3A_260] : memref<50x8x128x8x128xf32, #tpu.memory_space<hbm>> -> memref<1x8x1x8x128xf32, #tpu.memory_space<hbm>>
    %dma_wait3A_262 = tpu.memref_squeeze %dma_wait3A_261 : memref<1x8x1x8x128xf32, #tpu.memory_space<hbm>> -> memref<8x8x128xf32, #tpu.memory_space<hbm>>
    %dma_wait3A_263 = arith.constant 0 : i32
    %dma_wait3A_264 = arith.constant 0 : i32
    %dma_wait3A_265 = arith.constant 0 : i32
    %dma_wait3A_266 = tpu.memref_slice %arg10[%dma_wait3A_263, %dma_wait3A_264, %dma_wait3A_265] : memref<8x8x129xf32, #tpu.memory_space<vmem>> -> memref<8x8x128xf32, #tpu.memory_space<vmem>>
    %dma_wait3A_267 = arith.constant 0 : i32
    %dma_wait3A_268 = arith.constant 0 : i32
    %dma_wait3A_269 = arith.constant 0 : i32
    %dma_wait3A_270 = tpu.memref_slice %arg4[%dma_wait3A, %dma_wait3A_267, %dma_wait3A_253, %dma_wait3A_268, %dma_wait3A_269] : memref<50x8x128x8x128xf32, #tpu.memory_space<hbm>> -> memref<1x8x1x8x128xf32, #tpu.memory_space<hbm>>
    %dma_wait3A_271 = tpu.memref_squeeze %dma_wait3A_270 : memref<1x8x1x8x128xf32, #tpu.memory_space<hbm>> -> memref<8x8x128xf32, #tpu.memory_space<hbm>>
    tpu.wait_dma2 semaphore(%arg16 : memref<!tpu.dma_semaphore, #tpu.memory_space<semaphore_mem>>) src(%dma_wait3A_271 : memref<8x8x128xf32, #tpu.memory_space<hbm>>) dst(%dma_wait3A_266 : memref<8x8x128xf32, #tpu.memory_space<vmem>>)
    %dma_wait3A_272 = arith.constant 0 : i32
    %dma_wait3A_273 = arith.constant 0 : i32
    %dma_wait3A_274 = arith.constant 0 : i32
    %dma_wait3A_275 = arith.constant 0 : i32
    %dma_wait3A_276 = arith.constant 0 : i32
    %dma_wait3A_277 = tpu.memref_slice %arg11[%dma_wait3A_274, %dma_wait3A_275, %dma_wait3A_276] : memref<8x8x129xf32, #tpu.memory_space<vmem>> -> memref<8x8x128xf32, #tpu.memory_space<vmem>>
    %dma_wait3A_278 = arith.constant 0 : i32
    %dma_wait3A_279 = arith.constant 0 : i32
    %dma_wait3A_280 = arith.constant 0 : i32
    %dma_wait3A_281 = tpu.memref_slice %arg4[%dma_wait3A_272, %dma_wait3A_278, %dma_wait3A_273, %dma_wait3A_279, %dma_wait3A_280] : memref<50x8x128x8x128xf32, #tpu.memory_space<hbm>> -> memref<1x8x1x8x128xf32, #tpu.memory_space<hbm>>
    %dma_wait3A_282 = tpu.memref_squeeze %dma_wait3A_281 : memref<1x8x1x8x128xf32, #tpu.memory_space<hbm>> -> memref<8x8x128xf32, #tpu.memory_space<hbm>>
    %dma_wait3A_283 = arith.constant 0 : i32
    %dma_wait3A_284 = arith.constant 0 : i32
    %dma_wait3A_285 = arith.constant 0 : i32
    %dma_wait3A_286 = tpu.memref_slice %arg11[%dma_wait3A_283, %dma_wait3A_284, %dma_wait3A_285] : memref<8x8x129xf32, #tpu.memory_space<vmem>> -> memref<8x8x128xf32, #tpu.memory_space<vmem>>
    %dma_wait3A_287 = arith.constant 0 : i32
    %dma_wait3A_288 = arith.constant 0 : i32
    %dma_wait3A_289 = arith.constant 0 : i32
    %dma_wait3A_290 = tpu.memref_slice %arg4[%dma_wait3A_272, %dma_wait3A_287, %dma_wait3A_273, %dma_wait3A_288, %dma_wait3A_289] : memref<50x8x128x8x128xf32, #tpu.memory_space<hbm>> -> memref<1x8x1x8x128xf32, #tpu.memory_space<hbm>>
    %dma_wait3A_291 = tpu.memref_squeeze %dma_wait3A_290 : memref<1x8x1x8x128xf32, #tpu.memory_space<hbm>> -> memref<8x8x128xf32, #tpu.memory_space<hbm>>
    tpu.wait_dma2 semaphore(%arg17 : memref<!tpu.dma_semaphore, #tpu.memory_space<semaphore_mem>>) src(%dma_wait3A_291 : memref<8x8x128xf32, #tpu.memory_space<hbm>>) dst(%dma_wait3A_286 : memref<8x8x128xf32, #tpu.memory_space<vmem>>)
    return
  }
}

</mosaic_0001>

<sc_bundles>
// kernel: kernel.3.cloned.1.call-start
scs
__scs_entry_jumppad:
0x0: {  	(pc) =	sbr.rel $0x88, $3  }
0x1: {  	(tag) =	ssettag $0x0;
	lr =	simm.s32 $0x1  }
0x2: {  	[smem:$0x3F9F] =	sst lr;
	_ =	strace $0xD0000000  }
0x3: {  	_ = 	snop  }
0x4: {  	_ = 	snop  }
0x5: {  	_ = 	snop  }
0x6: {  	_ = 	snop  }
0x7: {  	_ = 	snop  }
__scs_overlays_trampoline_lowered:
0x8: {  	[smem:$0x3FAE] =	sst s0  }
0x9: {  	[smem:$0x3FAF] =	sst s1  }
0xa: {  	[smem:$0x3FB0] =	sst s2  }
0xb: {  	[smem:$0x3FB1] =	sst s3  }
0xc: {  	[smem:$0x3FB2] =	sst s4  }
0xd: {  	[smem:$0x3FB3] =	sst s5  }
0xe: {  	[smem:$0x3FB4] =	sst s6  }
0xf: {  	[smem:$0x3FB5] =	sst s7  }
0x10: {  	[smem:$0x3FB6] =	sst s8  }
0x11: {  	[smem:$0x3FB7] =	sst s9;
	s0 =	simm.s32 @!p0 $0x0  }
0x12: {  	s1 =	sld [smem:$0x3F9D];
	s0 =	simm.s32 @p0 $0x1  }
0x13: {  	[smem:$0x3FB8] =	sst s0;
	s0 =	simm.s32 @!p1 $0x0  }
0x14: {  	s2 =	sld [smem:$0x3F9C];
	s0 =	simm.s32 @p1 $0x1  }
0x15: {  	[smem:$0x3FB9] =	sst s0;
	s0 =	simm.s32 @!p2 $0x0  }
0x16: {  	s3 =	sld [smem:$0x3FDB];
	s0 =	simm.s32 @p2 $0x1  }
0x17: {  	s4 =	simm.s32 $0x1BF5;
	[smem:$0x3FBB] =	sst s0  }
0x18: {  	s0 =	sld [smem:$0x3F9E];
	_ =	swait.ge [sflag:s4], $0x0  }
0x19: {  	s7 =	sld [smem:$0x3F9F]  }
0x1a: {  	s8 =	sadd.s32 $0xFFFFE003, lr  }
0x1b: {  	s9 =	sadd.s32 $0xFFFFFEF7, lr;
	s5 =	simm.s32 $0xFFFFFFFF;
	p2 =	slt.u32 s8, $0xFFFFF086  }
0x1c: {  	p1 =	slt.u32 s9, $0xF7A;
	s5 =	simm.s32 @!p2 $0x0  }
0x1d: {  	s5 =	simm.s32 @p1 $0x1;
	p0 =	seq.s32 s7, s2  }
0x1e: {  	s7 =	smul.u32 @!p0 $0xF7A, s2;
	p2 =	seq.s32 @!p0 s5, $0x0  }
0x1f: {  	s9 =	smul.u32 $0xF7A, s1;
	s8 =	simm.s32 @!p0 $0x1BF5;
	p2 =	por !p2, p0  }
0x20: {  	[sflag:s8] =	ssyncset.s32 @!p0 $0xFFFFF086;
	s6 =	sadd.s32 @!p0 s3, s7;
	s7 =	simm.s32 @!p0 $0x108  }
0x21: {  	s3 =	sadd.s32 s3, s9;
	s6 =	sadd.s32 @!p0 $0x88, s6;
	s7 =	simm.s32 @p2 $0x1082  }
0x22: {  	[simem:s7], [sflag:s8] =	dma.local @!p0 [hbm:s6], $0xF7A  }
0x23: {  	s9 =	sor.u32 $0xD0000000, s2;
	s6 =	simm.s32 $0x108;
	_ =	swait.ge @!p0 [sflag:s8], $0x0  }
0x24: {  	s3 =	sadd.s32 $0x88, s3;
	s6 =	simm.s32 @!p1 $0x1082;
	[sflag:s4] =	ssyncset.s32 $0xFFFFF086  }
0x25: {  	[simem:s6], [sflag:s4] =	dma.local [hbm:s3], $0xF7A  }
0x26: {  	[smem:$0x3F9F] =	sst s1;
	(tag) =	ssettag s2;
	_ =	strace s9  }
0x27: {  	s1 =	sld [smem:$0x3FAF]  }
0x28: {  	s2 =	sld [smem:$0x3FB0]  }
0x29: {  	s4 =	sld [smem:$0x3FB2]  }
0x2a: {  	p0 =	seq.s32 s5, $0x0;
	s5 =	sld [smem:$0x3FB3]  }
0x2b: {  	s6 =	sld [smem:$0x3FB4]  }
0x2c: {  	s7 =	sld [smem:$0x3FB5]  }
0x2d: {  	s3 =	simm.s32 $0x108;
	s8 =	sld [smem:$0x3FB6]  }
0x2e: {  	s3 =	simm.s32 @!p0 $0x1082;
	s9 =	sld [smem:$0x3FB7]  }
0x2f: {  	lr =	sadd.s32 s0, s3;
	s0 =	sld [smem:$0x3FAE]  }
0x30: {  	s3 =	sld [smem:$0x3FB1]  }
0x31: {  	[smem:$0x3FBA] =	sst s10  }
0x32: {  	s10 =	sld [smem:$0x3FB8];
	_ =	sdelay $0x3  }
0x33: {  	p0 =	seq.s32 s10, $0x1;
	s10 =	sld [smem:$0x3FBA];
	_ =	sdelay $0x3  }
0x34: {  	[smem:$0x3FBA] =	sst s10  }
0x35: {  	s10 =	sld [smem:$0x3FB9];
	_ =	sdelay $0x3  }
0x36: {  	p1 =	seq.s32 s10, $0x1;
	s10 =	sld [smem:$0x3FBA];
	_ =	sdelay $0x3  }
0x37: {  	[smem:$0x3FBA] =	sst s10  }
0x38: {  	s10 =	sld [smem:$0x3FBB]  }
0x39: {  	_ = 	snop;
	(pc) =	sbr.ind lr, $3  }
0x3a: {  	_ = 	snop  }
0x3b: {  	_ = 	snop  }
0x3c: {  	p2 =	seq.s32 s10, $0x1;
	s10 =	sld [smem:$0x3FBA]  }
0x3d: {  	_ =	shalt  }
0x3e: {  	_ =	shalt  }
0x3f: {  	_ =	shalt  }
0x40: {  	_ =	shalt  }
0x41: {  	_ =	shalt  }
0x42: {  	_ =	shalt  }
0x43: {  	_ =	shalt  }
0x44: {  	_ =	shalt  }
0x45: {  	_ =	shalt  }
0x46: {  	_ =	shalt  }
0x47: {  	_ =	shalt  }
0x48: {  	_ =	shalt  }
0x49: {  	_ =	shalt  }
0x4a: {  	_ =	shalt  }
0x4b: {  	_ =	shalt  }
0x4c: {  	_ =	shalt  }
0x4d: {  	_ =	shalt  }
0x4e: {  	_ =	shalt  }
0x4f: {  	_ =	shalt  }
0x50: {  	_ =	shalt  }
0x51: {  	_ =	shalt  }
0x52: {  	_ =	shalt  }
0x53: {  	_ =	shalt  }
0x54: {  	_ =	shalt  }
0x55: {  	_ =	shalt  }
0x56: {  	_ =	shalt  }
0x57: {  	_ =	shalt  }
0x58: {  	_ =	shalt  }
0x59: {  	_ =	shalt  }
0x5a: {  	_ =	shalt  }
0x5b: {  	_ =	shalt  }
0x5c: {  	_ =	shalt  }
0x5d: {  	_ =	shalt  }
0x5e: {  	_ =	shalt  }
0x5f: {  	_ =	shalt  }
0x60: {  	_ =	shalt  }
0x61: {  	_ =	shalt  }
0x62: {  	_ =	shalt  }
0x63: {  	_ =	shalt  }
0x64: {  	_ =	shalt  }
0x65: {  	_ =	shalt  }
0x66: {  	_ =	shalt  }
0x67: {  	_ =	shalt  }
0x68: {  	_ =	shalt  }
0x69: {  	_ =	shalt  }
0x6a: {  	_ =	shalt  }
0x6b: {  	_ =	shalt  }
0x6c: {  	_ =	shalt  }
0x6d: {  	_ =	shalt  }
0x6e: {  	_ =	shalt  }
0x6f: {  	_ =	shalt  }
0x70: {  	_ =	shalt  }
0x71: {  	_ =	shalt  }
0x72: {  	_ =	shalt  }
0x73: {  	_ =	shalt  }
0x74: {  	_ =	shalt  }
0x75: {  	_ =	shalt  }
0x76: {  	_ =	shalt  }
0x77: {  	_ =	shalt  }
0x78: {  	_ =	shalt  }
0x79: {  	_ =	shalt  }
0x7a: {  	_ =	shalt  }
0x7b: {  	_ =	shalt  }
0x7c: {  	_ =	shalt  }
0x7d: {  	_ =	shalt  }
0x7e: {  	_ =	shalt  }
0x7f: {  	_ =	shalt  }
0x80: {  	_ =	shalt  }
0x81: {  	_ =	shalt  }
0x82: {  	_ =	shalt  }
0x83: {  	_ =	shalt  }
0x84: {  	_ =	shalt  }
0x85: {  	_ =	shalt  }
0x86: {  	_ =	shalt  }
0x87: {  	_ =	shalt  }
.Lfunc_end0:
.L_simem_size_0:
called_computation_lowered:
.L_overlay_start_0:
0x88: {  	s2 =	sld [smem:$0x3FD9]  }
0x89: {  	s3 =	sld [smem:$0x3FFE];
	_ =	sdelay $0x1  }
0x8a: {  	s1 =	srdreg.scid  }
0x8b: {  	s0 =	sand.u32 $0x1, s1  }
0x8c: {  	s17 =	sshll.u32 s0, $0xA;
	s2 =	sadd.s32 s3, s2  }
0x8d: {  	s2 =	sadd.s32 s2, s17  }
0x8e: {  	[smem:$0x3FC6] =	sst s2  }
0x8f: {  	_ = 	snop  }
0x90: {  	s2 =	sld [smem:$0x3FD0];
	(tm) =	ssettm $0x1  }
0x91: {  	s18 =	sld [smem:$0x3FFB];
	_ =	sdelay $0x3  }
0x92: {  	_ =	strace s18  }
0x93: {  	s3 =	sld [smem:$0x3FFC];
	_ =	sdelay $0x3  }
0x94: {  	_ =	strace s3  }
0x95: {  	s3 =	sld [smem:$0x3FFD];
	_ =	sdelay $0x3  }
0x96: {  	_ =	strace s3  }
0x97: {  	_ =	strace $0x8FFFFFFF  }
0x98: {  	s19 =	sld [smem:$0x3FDB];
	_ =	sdelay $0x1  }
0x99: {  	s4 =	simm.s32 $_scs_section_size  }
0x9a: {  	s5 =	simm.s32 $_size__tile_overlayer_lowered;
	s6 =	simm.s32 $_tile_overlayer_lowered  }
0x9b: {  	s22 =	simm.s32 $0x1BFF;
	s21 =	sshll.u32 s6, $0x1;
	s3 =	sadd.s32 s4, s19  }
0x9c: {  	s7 =	simm.s32 $0x0;
	s20 =	sshll.u32 s5, $0x1;
	s5 =	sadd.s32 s21, s3  }
0x9d: {  	[timem:s7], [sflag:s22] =	dma.local [hbm:s5], s20  }
0x9e: {  	_ =	swait.ge [sflag:s22], s20  }
0x9f: {  	s4 =	ssub.s32 $0x0, s20;
	[sflag:s22] =	ssyncset.done $0x0  }
0xa0: {  	[sflag:s22] =	ssyncadd.s32 s4;
	_ =	sdelay $0x1  }
0xa1: {  	s23 =	simm.s32 $0x1B8B  }
0xa2: {  	_ =	swait.ge [sflag:s23], $0x1  }
0xa3: {  	[sflag:s23] =	ssyncset.done $0x0  }
0xa4: {  	s25 =	simm.s32 $0x1B8E;
	s24 =	sld [smem:$0x3FFE];
	[sflag:s23] =	ssyncadd.s32 $0xFFFFFFFF  }
0xa5: {  	s26 =	simm.s32 $execute0_lowered;
	[smem:$0x3FD2] =	sst s25  }
0xa6: {  	s5 =	sshll.u32 s26, $0x1;
	_ =	strace $0x80000046;
	[dreg:$0x1] =	wrdreg $0xFFFFFFFF  }
0xa7: {  	s28 =	simm.s32 $_size_execute0_lowered;
	s3 =	sadd.s32 s3, s5;
	[dreg:$0x0] =	wrdreg $0x0  }
0xa8: {  	s5 =	sshll.u32 s28, $0x1;
	[dreg:$0x2] =	wrdreg s3  }
0xa9: {  	[dreg:$0x3] =	wrdreg s5  }
0xaa: {  	[dreg:$0x4] =	wrdreg $0xC0  }
0xab: {  	_ =	task [dreg:s7], $0x5FFFF  }
0xac: {  	[dreg:$0x1] =	wrdreg $0xFFFFFFFF  }
0xad: {  	[dreg:$0x0] =	wrdreg $0x60  }
0xae: {  	[dreg:$0x2] =	wrdreg s24  }
0xaf: {  	[dreg:$0x3] =	wrdreg s2  }
0xb0: {  	[dreg:$0x4] =	wrdreg $0x9  }
0xb1: {  	_ =	task.clear_ibuf [dreg:s7], $0x5FFFF;
	_ =	strace $0x90000046  }
0xb2: {  	s29 =	simm.s32 $0x9;
	_ =	strace $0x80000048  }
0xb3: {  	_ =	swait.ge [sflag:s29], $0x1  }
0xb4: {  	[sflag:s29] =	ssyncadd.s32 $0xFFFFFFFF  }
0xb5: {  	_ =	strace $0x90000048  }
0xb6: {  	_ =	sfence  }
0xb7: {  	s30 =	sld [smem:$0x0];
	_ =	sdelay $0x2  }
0xb8: {  	s31 =	sshll.u32 s1, $0xD;
	s1 =	sshrl.u32 s1, $0x2  }
0xb9: {  	s3 =	sand.u32 $0x4000, s31;
	s1 =	sadd.s32 s1, s30  }
0xba: {  	s0 =	sor.u32 s3, s0;
	s1 =	sshll.u32 s1, $0x11  }
0xbb: {  	s0 =	sor.u32 s1, s0  }
0xbc: {  	s0 =	sadd.s32 $0x8F2B, s0  }
0xbd: {  	[sflag:s0] =	ssyncadd.remote.s32 $0x1  }
0xbe: {  	_ =	sfence.sel $0xFFFF  }
0xbf: {  	[dreg:$0x0] =	wrdreg $0xFFFFFFFF;
	(pc) =	sbr.abs _section_cstart, $3  }
0xc0: {  	[dreg:$0x1] =	wrdreg $0xFFFFFFFF  }
0xc1: {  	_ =	task.clear_ibuf [dreg:s7], $0x2FFFF;
	_ =	strace $0x9FFFFFFF  }
0xc2: {  	(tm) =	ssettm $0x7FFFFFFF  }
0xc3: {  	_ =	shalt  }
tec
execute0_lowered:
.L_overlay_start_1:
0x0: {  	(tag) =	ssettag $0x1  }
0x1: {  	s0 =	rddreg [dreg:$0x0];
	v0 =	vlaneseq.u32  }
0x2: {  	s1 =	rddreg [dreg:$0x1];
	v0 =	vmul.u32 $0x88, v0  }
0x3: {  	s3 =	srdreg.scid;
	s4 =	stileid.u32;
	v1 =	vimm.s32 $0x0;
	vm0 =	vcmask $0x300  }
0x4: {  	s2 =	simm.s32 $0x0;
	s12 =	simm.s32 $0x7;
	s13 =	simm.s32 $0x80;
	v1 =	vsel vm0, $0x3, v1;
	v2 =	vadd.s32 $0x880, v0  }
0x5: {  	s14 =	simm.s32 $0x6400;
	s17 =	simm.s32 $0xA400;
	s18 =	simm.s32 $0xC400;
	v3 =	vadd.s32 $0x1100, v0;
	v4 =	vadd.s32 $0x1980, v0;
	v5 =	vor.u32 $0x1, v0  }
0x6: {  	s19 =	simm.s32 $0x1;
	s20 =	simm.s32 $0xE400;
	s21 =	simm.s32 $0x2;
	v6 =	vadd.s32 $0x881, v0;
	v7 =	vadd.s32 $0x1101, v0;
	v8 =	vadd.s32 $0x1981, v0  }
0x7: {  	s22 =	simm.s32 $0x6;
	s23 =	simm.s32 $0x10600;
	s24 =	simm.s32 $0x3;
	v9 =	vor.u32 $0x2, v0;
	v10 =	vadd.s32 $0x882, v0;
	v11 =	vadd.s32 $0x1102, v0  }
0x8: {  	s25 =	simm.s32 $0x5;
	s26 =	simm.s32 $0x4;
	s28 =	simm.s32 $0x0;
	v12 =	vadd.s32 $0x1982, v0;
	v13 =	vor.u32 $0x3, v0;
	v14 =	vadd.s32 $0x883, v0  }
0x9: {  	s3 =	sand.u32 $0x1, s3;
	s4 =	sshll.u32 s4, $0x1;
	[smem:$0x7FF] =	sst s2;
	v15 =	vadd.s32 $0x1103, v0;
	v16 =	vadd.s32 $0x1983, v0;
	v17 =	vor.u32 $0x4, v0  }
0xa: {  	s4 =	sor.u32 s3, s4;
	_ =	strace $0x80000047;
	s6 =	ssub.s32 $0x2, s3;
	v18 =	vadd.s32 $0x884, v0;
	v19 =	vadd.s32 $0x1104, v0;
	v20 =	vadd.s32 $0x1984, v0  }
0xb: {  	s3 =	sadd.s32 $0xF42A00, s0;
	s5 =	sshll.u32 s4, $0x6;
	s4 =	sshll.u32 s4, $0x9;
	v21 =	vor.u32 $0x5, v0;
	v22 =	vadd.s32 $0x885, v0;
	v23 =	vadd.s32 $0x1105, v0  }
0xc: {  	s31 =	sshrl.u32 s6, $0x1;
	v24 =	vadd.s32 $0x1985, v0;
	v25 =	vor.u32 $0x6, v0;
	v26 =	vadd.s32 $0x886, v0;
	s5 =	sadd.s32 s5, s0;
	s4 =	sadd.s32 s1, s4  }
0xd: {  	v27 =	vadd.s32 $0x1106, v0;
	v28 =	vadd.s32 $0x1986, v0;
	v29 =	vor.u32 $0x7, v0;
	s0 =	ssub.s32 s6, s31;
	s5 =	sadd.s32 $0x600, s5;
	s6 =	sadd.s32 $0x80, s4  }
0xe: {  	v30 =	vadd.s32 $0x887, v0;
	v31 =	vadd.s32 $0x1107, v0;
	v32 =	vadd.s32 $0x1987, v0;
	s7 =	sadd.s32 $0x100, s4;
	s8 =	sadd.s32 $0x180, s4;
	s9 =	smax.u32 s0, $0x1  }
.LBB2_1:
0xf: {  	s0 =	simm.s32 $0x200;
	s1 =	simm.s32 $0x4000  }
0x10: {  	[tilespmem:s2], [sflag:$0x7] =	stream.strided.gather [hbm4b:s5+s0], $0x6400, s1, s0, $0x38;
	[tilespmem:$0x12800] =	vst v63  }
0x11: {  	_ =	swait.ge [sflag:s12], $0x6400  }
0x12: {  	[sflag:s12] =	ssyncset.done $0x0  }
0x13: {  	[sflag:s12] =	ssyncadd.s32 $0xFFFF9C00  }
0x14: {  	[tilespmem:s14], [sflag:$0x1] =	stream.indirect.gather [hbm4b:s3+s13], $0x40, s2, s13, $0xb8;
	[tilespmem:$0x12800] =	vst v63  }
0x15: {  	s30 =	simm.s32 $0x8400  }
0x16: {  	[tilespmem:s30], [sflag:$0x2] =	stream.indirect.gather [hbm4b:s3+s13], $0x40, s13, s13, $0xb8;
	[tilespmem:$0x12800] =	vst v63  }
0x17: {  	s31 =	simm.s32 $0x100;
	s29 =	simm.s32 $0x0  }
0x18: {  	[tilespmem:s17], [sflag:$0x3] =	stream.indirect.gather [hbm4b:s3+s13], $0x40, s31, s13, $0xb8;
	[tilespmem:$0x12800] =	vst v63  }
.LBB2_2:
0x19: {  	s0 =	sshll.u32 s29, $0x9  }
0x1a: {  	s30 =	sand.u32 $0x3FFFFE00, s0  }
0x1b: {  	s0 =	sor.u32 $0x180, s30  }
0x1c: {  	[tilespmem:s18], [sflag:$0x4] =	stream.indirect.gather [hbm4b:s3+s13], $0x40, s0, s13, $0xb8;
	[tilespmem:$0x12800] =	vst v63  }
0x1d: {  	_ =	swait.ge [sflag:s19], $0x2000  }
0x1e: {  	p0 =	seq.s32 s29, $0x0;
	[sflag:s19] =	ssyncset.done $0x0  }
0x1f: {  	s0 =	simm.s32 @!p0 $0x5;
	[sflag:s19] =	ssyncadd.s32 $0xFFFFE000  }
0x20: {  	_ =	swait.ge @!p0 [sflag:s0], $0x2000  }
0x21: {  	[sflag:s0] =	ssyncset.done @!p0 $0x0  }
0x22: {  	s31 =	simm.s32 $0xF;
	[sflag:s0] =	ssyncadd.s32 @!p0 $0xFFFFE000;
	s0 =	simm.s32 $0x6600  }
.LBB2_3:
0x23: {  	s1 =	sadd.s32 $0xFFFFFFF1, s31  }
0x24: {  	v33 =	vmov s1  }
0x25: {  	v33 =	vshrl.u32 v33, $0x3  }
0x26: {  	v33 =	vshll.u32 v33, v1  }
0x27: {  	v34 =	vld [tilespmem:s0+$0xFFFFFE00];
	v33 =	vbroadcast v33, $0x0  }
0x28: {  	v35 =	vld [tilespmem:s0+$0xFFFFFE10]  }
0x29: {  	v36 =	vld [tilespmem:s0+$0xFFFFFE20];
	v38 =	vadd.s32 v0, v33  }
0x2a: {  	v37 =	vld [tilespmem:s0+$0xFFFFFE30];
	s15 =	sadd.s32 $0xFFFFFFF2, s31;
	v40 =	vadd.s32 v2, v33  }
0x2b: {  	v39 =	vld [tilespmem:s0+$0xFFFFFE40];
	v43 =	vmov s15;
	v42 =	vadd.s32 v3, v33  }
0x2c: {  	v41 =	vld [tilespmem:s0+$0xFFFFFE50];
	v43 =	vshrl.u32 v43, $0x3;
	v33 =	vadd.s32 v4, v33  }
0x2d: {  	v44 =	vld [tilespmem:s0+$0xFFFFFE60];
	v61 =	vshll.u32 v43, v1  }
0x2e: {  	v45 =	vld [tilespmem:s0+$0xFFFFFE70];
	[tilespmem:v38+s20+$0x0] =	vst.idx.msk $0xffff, v34;
	v34 =	vbroadcast v61, $0x0  }
0x2f: {  	[tilespmem:v40+s20+$0x0] =	vst.idx.msk $0xffff, v35  }
0x30: {  	[tilespmem:v42+s20+$0x0] =	vst.idx.msk $0xffff, v36;
	v62 =	vadd.s32 v5, v34  }
0x31: {  	s16 =	sadd.s32 $0xFFFFFFF3, s31;
	v63 =	vadd.s32 v6, v34;
	[tilespmem:v33+s20+$0x0] =	vst.idx.msk $0xffff, v37  }
0x32: {  	v47 =	vmov s16;
	v46 =	vadd.s32 v7, v34;
	v35 =	vld [tilespmem:s0+$0xFFFFFE80]  }
0x33: {  	v40 =	vshrl.u32 v47, $0x3;
	v34 =	vadd.s32 v8, v34;
	v37 =	vld [tilespmem:s0+$0xFFFFFE90]  }
0x34: {  	v49 =	vshll.u32 v40, v1;
	v42 =	vld [tilespmem:s0+$0xFFFFFEA0]  }
0x35: {  	v33 =	vbroadcast v49, $0x0;
	v48 =	vld [tilespmem:s0+$0xFFFFFEB0];
	[tilespmem:v62+s20+$0x0] =	vst.idx.msk $0xffff, v39  }
0x36: {  	[tilespmem:v63+s20+$0x0] =	vst.idx.msk $0xffff, v41  }
0x37: {  	v50 =	vadd.s32 v9, v33;
	[tilespmem:v46+s20+$0x0] =	vst.idx.msk $0xffff, v44  }
0x38: {  	s10 =	sadd.s32 $0xFFFFFFF4, s31;
	v51 =	vadd.s32 v10, v33;
	[tilespmem:v34+s20+$0x0] =	vst.idx.msk $0xffff, v45  }
0x39: {  	v53 =	vmov s10;
	v52 =	vadd.s32 v11, v33;
	v36 =	vld [tilespmem:s0+$0xFFFFFEC0]  }
0x3a: {  	v33 =	vadd.s32 v12, v33;
	v41 =	vshrl.u32 v53, $0x3;
	v39 =	vld [tilespmem:s0+$0xFFFFFED0]  }
0x3b: {  	v54 =	vshll.u32 v41, v1;
	v44 =	vld [tilespmem:s0+$0xFFFFFEE0]  }
0x3c: {  	v34 =	vbroadcast v54, $0x0;
	v45 =	vld [tilespmem:s0+$0xFFFFFEF0];
	[tilespmem:v50+s20+$0x0] =	vst.idx.msk $0xffff, v35  }
0x3d: {  	[tilespmem:v51+s20+$0x0] =	vst.idx.msk $0xffff, v37  }
0x3e: {  	v55 =	vadd.s32 v13, v34;
	[tilespmem:v52+s20+$0x0] =	vst.idx.msk $0xffff, v42  }
0x3f: {  	s11 =	sadd.s32 $0xFFFFFFF5, s31;
	v56 =	vadd.s32 v14, v34;
	[tilespmem:v33+s20+$0x0] =	vst.idx.msk $0xffff, v48  }
0x40: {  	v58 =	vmov s11;
	v57 =	vadd.s32 v15, v34;
	v35 =	vld [tilespmem:s0+$0xFFFFFF00]  }
0x41: {  	v41 =	vshrl.u32 v58, $0x3;
	v34 =	vadd.s32 v16, v34;
	v38 =	vld [tilespmem:s0+$0xFFFFFF10]  }
0x42: {  	v59 =	vshll.u32 v41, v1;
	v42 =	vld [tilespmem:s0+$0xFFFFFF20]  }
0x43: {  	v33 =	vbroadcast v59, $0x0;
	v43 =	vld [tilespmem:s0+$0xFFFFFF30];
	[tilespmem:v55+s20+$0x0] =	vst.idx.msk $0xffff, v36  }
0x44: {  	[tilespmem:v56+s20+$0x0] =	vst.idx.msk $0xffff, v39  }
0x45: {  	v60 =	vadd.s32 v17, v33;
	[tilespmem:v57+s20+$0x0] =	vst.idx.msk $0xffff, v44  }
0x46: {  	s15 =	sadd.s32 $0xFFFFFFF6, s31;
	v61 =	vadd.s32 v18, v33;
	[tilespmem:v34+s20+$0x0] =	vst.idx.msk $0xffff, v45  }
0x47: {  	v63 =	vmov s15;
	v62 =	vadd.s32 v19, v33;
	v36 =	vld [tilespmem:s0+$0xFFFFFF40]  }
0x48: {  	v41 =	vshrl.u32 v63, $0x3;
	v33 =	vadd.s32 v20, v33;
	v39 =	vld [tilespmem:s0+$0xFFFFFF50]  }
0x49: {  	v46 =	vshll.u32 v41, v1;
	v44 =	vld [tilespmem:s0+$0xFFFFFF60]  }
0x4a: {  	v34 =	vbroadcast v46, $0x0;
	v45 =	vld [tilespmem:s0+$0xFFFFFF70];
	[tilespmem:v60+s20+$0x0] =	vst.idx.msk $0xffff, v35  }
0x4b: {  	[tilespmem:v61+s20+$0x0] =	vst.idx.msk $0xffff, v38  }
0x4c: {  	v47 =	vadd.s32 v21, v34;
	[tilespmem:v62+s20+$0x0] =	vst.idx.msk $0xffff, v42  }
0x4d: {  	s16 =	sadd.s32 $0xFFFFFFF7, s31;
	v48 =	vadd.s32 v22, v34;
	[tilespmem:v33+s20+$0x0] =	vst.idx.msk $0xffff, v43  }
0x4e: {  	v50 =	vmov s16;
	v49 =	vadd.s32 v23, v34;
	v35 =	vld [tilespmem:s0+$0xFFFFFF80]  }
0x4f: {  	v41 =	vshrl.u32 v50, $0x3;
	v34 =	vadd.s32 v24, v34;
	v38 =	vld [tilespmem:s0+$0xFFFFFF90]  }
0x50: {  	v51 =	vshll.u32 v41, v1;
	v42 =	vld [tilespmem:s0+$0xFFFFFFA0]  }
0x51: {  	v33 =	vbroadcast v51, $0x0;
	v43 =	vld [tilespmem:s0+$0xFFFFFFB0];
	[tilespmem:v47+s20+$0x0] =	vst.idx.msk $0xffff, v36  }
0x52: {  	[tilespmem:v48+s20+$0x0] =	vst.idx.msk $0xffff, v39  }
0x53: {  	v52 =	vadd.s32 v25, v33;
	[tilespmem:v49+s20+$0x0] =	vst.idx.msk $0xffff, v44  }
0x54: {  	s10 =	sadd.s32 $0xFFFFFFF8, s31;
	v53 =	vadd.s32 v26, v33;
	[tilespmem:v34+s20+$0x0] =	vst.idx.msk $0xffff, v45  }
0x55: {  	v55 =	vmov s10;
	v54 =	vadd.s32 v27, v33;
	v36 =	vld [tilespmem:s0+$0xFFFFFFC0]  }
0x56: {  	v41 =	vshrl.u32 v55, $0x3;
	v33 =	vadd.s32 v28, v33;
	v39 =	vld [tilespmem:s0+$0xFFFFFFD0]  }
0x57: {  	v56 =	vshll.u32 v41, v1;
	v44 =	vld [tilespmem:s0+$0xFFFFFFE0]  }
0x58: {  	v34 =	vbroadcast v56, $0x0;
	v45 =	vld [tilespmem:s0+$0xFFFFFFF0];
	[tilespmem:v52+s20+$0x0] =	vst.idx.msk $0xffff, v35  }
0x59: {  	[tilespmem:v53+s20+$0x0] =	vst.idx.msk $0xffff, v38  }
0x5a: {  	v57 =	vadd.s32 v29, v34;
	[tilespmem:v54+s20+$0x0] =	vst.idx.msk $0xffff, v42  }
0x5b: {  	s11 =	sadd.s32 $0xFFFFFFF9, s31;
	v58 =	vadd.s32 v30, v34;
	[tilespmem:v33+s20+$0x0] =	vst.idx.msk $0xffff, v43  }
0x5c: {  	v60 =	vmov s11;
	v59 =	vadd.s32 v31, v34;
	v35 =	vld [tilespmem:s0+$0x0]  }
0x5d: {  	v41 =	vshrl.u32 v60, $0x3;
	v34 =	vadd.s32 v32, v34;
	v38 =	vld [tilespmem:s0+$0x10]  }
0x5e: {  	v61 =	vshll.u32 v41, v1;
	v42 =	vld [tilespmem:s0+$0x20]  }
0x5f: {  	v33 =	vbroadcast v61, $0x0;
	v43 =	vld [tilespmem:s0+$0x30];
	[tilespmem:v57+s20+$0x0] =	vst.idx.msk $0xffff, v36  }
0x60: {  	[tilespmem:v58+s20+$0x0] =	vst.idx.msk $0xffff, v39  }
0x61: {  	v62 =	vadd.s32 v0, v33;
	[tilespmem:v59+s20+$0x0] =	vst.idx.msk $0xffff, v44  }
0x62: {  	s15 =	sadd.s32 $0xFFFFFFFA, s31;
	v63 =	vadd.s32 v2, v33;
	[tilespmem:v34+s20+$0x0] =	vst.idx.msk $0xffff, v45  }
0x63: {  	v49 =	vmov s15;
	v48 =	vadd.s32 v3, v33;
	v36 =	vld [tilespmem:s0+$0x40]  }
0x64: {  	v41 =	vshrl.u32 v49, $0x3;
	v33 =	vadd.s32 v4, v33;
	v39 =	vld [tilespmem:s0+$0x50]  }
0x65: {  	v50 =	vshll.u32 v41, v1;
	v44 =	vld [tilespmem:s0+$0x60]  }
0x66: {  	v34 =	vbroadcast v50, $0x0;
	v45 =	vld [tilespmem:s0+$0x70];
	[tilespmem:v62+s20+$0x0] =	vst.idx.msk $0xffff, v35  }
0x67: {  	[tilespmem:v63+s20+$0x0] =	vst.idx.msk $0xffff, v38  }
0x68: {  	v51 =	vadd.s32 v5, v34;
	[tilespmem:v48+s20+$0x0] =	vst.idx.msk $0xffff, v42  }
0x69: {  	s16 =	sadd.s32 $0xFFFFFFFB, s31;
	v52 =	vadd.s32 v6, v34;
	[tilespmem:v33+s20+$0x0] =	vst.idx.msk $0xffff, v43  }
0x6a: {  	v54 =	vmov s16;
	v53 =	vadd.s32 v7, v34;
	v35 =	vld [tilespmem:s0+$0x80]  }
0x6b: {  	v41 =	vshrl.u32 v54, $0x3;
	v34 =	vadd.s32 v8, v34;
	v38 =	vld [tilespmem:s0+$0x90]  }
0x6c: {  	v55 =	vshll.u32 v41, v1;
	v42 =	vld [tilespmem:s0+$0xA0]  }
0x6d: {  	v33 =	vbroadcast v55, $0x0;
	v43 =	vld [tilespmem:s0+$0xB0];
	[tilespmem:v51+s20+$0x0] =	vst.idx.msk $0xffff, v36  }
0x6e: {  	[tilespmem:v52+s20+$0x0] =	vst.idx.msk $0xffff, v39  }
0x6f: {  	v56 =	vadd.s32 v9, v33;
	[tilespmem:v53+s20+$0x0] =	vst.idx.msk $0xffff, v44  }
0x70: {  	s10 =	sadd.s32 $0xFFFFFFFC, s31;
	v57 =	vadd.s32 v10, v33;
	[tilespmem:v34+s20+$0x0] =	vst.idx.msk $0xffff, v45  }
0x71: {  	v59 =	vmov s10;
	v58 =	vadd.s32 v11, v33;
	v36 =	vld [tilespmem:s0+$0xC0]  }
0x72: {  	v41 =	vshrl.u32 v59, $0x3;
	v33 =	vadd.s32 v12, v33;
	v39 =	vld [tilespmem:s0+$0xD0]  }
0x73: {  	v60 =	vshll.u32 v41, v1;
	v44 =	vld [tilespmem:s0+$0xE0]  }
0x74: {  	v34 =	vbroadcast v60, $0x0;
	v45 =	vld [tilespmem:s0+$0xF0];
	[tilespmem:v56+s20+$0x0] =	vst.idx.msk $0xffff, v35  }
0x75: {  	[tilespmem:v57+s20+$0x0] =	vst.idx.msk $0xffff, v38  }
0x76: {  	v61 =	vadd.s32 v13, v34;
	[tilespmem:v58+s20+$0x0] =	vst.idx.msk $0xffff, v42  }
0x77: {  	s11 =	sadd.s32 $0xFFFFFFFD, s31;
	v62 =	vadd.s32 v14, v34;
	[tilespmem:v33+s20+$0x0] =	vst.idx.msk $0xffff, v43  }
0x78: {  	v46 =	vmov s11;
	v63 =	vadd.s32 v15, v34;
	v35 =	vld [tilespmem:s0+$0x100]  }
0x79: {  	v41 =	vshrl.u32 v46, $0x3;
	v34 =	vadd.s32 v16, v34;
	v38 =	vld [tilespmem:s0+$0x110]  }
0x7a: {  	v47 =	vshll.u32 v41, v1;
	v42 =	vld [tilespmem:s0+$0x120]  }
0x7b: {  	v33 =	vbroadcast v47, $0x0;
	v43 =	vld [tilespmem:s0+$0x130];
	[tilespmem:v61+s20+$0x0] =	vst.idx.msk $0xffff, v36  }
0x7c: {  	[tilespmem:v62+s20+$0x0] =	vst.idx.msk $0xffff, v39  }
0x7d: {  	v48 =	vadd.s32 v17, v33;
	[tilespmem:v63+s20+$0x0] =	vst.idx.msk $0xffff, v44  }
0x7e: {  	s15 =	sadd.s32 $0xFFFFFFFE, s31;
	v49 =	vadd.s32 v18, v33;
	[tilespmem:v34+s20+$0x0] =	vst.idx.msk $0xffff, v45  }
0x7f: {  	v51 =	vmov s15;
	v50 =	vadd.s32 v19, v33;
	v36 =	vld [tilespmem:s0+$0x140]  }
0x80: {  	v41 =	vshrl.u32 v51, $0x3;
	v33 =	vadd.s32 v20, v33;
	v39 =	vld [tilespmem:s0+$0x150]  }
0x81: {  	v52 =	vshll.u32 v41, v1;
	v44 =	vld [tilespmem:s0+$0x160]  }
0x82: {  	v34 =	vbroadcast v52, $0x0;
	v45 =	vld [tilespmem:s0+$0x170];
	[tilespmem:v48+s20+$0x0] =	vst.idx.msk $0xffff, v35  }
0x83: {  	[tilespmem:v49+s20+$0x0] =	vst.idx.msk $0xffff, v38  }
0x84: {  	v53 =	vadd.s32 v21, v34;
	[tilespmem:v50+s20+$0x0] =	vst.idx.msk $0xffff, v42  }
0x85: {  	s16 =	sadd.s32 $0xFFFFFFFF, s31;
	v54 =	vadd.s32 v22, v34;
	[tilespmem:v33+s20+$0x0] =	vst.idx.msk $0xffff, v43  }
0x86: {  	v56 =	vmov s16;
	v55 =	vadd.s32 v23, v34;
	v35 =	vld [tilespmem:s0+$0x180]  }
0x87: {  	v41 =	vshrl.u32 v56, $0x3;
	v34 =	vadd.s32 v24, v34;
	v38 =	vld [tilespmem:s0+$0x190]  }
0x88: {  	v57 =	vshll.u32 v41, v1;
	v42 =	vld [tilespmem:s0+$0x1A0]  }
0x89: {  	v33 =	vbroadcast v57, $0x0;
	v43 =	vld [tilespmem:s0+$0x1B0];
	[tilespmem:v53+s20+$0x0] =	vst.idx.msk $0xffff, v36  }
0x8a: {  	v58 =	vmov s31;
	[tilespmem:v54+s20+$0x0] =	vst.idx.msk $0xffff, v39  }
0x8b: {  	v59 =	vadd.s32 v25, v33;
	v36 =	vshrl.u32 v58, $0x3;
	[tilespmem:v55+s20+$0x0] =	vst.idx.msk $0xffff, v44  }
0x8c: {  	v60 =	vadd.s32 v26, v33;
	v36 =	vshll.u32 v36, v1;
	[tilespmem:v34+s20+$0x0] =	vst.idx.msk $0xffff, v45  }
0x8d: {  	v61 =	vadd.s32 v27, v33;
	v36 =	vbroadcast v36, $0x0;
	v37 =	vld [tilespmem:s0+$0x1C0]  }
0x8e: {  	v33 =	vadd.s32 v28, v33;
	v40 =	vld [tilespmem:s0+$0x1D0]  }
0x8f: {  	v44 =	vld [tilespmem:s0+$0x1E0];
	v46 =	vadd.s32 v29, v36  }
0x90: {  	v45 =	vld [tilespmem:s0+$0x1F0];
	[tilespmem:v59+s20+$0x0] =	vst.idx.msk $0xffff, v35;
	v62 =	vadd.s32 v30, v36  }
0x91: {  	v63 =	vadd.s32 v31, v36;
	[tilespmem:v60+s20+$0x0] =	vst.idx.msk $0xffff, v38  }
0x92: {  	p1 =	sne.s32 s31, $0x7F;
	v36 =	vadd.s32 v32, v36;
	[tilespmem:v61+s20+$0x0] =	vst.idx.msk $0xffff, v42  }
.Ltmp0:
0x93: {  	[tilespmem:v33+s20+$0x0] =	vst.idx.msk $0xffff, v43;
	(pc) =	sbr.rel @p1 .LBB2_3-.Ltmp0, $4  }
0x94: {  	[tilespmem:v46+s20+$0x0] =	vst.idx.msk $0xffff, v37  }
0x95: {  	[tilespmem:v62+s20+$0x0] =	vst.idx.msk $0xffff, v40  }
0x96: {  	[tilespmem:v63+s20+$0x0] =	vst.idx.msk $0xffff, v44  }
0x97: {  	s31 =	sadd.s32 $0x10, s31;
	s0 =	sadd.s32 $0x400, s0;
	[tilespmem:v36+s20+$0x0] =	vst.idx.msk $0xffff, v45  }
0x98: {  	s31 =	sshll.u32 s29, $0x11  }
0x99: {  	s0 =	simm.s32 $0xE400;
	s1 =	sadd.s32 s31, s4  }
0x9a: {  	[hbm4b:s1+s2] =	stream.linear.scatter [tilespmem:s0], [sflag:$0x5], $0x80, $0x38;
	[tilespmem:$0x12800] =	vst v63  }
0x9b: {  	s11 =	simm.s32 $0xE488;
	s10 =	sadd.s32 $0x10, s1  }
0x9c: {  	[hbm4b:s10+s2] =	stream.linear.scatter [tilespmem:s11], [sflag:$0x5], $0x80, $0x38;
	[tilespmem:$0x12800] =	vst v63  }
0x9d: {  	s15 =	simm.s32 $0xE510;
	s16 =	sadd.s32 $0x20, s1  }
0x9e: {  	[hbm4b:s16+s2] =	stream.linear.scatter [tilespmem:s15], [sflag:$0x5], $0x80, $0x38;
	[tilespmem:$0x12800] =	vst v63  }
0x9f: {  	s10 =	simm.s32 $0xE598;
	s11 =	sadd.s32 $0x30, s1  }
0xa0: {  	[hbm4b:s11+s2] =	stream.linear.scatter [tilespmem:s10], [sflag:$0x5], $0x80, $0x38;
	[tilespmem:$0x12800] =	vst v63  }
0xa1: {  	s15 =	simm.s32 $0xE620;
	s16 =	sadd.s32 $0x40, s1  }
0xa2: {  	[hbm4b:s16+s2] =	stream.linear.scatter [tilespmem:s15], [sflag:$0x5], $0x80, $0x38;
	[tilespmem:$0x12800] =	vst v63  }
0xa3: {  	s0 =	simm.s32 $0x440;
	s10 =	simm.s32 $0xE6A8;
	s11 =	sadd.s32 $0x50, s1  }
0xa4: {  	[hbm4b:s11+s2] =	stream.linear.scatter [tilespmem:s10], [sflag:$0x5], $0x80, $0x38;
	[tilespmem:$0x12800] =	vst v63  }
0xa5: {  	s15 =	simm.s32 $0xE730;
	s16 =	sadd.s32 $0x60, s1;
	s10 =	simm.s32 $0x2200  }
0xa6: {  	[hbm4b:s16+s2] =	stream.linear.scatter [tilespmem:s15], [sflag:$0x5], $0x80, $0x38;
	[tilespmem:$0x12800] =	vst v63  }
0xa7: {  	s11 =	simm.s32 $0xE7B8;
	s15 =	sadd.s32 $0x70, s1;
	s1 =	sadd.s32 $0x4000, s1  }
.LBB2_5:
0xa8: {  	[hbm4b:s15+s2] =	stream.linear.scatter [tilespmem:s11], [sflag:$0x5], $0x80, $0x38;
	[tilespmem:$0x12800] =	vst v63  }
0xa9: {  	s11 =	smov.u32 s0;
	s0 =	smov.u32 s10  }
0xaa: {  	s16 =	sadd.s32 $0x1100, s10;
	s0 =	sshra.s32 s0, $0x2;
	s15 =	sadd.s32 $0xE400, s11  }
0xab: {  	[hbm4b:s1+s2] =	stream.linear.scatter [tilespmem:s15], [sflag:$0x5], $0x80, $0x38;
	[tilespmem:$0x12800] =	vst v63  }
0xac: {  	p1 =	sne.s32 s10, $0x7700;
	s10 =	sadd.s32 $0xE488, s11;
	s15 =	sadd.s32 $0x10, s1  }
0xad: {  	[hbm4b:s15+s2] =	stream.linear.scatter [tilespmem:s10], [sflag:$0x5], $0x80, $0x38;
	[tilespmem:$0x12800] =	vst v63  }
0xae: {  	s10 =	sadd.s32 $0xE510, s11;
	s15 =	sadd.s32 $0x20, s1  }
0xaf: {  	[hbm4b:s15+s2] =	stream.linear.scatter [tilespmem:s10], [sflag:$0x5], $0x80, $0x38;
	[tilespmem:$0x12800] =	vst v63  }
0xb0: {  	s10 =	sadd.s32 $0xE598, s11;
	s15 =	sadd.s32 $0x30, s1  }
0xb1: {  	[hbm4b:s15+s2] =	stream.linear.scatter [tilespmem:s10], [sflag:$0x5], $0x80, $0x38;
	[tilespmem:$0x12800] =	vst v63  }
0xb2: {  	s10 =	sadd.s32 $0xE620, s11;
	s15 =	sadd.s32 $0x40, s1  }
0xb3: {  	[hbm4b:s15+s2] =	stream.linear.scatter [tilespmem:s10], [sflag:$0x5], $0x80, $0x38;
	[tilespmem:$0x12800] =	vst v63  }
.Ltmp1:
0xb4: {  	s10 =	sadd.s32 $0xE6A8, s11;
	s15 =	sadd.s32 $0x50, s1;
	(pc) =	sbr.rel @p1 .LBB2_5-.Ltmp1, $4  }
0xb5: {  	[hbm4b:s15+s2] =	stream.linear.scatter [tilespmem:s10], [sflag:$0x5], $0x80, $0x38;
	[tilespmem:$0x12800] =	vst v63  }
0xb6: {  	s10 =	sadd.s32 $0xE730, s11;
	s15 =	sadd.s32 $0x60, s1;
	s11 =	sadd.s32 $0xE7B8, s11  }
0xb7: {  	[hbm4b:s15+s2] =	stream.linear.scatter [tilespmem:s10], [sflag:$0x5], $0x80, $0x38;
	[tilespmem:$0x12800] =	vst v63  }
0xb8: {  	s15 =	sadd.s32 $0x70, s1;
	s1 =	sadd.s32 $0x4000, s1;
	s10 =	smov.u32 s16  }
0xb9: {  	[hbm4b:s15+s2] =	stream.linear.scatter [tilespmem:s11], [sflag:$0x5], $0x80, $0x38;
	[tilespmem:$0x12800] =	vst v63  }
0xba: {  	s10 =	sadd.s32 $0xE400, s0  }
0xbb: {  	[hbm4b:s1+s2] =	stream.linear.scatter [tilespmem:s10], [sflag:$0x5], $0x80, $0x38;
	[tilespmem:$0x12800] =	vst v63  }
0xbc: {  	s15 =	sadd.s32 $0xE488, s0;
	s16 =	sadd.s32 $0x10, s1  }
0xbd: {  	[hbm4b:s16+s2] =	stream.linear.scatter [tilespmem:s15], [sflag:$0x5], $0x80, $0x38;
	[tilespmem:$0x12800] =	vst v63  }
0xbe: {  	s15 =	sadd.s32 $0xE510, s0;
	s16 =	sadd.s32 $0x20, s1  }
0xbf: {  	[hbm4b:s16+s2] =	stream.linear.scatter [tilespmem:s15], [sflag:$0x5], $0x80, $0x38;
	[tilespmem:$0x12800] =	vst v63  }
0xc0: {  	s15 =	sadd.s32 $0xE598, s0;
	s16 =	sadd.s32 $0x30, s1  }
0xc1: {  	[hbm4b:s16+s2] =	stream.linear.scatter [tilespmem:s15], [sflag:$0x5], $0x80, $0x38;
	[tilespmem:$0x12800] =	vst v63  }
0xc2: {  	s15 =	sadd.s32 $0xE620, s0;
	s16 =	sadd.s32 $0x40, s1  }
0xc3: {  	[hbm4b:s16+s2] =	stream.linear.scatter [tilespmem:s15], [sflag:$0x5], $0x80, $0x38;
	[tilespmem:$0x12800] =	vst v63  }
0xc4: {  	p1 =	sne.s32 s29, $0x31;
	s15 =	sadd.s32 $0xE6A8, s0;
	s16 =	sadd.s32 $0x50, s1  }
0xc5: {  	[hbm4b:s16+s2] =	stream.linear.scatter [tilespmem:s15], [sflag:$0x5], $0x80, $0x38;
	[tilespmem:$0x12800] =	vst v63  }
.Ltmp2:
0xc6: {  	_ = 	snop;
	(pc) =	sbr.rel @p1 .LBB2_8-.Ltmp2, $4  }
0xc7: {  	s15 =	sadd.s32 $0xE730, s0;
	s16 =	sadd.s32 $0x60, s1  }
0xc8: {  	[hbm4b:s16+s2] =	stream.linear.scatter [tilespmem:s15], [sflag:$0x5], $0x80, $0x38;
	[tilespmem:$0x12800] =	vst v63  }
0xc9: {  	s15 =	sadd.s32 $0xE7B8, s0;
	s16 =	sadd.s32 $0x70, s1  }
0xca: {  	[hbm4b:s16+s2] =	stream.linear.scatter [tilespmem:s15], [sflag:$0x5], $0x80, $0x38;
	[tilespmem:$0x12800] =	vst v63  }
.Ltmp3:
0xcb: {  	(pc) =	sbr.rel .LBB2_9-.Ltmp3, $4  }
0xcc: {  	_ = 	snop  }
0xcd: {  	_ =	swait.ge [sflag:s21], $0x2000  }
0xce: {  	[sflag:s21] =	ssyncset.done $0x0  }
0xcf: {  	[sflag:s21] =	ssyncadd.s32 $0xFFFFE000  }
.LBB2_8:
.Ltmp4:
0xd0: {  	s0 =	sadd.s32 $0x200, s30;
	(pc) =	sbr.rel @p0 .LBB2_10-.Ltmp4, $4  }
0xd1: {  	[tilespmem:s14], [sflag:$0x1] =	stream.indirect.gather [hbm4b:s3+s13], $0x40, s0, s13, $0xb8;
	[tilespmem:$0x12800] =	vst v63  }
0xd2: {  	_ =	swait.ge [sflag:s21], $0x2000  }
0xd3: {  	[sflag:s21] =	ssyncset.done $0x0  }
0xd4: {  	[sflag:s21] =	ssyncadd.s32 $0xFFFFE000  }
.LBB2_9:
0xd5: {  	_ =	swait.ge [sflag:s22], $0x2000  }
0xd6: {  	[sflag:s22] =	ssyncset.done $0x0  }
0xd7: {  	[sflag:s22] =	ssyncadd.s32 $0xFFFFE000  }
.LBB2_10:
0xd8: {  	s0 =	simm.s32 $0xF;
	s1 =	simm.s32 $0x8600  }
.LBB2_11:
0xd9: {  	s10 =	sadd.s32 $0xFFFFFFF1, s0  }
0xda: {  	v33 =	vmov s10  }
0xdb: {  	v33 =	vshrl.u32 v33, $0x3  }
0xdc: {  	v33 =	vshll.u32 v33, v1  }
0xdd: {  	v34 =	vld [tilespmem:s1+$0xFFFFFE00];
	v33 =	vbroadcast v33, $0x0  }
0xde: {  	v35 =	vld [tilespmem:s1+$0xFFFFFE10]  }
0xdf: {  	v36 =	vld [tilespmem:s1+$0xFFFFFE20];
	v38 =	vadd.s32 v0, v33  }
0xe0: {  	v37 =	vld [tilespmem:s1+$0xFFFFFE30];
	s15 =	sadd.s32 $0xFFFFFFF2, s0;
	v40 =	vadd.s32 v2, v33  }
0xe1: {  	v39 =	vld [tilespmem:s1+$0xFFFFFE40];
	v43 =	vmov s15;
	v42 =	vadd.s32 v3, v33  }
0xe2: {  	v41 =	vld [tilespmem:s1+$0xFFFFFE50];
	v43 =	vshrl.u32 v43, $0x3;
	v33 =	vadd.s32 v4, v33  }
0xe3: {  	v44 =	vld [tilespmem:s1+$0xFFFFFE60];
	v61 =	vshll.u32 v43, v1  }
0xe4: {  	v45 =	vld [tilespmem:s1+$0xFFFFFE70];
	[tilespmem:v38+s23+$0x0] =	vst.idx.msk $0xffff, v34;
	v34 =	vbroadcast v61, $0x0  }
0xe5: {  	[tilespmem:v40+s23+$0x0] =	vst.idx.msk $0xffff, v35  }
0xe6: {  	[tilespmem:v42+s23+$0x0] =	vst.idx.msk $0xffff, v36;
	v62 =	vadd.s32 v5, v34  }
0xe7: {  	s16 =	sadd.s32 $0xFFFFFFF3, s0;
	v63 =	vadd.s32 v6, v34;
	[tilespmem:v33+s23+$0x0] =	vst.idx.msk $0xffff, v37  }
0xe8: {  	v47 =	vmov s16;
	v46 =	vadd.s32 v7, v34;
	v35 =	vld [tilespmem:s1+$0xFFFFFE80]  }
0xe9: {  	v40 =	vshrl.u32 v47, $0x3;
	v34 =	vadd.s32 v8, v34;
	v37 =	vld [tilespmem:s1+$0xFFFFFE90]  }
0xea: {  	v49 =	vshll.u32 v40, v1;
	v42 =	vld [tilespmem:s1+$0xFFFFFEA0]  }
0xeb: {  	v33 =	vbroadcast v49, $0x0;
	v48 =	vld [tilespmem:s1+$0xFFFFFEB0];
	[tilespmem:v62+s23+$0x0] =	vst.idx.msk $0xffff, v39  }
0xec: {  	[tilespmem:v63+s23+$0x0] =	vst.idx.msk $0xffff, v41  }
0xed: {  	v50 =	vadd.s32 v9, v33;
	[tilespmem:v46+s23+$0x0] =	vst.idx.msk $0xffff, v44  }
0xee: {  	s11 =	sadd.s32 $0xFFFFFFF4, s0;
	v51 =	vadd.s32 v10, v33;
	[tilespmem:v34+s23+$0x0] =	vst.idx.msk $0xffff, v45  }
0xef: {  	v53 =	vmov s11;
	v52 =	vadd.s32 v11, v33;
	v36 =	vld [tilespmem:s1+$0xFFFFFEC0]  }
0xf0: {  	v33 =	vadd.s32 v12, v33;
	v41 =	vshrl.u32 v53, $0x3;
	v39 =	vld [tilespmem:s1+$0xFFFFFED0]  }
0xf1: {  	v54 =	vshll.u32 v41, v1;
	v44 =	vld [tilespmem:s1+$0xFFFFFEE0]  }
0xf2: {  	v34 =	vbroadcast v54, $0x0;
	v45 =	vld [tilespmem:s1+$0xFFFFFEF0];
	[tilespmem:v50+s23+$0x0] =	vst.idx.msk $0xffff, v35  }
0xf3: {  	[tilespmem:v51+s23+$0x0] =	vst.idx.msk $0xffff, v37  }
0xf4: {  	v55 =	vadd.s32 v13, v34;
	[tilespmem:v52+s23+$0x0] =	vst.idx.msk $0xffff, v42  }
0xf5: {  	s15 =	sadd.s32 $0xFFFFFFF5, s0;
	v56 =	vadd.s32 v14, v34;
	[tilespmem:v33+s23+$0x0] =	vst.idx.msk $0xffff, v48  }
0xf6: {  	v58 =	vmov s15;
	v57 =	vadd.s32 v15, v34;
	v35 =	vld [tilespmem:s1+$0xFFFFFF00]  }
0xf7: {  	v41 =	vshrl.u32 v58, $0x3;
	v34 =	vadd.s32 v16, v34;
	v38 =	vld [tilespmem:s1+$0xFFFFFF10]  }
0xf8: {  	v59 =	vshll.u32 v41, v1;
	v42 =	vld [tilespmem:s1+$0xFFFFFF20]  }
0xf9: {  	v33 =	vbroadcast v59, $0x0;
	v43 =	vld [tilespmem:s1+$0xFFFFFF30];
	[tilespmem:v55+s23+$0x0] =	vst.idx.msk $0xffff, v36  }
0xfa: {  	[tilespmem:v56+s23+$0x0] =	vst.idx.msk $0xffff, v39  }
0xfb: {  	v60 =	vadd.s32 v17, v33;
	[tilespmem:v57+s23+$0x0] =	vst.idx.msk $0xffff, v44  }
0xfc: {  	s16 =	sadd.s32 $0xFFFFFFF6, s0;
	v61 =	vadd.s32 v18, v33;
	[tilespmem:v34+s23+$0x0] =	vst.idx.msk $0xffff, v45  }
0xfd: {  	v63 =	vmov s16;
	v62 =	vadd.s32 v19, v33;
	v36 =	vld [tilespmem:s1+$0xFFFFFF40]  }
0xfe: {  	v41 =	vshrl.u32 v63, $0x3;
	v33 =	vadd.s32 v20, v33;
	v39 =	vld [tilespmem:s1+$0xFFFFFF50]  }
0xff: {  	v46 =	vshll.u32 v41, v1;
	v44 =	vld [tilespmem:s1+$0xFFFFFF60]  }
0x100: {  	v34 =	vbroadcast v46, $0x0;
	v45 =	vld [tilespmem:s1+$0xFFFFFF70];
	[tilespmem:v60+s23+$0x0] =	vst.idx.msk $0xffff, v35  }
0x101: {  	[tilespmem:v61+s23+$0x0] =	vst.idx.msk $0xffff, v38  }
0x102: {  	v47 =	vadd.s32 v21, v34;
	[tilespmem:v62+s23+$0x0] =	vst.idx.msk $0xffff, v42  }
0x103: {  	s11 =	sadd.s32 $0xFFFFFFF7, s0;
	v48 =	vadd.s32 v22, v34;
	[tilespmem:v33+s23+$0x0] =	vst.idx.msk $0xffff, v43  }
0x104: {  	v50 =	vmov s11;
	v49 =	vadd.s32 v23, v34;
	v35 =	vld [tilespmem:s1+$0xFFFFFF80]  }
0x105: {  	v41 =	vshrl.u32 v50, $0x3;
	v34 =	vadd.s32 v24, v34;
	v38 =	vld [tilespmem:s1+$0xFFFFFF90]  }
0x106: {  	v51 =	vshll.u32 v41, v1;
	v42 =	vld [tilespmem:s1+$0xFFFFFFA0]  }
0x107: {  	v33 =	vbroadcast v51, $0x0;
	v43 =	vld [tilespmem:s1+$0xFFFFFFB0];
	[tilespmem:v47+s23+$0x0] =	vst.idx.msk $0xffff, v36  }
0x108: {  	[tilespmem:v48+s23+$0x0] =	vst.idx.msk $0xffff, v39  }
0x109: {  	v52 =	vadd.s32 v25, v33;
	[tilespmem:v49+s23+$0x0] =	vst.idx.msk $0xffff, v44  }
0x10a: {  	s15 =	sadd.s32 $0xFFFFFFF8, s0;
	v53 =	vadd.s32 v26, v33;
	[tilespmem:v34+s23+$0x0] =	vst.idx.msk $0xffff, v45  }
0x10b: {  	v55 =	vmov s15;
	v54 =	vadd.s32 v27, v33;
	v36 =	vld [tilespmem:s1+$0xFFFFFFC0]  }
0x10c: {  	v41 =	vshrl.u32 v55, $0x3;
	v33 =	vadd.s32 v28, v33;
	v39 =	vld [tilespmem:s1+$0xFFFFFFD0]  }
0x10d: {  	v56 =	vshll.u32 v41, v1;
	v44 =	vld [tilespmem:s1+$0xFFFFFFE0]  }
0x10e: {  	v34 =	vbroadcast v56, $0x0;
	v45 =	vld [tilespmem:s1+$0xFFFFFFF0];
	[tilespmem:v52+s23+$0x0] =	vst.idx.msk $0xffff, v35  }
0x10f: {  	[tilespmem:v53+s23+$0x0] =	vst.idx.msk $0xffff, v38  }
0x110: {  	v57 =	vadd.s32 v29, v34;
	[tilespmem:v54+s23+$0x0] =	vst.idx.msk $0xffff, v42  }
0x111: {  	s16 =	sadd.s32 $0xFFFFFFF9, s0;
	v58 =	vadd.s32 v30, v34;
	[tilespmem:v33+s23+$0x0] =	vst.idx.msk $0xffff, v43  }
0x112: {  	v60 =	vmov s16;
	v59 =	vadd.s32 v31, v34;
	v35 =	vld [tilespmem:s1+$0x0]  }
0x113: {  	v41 =	vshrl.u32 v60, $0x3;
	v34 =	vadd.s32 v32, v34;
	v38 =	vld [tilespmem:s1+$0x10]  }
0x114: {  	v61 =	vshll.u32 v41, v1;
	v42 =	vld [tilespmem:s1+$0x20]  }
0x115: {  	v33 =	vbroadcast v61, $0x0;
	v43 =	vld [tilespmem:s1+$0x30];
	[tilespmem:v57+s23+$0x0] =	vst.idx.msk $0xffff, v36  }
0x116: {  	[tilespmem:v58+s23+$0x0] =	vst.idx.msk $0xffff, v39  }
0x117: {  	v62 =	vadd.s32 v0, v33;
	[tilespmem:v59+s23+$0x0] =	vst.idx.msk $0xffff, v44  }
0x118: {  	s11 =	sadd.s32 $0xFFFFFFFA, s0;
	v63 =	vadd.s32 v2, v33;
	[tilespmem:v34+s23+$0x0] =	vst.idx.msk $0xffff, v45  }
0x119: {  	v49 =	vmov s11;
	v48 =	vadd.s32 v3, v33;
	v36 =	vld [tilespmem:s1+$0x40]  }
0x11a: {  	v41 =	vshrl.u32 v49, $0x3;
	v33 =	vadd.s32 v4, v33;
	v39 =	vld [tilespmem:s1+$0x50]  }
0x11b: {  	v50 =	vshll.u32 v41, v1;
	v44 =	vld [tilespmem:s1+$0x60]  }
0x11c: {  	v34 =	vbroadcast v50, $0x0;
	v45 =	vld [tilespmem:s1+$0x70];
	[tilespmem:v62+s23+$0x0] =	vst.idx.msk $0xffff, v35  }
0x11d: {  	[tilespmem:v63+s23+$0x0] =	vst.idx.msk $0xffff, v38  }
0x11e: {  	v51 =	vadd.s32 v5, v34;
	[tilespmem:v48+s23+$0x0] =	vst.idx.msk $0xffff, v42  }
0x11f: {  	s15 =	sadd.s32 $0xFFFFFFFB, s0;
	v52 =	vadd.s32 v6, v34;
	[tilespmem:v33+s23+$0x0] =	vst.idx.msk $0xffff, v43  }
0x120: {  	v54 =	vmov s15;
	v53 =	vadd.s32 v7, v34;
	v35 =	vld [tilespmem:s1+$0x80]  }
0x121: {  	v41 =	vshrl.u32 v54, $0x3;
	v34 =	vadd.s32 v8, v34;
	v38 =	vld [tilespmem:s1+$0x90]  }
0x122: {  	v55 =	vshll.u32 v41, v1;
	v42 =	vld [tilespmem:s1+$0xA0]  }
0x123: {  	v33 =	vbroadcast v55, $0x0;
	v43 =	vld [tilespmem:s1+$0xB0];
	[tilespmem:v51+s23+$0x0] =	vst.idx.msk $0xffff, v36  }
0x124: {  	[tilespmem:v52+s23+$0x0] =	vst.idx.msk $0xffff, v39  }
0x125: {  	v56 =	vadd.s32 v9, v33;
	[tilespmem:v53+s23+$0x0] =	vst.idx.msk $0xffff, v44  }
0x126: {  	s16 =	sadd.s32 $0xFFFFFFFC, s0;
	v57 =	vadd.s32 v10, v33;
	[tilespmem:v34+s23+$0x0] =	vst.idx.msk $0xffff, v45  }
0x127: {  	v59 =	vmov s16;
	v58 =	vadd.s32 v11, v33;
	v36 =	vld [tilespmem:s1+$0xC0]  }
0x128: {  	v41 =	vshrl.u32 v59, $0x3;
	v33 =	vadd.s32 v12, v33;
	v39 =	vld [tilespmem:s1+$0xD0]  }
0x129: {  	v60 =	vshll.u32 v41, v1;
	v44 =	vld [tilespmem:s1+$0xE0]  }
0x12a: {  	v34 =	vbroadcast v60, $0x0;
	v45 =	vld [tilespmem:s1+$0xF0];
	[tilespmem:v56+s23+$0x0] =	vst.idx.msk $0xffff, v35  }
0x12b: {  	[tilespmem:v57+s23+$0x0] =	vst.idx.msk $0xffff, v38  }
0x12c: {  	v61 =	vadd.s32 v13, v34;
	[tilespmem:v58+s23+$0x0] =	vst.idx.msk $0xffff, v42  }
0x12d: {  	s11 =	sadd.s32 $0xFFFFFFFD, s0;
	v62 =	vadd.s32 v14, v34;
	[tilespmem:v33+s23+$0x0] =	vst.idx.msk $0xffff, v43  }
0x12e: {  	v46 =	vmov s11;
	v63 =	vadd.s32 v15, v34;
	v35 =	vld [tilespmem:s1+$0x100]  }
0x12f: {  	v41 =	vshrl.u32 v46, $0x3;
	v34 =	vadd.s32 v16, v34;
	v38 =	vld [tilespmem:s1+$0x110]  }
0x130: {  	v47 =	vshll.u32 v41, v1;
	v42 =	vld [tilespmem:s1+$0x120]  }
0x131: {  	v33 =	vbroadcast v47, $0x0;
	v43 =	vld [tilespmem:s1+$0x130];
	[tilespmem:v61+s23+$0x0] =	vst.idx.msk $0xffff, v36  }
0x132: {  	[tilespmem:v62+s23+$0x0] =	vst.idx.msk $0xffff, v39  }
0x133: {  	v48 =	vadd.s32 v17, v33;
	[tilespmem:v63+s23+$0x0] =	vst.idx.msk $0xffff, v44  }
0x134: {  	s15 =	sadd.s32 $0xFFFFFFFE, s0;
	v49 =	vadd.s32 v18, v33;
	[tilespmem:v34+s23+$0x0] =	vst.idx.msk $0xffff, v45  }
0x135: {  	v51 =	vmov s15;
	v50 =	vadd.s32 v19, v33;
	v36 =	vld [tilespmem:s1+$0x140]  }
0x136: {  	v41 =	vshrl.u32 v51, $0x3;
	v33 =	vadd.s32 v20, v33;
	v39 =	vld [tilespmem:s1+$0x150]  }
0x137: {  	v52 =	vshll.u32 v41, v1;
	v44 =	vld [tilespmem:s1+$0x160]  }
0x138: {  	v34 =	vbroadcast v52, $0x0;
	v45 =	vld [tilespmem:s1+$0x170];
	[tilespmem:v48+s23+$0x0] =	vst.idx.msk $0xffff, v35  }
0x139: {  	[tilespmem:v49+s23+$0x0] =	vst.idx.msk $0xffff, v38  }
0x13a: {  	v53 =	vadd.s32 v21, v34;
	[tilespmem:v50+s23+$0x0] =	vst.idx.msk $0xffff, v42  }
0x13b: {  	s16 =	sadd.s32 $0xFFFFFFFF, s0;
	v54 =	vadd.s32 v22, v34;
	[tilespmem:v33+s23+$0x0] =	vst.idx.msk $0xffff, v43  }
0x13c: {  	v56 =	vmov s16;
	v55 =	vadd.s32 v23, v34;
	v35 =	vld [tilespmem:s1+$0x180]  }
0x13d: {  	v41 =	vshrl.u32 v56, $0x3;
	v34 =	vadd.s32 v24, v34;
	v38 =	vld [tilespmem:s1+$0x190]  }
0x13e: {  	v57 =	vshll.u32 v41, v1;
	v42 =	vld [tilespmem:s1+$0x1A0]  }
0x13f: {  	v33 =	vbroadcast v57, $0x0;
	v43 =	vld [tilespmem:s1+$0x1B0];
	[tilespmem:v53+s23+$0x0] =	vst.idx.msk $0xffff, v36  }
0x140: {  	v58 =	vmov s0;
	[tilespmem:v54+s23+$0x0] =	vst.idx.msk $0xffff, v39  }
0x141: {  	v59 =	vadd.s32 v25, v33;
	v36 =	vshrl.u32 v58, $0x3;
	[tilespmem:v55+s23+$0x0] =	vst.idx.msk $0xffff, v44  }
0x142: {  	v60 =	vadd.s32 v26, v33;
	v36 =	vshll.u32 v36, v1;
	[tilespmem:v34+s23+$0x0] =	vst.idx.msk $0xffff, v45  }
0x143: {  	v61 =	vadd.s32 v27, v33;
	v36 =	vbroadcast v36, $0x0;
	v37 =	vld [tilespmem:s1+$0x1C0]  }
0x144: {  	v33 =	vadd.s32 v28, v33;
	v40 =	vld [tilespmem:s1+$0x1D0]  }
0x145: {  	v44 =	vld [tilespmem:s1+$0x1E0];
	v46 =	vadd.s32 v29, v36  }
0x146: {  	v45 =	vld [tilespmem:s1+$0x1F0];
	[tilespmem:v59+s23+$0x0] =	vst.idx.msk $0xffff, v35;
	v62 =	vadd.s32 v30, v36  }
0x147: {  	v63 =	vadd.s32 v31, v36;
	[tilespmem:v60+s23+$0x0] =	vst.idx.msk $0xffff, v38  }
0x148: {  	p0 =	sne.s32 s0, $0x7F;
	v36 =	vadd.s32 v32, v36;
	[tilespmem:v61+s23+$0x0] =	vst.idx.msk $0xffff, v42  }
.Ltmp5:
0x149: {  	[tilespmem:v33+s23+$0x0] =	vst.idx.msk $0xffff, v43;
	(pc) =	sbr.rel @p0 .LBB2_11-.Ltmp5, $4  }
0x14a: {  	[tilespmem:v46+s23+$0x0] =	vst.idx.msk $0xffff, v37  }
0x14b: {  	[tilespmem:v62+s23+$0x0] =	vst.idx.msk $0xffff, v40  }
0x14c: {  	[tilespmem:v63+s23+$0x0] =	vst.idx.msk $0xffff, v44  }
0x14d: {  	s0 =	sadd.s32 $0x10, s0;
	s1 =	sadd.s32 $0x400, s1;
	[tilespmem:v36+s23+$0x0] =	vst.idx.msk $0xffff, v45  }
0x14e: {  	s1 =	sadd.s32 s31, s6;
	s0 =	simm.s32 $0x10600  }
0x14f: {  	[hbm4b:s1+s2] =	stream.linear.scatter [tilespmem:s0], [sflag:$0x6], $0x80, $0x38;
	[tilespmem:$0x12800] =	vst v63  }
0x150: {  	s11 =	simm.s32 $0x10688;
	s10 =	sadd.s32 $0x10, s1  }
0x151: {  	[hbm4b:s10+s2] =	stream.linear.scatter [tilespmem:s11], [sflag:$0x6], $0x80, $0x38;
	[tilespmem:$0x12800] =	vst v63  }
0x152: {  	s15 =	simm.s32 $0x10710;
	s16 =	sadd.s32 $0x20, s1  }
0x153: {  	[hbm4b:s16+s2] =	stream.linear.scatter [tilespmem:s15], [sflag:$0x6], $0x80, $0x38;
	[tilespmem:$0x12800] =	vst v63  }
0x154: {  	s10 =	simm.s32 $0x10798;
	s11 =	sadd.s32 $0x30, s1  }
0x155: {  	[hbm4b:s11+s2] =	stream.linear.scatter [tilespmem:s10], [sflag:$0x6], $0x80, $0x38;
	[tilespmem:$0x12800] =	vst v63  }
0x156: {  	s15 =	simm.s32 $0x10820;
	s16 =	sadd.s32 $0x40, s1  }
0x157: {  	[hbm4b:s16+s2] =	stream.linear.scatter [tilespmem:s15], [sflag:$0x6], $0x80, $0x38;
	[tilespmem:$0x12800] =	vst v63  }
0x158: {  	s0 =	simm.s32 $0x440;
	s10 =	simm.s32 $0x108A8;
	s11 =	sadd.s32 $0x50, s1  }
0x159: {  	[hbm4b:s11+s2] =	stream.linear.scatter [tilespmem:s10], [sflag:$0x6], $0x80, $0x38;
	[tilespmem:$0x12800] =	vst v63  }
0x15a: {  	s15 =	simm.s32 $0x10930;
	s16 =	sadd.s32 $0x60, s1;
	s10 =	simm.s32 $0x2200  }
0x15b: {  	[hbm4b:s16+s2] =	stream.linear.scatter [tilespmem:s15], [sflag:$0x6], $0x80, $0x38;
	[tilespmem:$0x12800] =	vst v63  }
0x15c: {  	s11 =	simm.s32 $0x109B8;
	s15 =	sadd.s32 $0x70, s1;
	s1 =	sadd.s32 $0x4000, s1  }
.LBB2_13:
0x15d: {  	[hbm4b:s15+s2] =	stream.linear.scatter [tilespmem:s11], [sflag:$0x6], $0x80, $0x38;
	[tilespmem:$0x12800] =	vst v63  }
0x15e: {  	s11 =	smov.u32 s0;
	s0 =	smov.u32 s10  }
0x15f: {  	s16 =	sadd.s32 $0x1100, s10;
	s0 =	sshra.s32 s0, $0x2;
	s15 =	sadd.s32 $0x10600, s11  }
0x160: {  	[hbm4b:s1+s2] =	stream.linear.scatter [tilespmem:s15], [sflag:$0x6], $0x80, $0x38;
	[tilespmem:$0x12800] =	vst v63  }
0x161: {  	p0 =	sne.s32 s10, $0x7700;
	s10 =	sadd.s32 $0x10688, s11;
	s15 =	sadd.s32 $0x10, s1  }
0x162: {  	[hbm4b:s15+s2] =	stream.linear.scatter [tilespmem:s10], [sflag:$0x6], $0x80, $0x38;
	[tilespmem:$0x12800] =	vst v63  }
0x163: {  	s10 =	sadd.s32 $0x10710, s11;
	s15 =	sadd.s32 $0x20, s1  }
0x164: {  	[hbm4b:s15+s2] =	stream.linear.scatter [tilespmem:s10], [sflag:$0x6], $0x80, $0x38;
	[tilespmem:$0x12800] =	vst v63  }
0x165: {  	s10 =	sadd.s32 $0x10798, s11;
	s15 =	sadd.s32 $0x30, s1  }
0x166: {  	[hbm4b:s15+s2] =	stream.linear.scatter [tilespmem:s10], [sflag:$0x6], $0x80, $0x38;
	[tilespmem:$0x12800] =	vst v63  }
0x167: {  	s10 =	sadd.s32 $0x10820, s11;
	s15 =	sadd.s32 $0x40, s1  }
0x168: {  	[hbm4b:s15+s2] =	stream.linear.scatter [tilespmem:s10], [sflag:$0x6], $0x80, $0x38;
	[tilespmem:$0x12800] =	vst v63  }
.Ltmp6:
0x169: {  	s10 =	sadd.s32 $0x108A8, s11;
	s15 =	sadd.s32 $0x50, s1;
	(pc) =	sbr.rel @p0 .LBB2_13-.Ltmp6, $4  }
0x16a: {  	[hbm4b:s15+s2] =	stream.linear.scatter [tilespmem:s10], [sflag:$0x6], $0x80, $0x38;
	[tilespmem:$0x12800] =	vst v63  }
0x16b: {  	s10 =	sadd.s32 $0x10930, s11;
	s15 =	sadd.s32 $0x60, s1;
	s11 =	sadd.s32 $0x109B8, s11  }
0x16c: {  	[hbm4b:s15+s2] =	stream.linear.scatter [tilespmem:s10], [sflag:$0x6], $0x80, $0x38;
	[tilespmem:$0x12800] =	vst v63  }
0x16d: {  	s15 =	sadd.s32 $0x70, s1;
	s1 =	sadd.s32 $0x4000, s1;
	s10 =	smov.u32 s16  }
0x16e: {  	[hbm4b:s15+s2] =	stream.linear.scatter [tilespmem:s11], [sflag:$0x6], $0x80, $0x38;
	[tilespmem:$0x12800] =	vst v63  }
0x16f: {  	s10 =	sadd.s32 $0x10600, s0  }
0x170: {  	[hbm4b:s1+s2] =	stream.linear.scatter [tilespmem:s10], [sflag:$0x6], $0x80, $0x38;
	[tilespmem:$0x12800] =	vst v63  }
0x171: {  	s15 =	sadd.s32 $0x10688, s0;
	s16 =	sadd.s32 $0x10, s1  }
0x172: {  	[hbm4b:s16+s2] =	stream.linear.scatter [tilespmem:s15], [sflag:$0x6], $0x80, $0x38;
	[tilespmem:$0x12800] =	vst v63  }
0x173: {  	s15 =	sadd.s32 $0x10710, s0;
	s16 =	sadd.s32 $0x20, s1  }
0x174: {  	[hbm4b:s16+s2] =	stream.linear.scatter [tilespmem:s15], [sflag:$0x6], $0x80, $0x38;
	[tilespmem:$0x12800] =	vst v63  }
0x175: {  	s15 =	sadd.s32 $0x10798, s0;
	s16 =	sadd.s32 $0x30, s1  }
0x176: {  	[hbm4b:s16+s2] =	stream.linear.scatter [tilespmem:s15], [sflag:$0x6], $0x80, $0x38;
	[tilespmem:$0x12800] =	vst v63  }
0x177: {  	s15 =	sadd.s32 $0x10820, s0;
	s16 =	sadd.s32 $0x40, s1  }
0x178: {  	[hbm4b:s16+s2] =	stream.linear.scatter [tilespmem:s15], [sflag:$0x6], $0x80, $0x38;
	[tilespmem:$0x12800] =	vst v63  }
0x179: {  	s15 =	sadd.s32 $0x108A8, s0;
	s16 =	sadd.s32 $0x50, s1  }
0x17a: {  	[hbm4b:s16+s2] =	stream.linear.scatter [tilespmem:s15], [sflag:$0x6], $0x80, $0x38;
	[tilespmem:$0x12800] =	vst v63  }
0x17b: {  	s15 =	sadd.s32 $0x10930, s0;
	s16 =	sadd.s32 $0x60, s1  }
0x17c: {  	[hbm4b:s16+s2] =	stream.linear.scatter [tilespmem:s15], [sflag:$0x6], $0x80, $0x38;
	[tilespmem:$0x12800] =	vst v63  }
0x17d: {  	p0 =	seq.s32 s29, $0x31;
	s15 =	sadd.s32 $0x109B8, s0;
	s16 =	sadd.s32 $0x70, s1  }
0x17e: {  	[hbm4b:s16+s2] =	stream.linear.scatter [tilespmem:s15], [sflag:$0x6], $0x80, $0x38;
	[tilespmem:$0x12800] =	vst v63  }
0x17f: {  	s10 =	simm.s32 @!p0 $0x8400;
	s0 =	sadd.s32 @!p0 $0x280, s30;
	s1 =	simm.s32 @!p0 $0x80  }
0x180: {  	[tilespmem:s10], [sflag:$0x2] =	stream.indirect.gather @!p0 [hbm4b:s3+s1], $0x40, s0, s1, $0xb8;
	[tilespmem:$0x12800] =	vst v63  }
0x181: {  	_ =	swait.ge [sflag:s24], $0x2000  }
0x182: {  	[sflag:s24] =	ssyncset.done $0x0  }
0x183: {  	[sflag:s24] =	ssyncadd.s32 $0xFFFFE000  }
0x184: {  	_ =	swait.ge [sflag:s25], $0x2000  }
0x185: {  	[sflag:s25] =	ssyncset.done $0x0  }
0x186: {  	s0 =	simm.s32 $0xF;
	s1 =	simm.s32 $0xA600;
	[sflag:s25] =	ssyncadd.s32 $0xFFFFE000  }
.LBB2_15:
0x187: {  	s10 =	sadd.s32 $0xFFFFFFF1, s0  }
0x188: {  	v33 =	vmov s10  }
0x189: {  	v33 =	vshrl.u32 v33, $0x3  }
0x18a: {  	v33 =	vshll.u32 v33, v1  }
0x18b: {  	v34 =	vld [tilespmem:s1+$0xFFFFFE00];
	v33 =	vbroadcast v33, $0x0  }
0x18c: {  	v35 =	vld [tilespmem:s1+$0xFFFFFE10]  }
0x18d: {  	v36 =	vld [tilespmem:s1+$0xFFFFFE20];
	v38 =	vadd.s32 v0, v33  }
0x18e: {  	v37 =	vld [tilespmem:s1+$0xFFFFFE30];
	s15 =	sadd.s32 $0xFFFFFFF2, s0;
	v40 =	vadd.s32 v2, v33  }
0x18f: {  	v39 =	vld [tilespmem:s1+$0xFFFFFE40];
	v43 =	vmov s15;
	v42 =	vadd.s32 v3, v33  }
0x190: {  	v41 =	vld [tilespmem:s1+$0xFFFFFE50];
	v43 =	vshrl.u32 v43, $0x3;
	v33 =	vadd.s32 v4, v33  }
0x191: {  	v44 =	vld [tilespmem:s1+$0xFFFFFE60];
	v61 =	vshll.u32 v43, v1  }
0x192: {  	v45 =	vld [tilespmem:s1+$0xFFFFFE70];
	[tilespmem:v38+s20+$0x0] =	vst.idx.msk $0xffff, v34;
	v34 =	vbroadcast v61, $0x0  }
0x193: {  	[tilespmem:v40+s20+$0x0] =	vst.idx.msk $0xffff, v35  }
0x194: {  	[tilespmem:v42+s20+$0x0] =	vst.idx.msk $0xffff, v36;
	v62 =	vadd.s32 v5, v34  }
0x195: {  	s16 =	sadd.s32 $0xFFFFFFF3, s0;
	v63 =	vadd.s32 v6, v34;
	[tilespmem:v33+s20+$0x0] =	vst.idx.msk $0xffff, v37  }
0x196: {  	v47 =	vmov s16;
	v46 =	vadd.s32 v7, v34;
	v35 =	vld [tilespmem:s1+$0xFFFFFE80]  }
0x197: {  	v40 =	vshrl.u32 v47, $0x3;
	v34 =	vadd.s32 v8, v34;
	v37 =	vld [tilespmem:s1+$0xFFFFFE90]  }
0x198: {  	v49 =	vshll.u32 v40, v1;
	v42 =	vld [tilespmem:s1+$0xFFFFFEA0]  }
0x199: {  	v33 =	vbroadcast v49, $0x0;
	v48 =	vld [tilespmem:s1+$0xFFFFFEB0];
	[tilespmem:v62+s20+$0x0] =	vst.idx.msk $0xffff, v39  }
0x19a: {  	[tilespmem:v63+s20+$0x0] =	vst.idx.msk $0xffff, v41  }
0x19b: {  	v50 =	vadd.s32 v9, v33;
	[tilespmem:v46+s20+$0x0] =	vst.idx.msk $0xffff, v44  }
0x19c: {  	s11 =	sadd.s32 $0xFFFFFFF4, s0;
	v51 =	vadd.s32 v10, v33;
	[tilespmem:v34+s20+$0x0] =	vst.idx.msk $0xffff, v45  }
0x19d: {  	v53 =	vmov s11;
	v52 =	vadd.s32 v11, v33;
	v36 =	vld [tilespmem:s1+$0xFFFFFEC0]  }
0x19e: {  	v33 =	vadd.s32 v12, v33;
	v41 =	vshrl.u32 v53, $0x3;
	v39 =	vld [tilespmem:s1+$0xFFFFFED0]  }
0x19f: {  	v54 =	vshll.u32 v41, v1;
	v44 =	vld [tilespmem:s1+$0xFFFFFEE0]  }
0x1a0: {  	v34 =	vbroadcast v54, $0x0;
	v45 =	vld [tilespmem:s1+$0xFFFFFEF0];
	[tilespmem:v50+s20+$0x0] =	vst.idx.msk $0xffff, v35  }
0x1a1: {  	[tilespmem:v51+s20+$0x0] =	vst.idx.msk $0xffff, v37  }
0x1a2: {  	v55 =	vadd.s32 v13, v34;
	[tilespmem:v52+s20+$0x0] =	vst.idx.msk $0xffff, v42  }
0x1a3: {  	s15 =	sadd.s32 $0xFFFFFFF5, s0;
	v56 =	vadd.s32 v14, v34;
	[tilespmem:v33+s20+$0x0] =	vst.idx.msk $0xffff, v48  }
0x1a4: {  	v58 =	vmov s15;
	v57 =	vadd.s32 v15, v34;
	v35 =	vld [tilespmem:s1+$0xFFFFFF00]  }
0x1a5: {  	v41 =	vshrl.u32 v58, $0x3;
	v34 =	vadd.s32 v16, v34;
	v38 =	vld [tilespmem:s1+$0xFFFFFF10]  }
0x1a6: {  	v59 =	vshll.u32 v41, v1;
	v42 =	vld [tilespmem:s1+$0xFFFFFF20]  }
0x1a7: {  	v33 =	vbroadcast v59, $0x0;
	v43 =	vld [tilespmem:s1+$0xFFFFFF30];
	[tilespmem:v55+s20+$0x0] =	vst.idx.msk $0xffff, v36  }
0x1a8: {  	[tilespmem:v56+s20+$0x0] =	vst.idx.msk $0xffff, v39  }
0x1a9: {  	v60 =	vadd.s32 v17, v33;
	[tilespmem:v57+s20+$0x0] =	vst.idx.msk $0xffff, v44  }
0x1aa: {  	s16 =	sadd.s32 $0xFFFFFFF6, s0;
	v61 =	vadd.s32 v18, v33;
	[tilespmem:v34+s20+$0x0] =	vst.idx.msk $0xffff, v45  }
0x1ab: {  	v63 =	vmov s16;
	v62 =	vadd.s32 v19, v33;
	v36 =	vld [tilespmem:s1+$0xFFFFFF40]  }
0x1ac: {  	v41 =	vshrl.u32 v63, $0x3;
	v33 =	vadd.s32 v20, v33;
	v39 =	vld [tilespmem:s1+$0xFFFFFF50]  }
0x1ad: {  	v46 =	vshll.u32 v41, v1;
	v44 =	vld [tilespmem:s1+$0xFFFFFF60]  }
0x1ae: {  	v34 =	vbroadcast v46, $0x0;
	v45 =	vld [tilespmem:s1+$0xFFFFFF70];
	[tilespmem:v60+s20+$0x0] =	vst.idx.msk $0xffff, v35  }
0x1af: {  	[tilespmem:v61+s20+$0x0] =	vst.idx.msk $0xffff, v38  }
0x1b0: {  	v47 =	vadd.s32 v21, v34;
	[tilespmem:v62+s20+$0x0] =	vst.idx.msk $0xffff, v42  }
0x1b1: {  	s11 =	sadd.s32 $0xFFFFFFF7, s0;
	v48 =	vadd.s32 v22, v34;
	[tilespmem:v33+s20+$0x0] =	vst.idx.msk $0xffff, v43  }
0x1b2: {  	v50 =	vmov s11;
	v49 =	vadd.s32 v23, v34;
	v35 =	vld [tilespmem:s1+$0xFFFFFF80]  }
0x1b3: {  	v41 =	vshrl.u32 v50, $0x3;
	v34 =	vadd.s32 v24, v34;
	v38 =	vld [tilespmem:s1+$0xFFFFFF90]  }
0x1b4: {  	v51 =	vshll.u32 v41, v1;
	v42 =	vld [tilespmem:s1+$0xFFFFFFA0]  }
0x1b5: {  	v33 =	vbroadcast v51, $0x0;
	v43 =	vld [tilespmem:s1+$0xFFFFFFB0];
	[tilespmem:v47+s20+$0x0] =	vst.idx.msk $0xffff, v36  }
0x1b6: {  	[tilespmem:v48+s20+$0x0] =	vst.idx.msk $0xffff, v39  }
0x1b7: {  	v52 =	vadd.s32 v25, v33;
	[tilespmem:v49+s20+$0x0] =	vst.idx.msk $0xffff, v44  }
0x1b8: {  	s15 =	sadd.s32 $0xFFFFFFF8, s0;
	v53 =	vadd.s32 v26, v33;
	[tilespmem:v34+s20+$0x0] =	vst.idx.msk $0xffff, v45  }
0x1b9: {  	v55 =	vmov s15;
	v54 =	vadd.s32 v27, v33;
	v36 =	vld [tilespmem:s1+$0xFFFFFFC0]  }
0x1ba: {  	v41 =	vshrl.u32 v55, $0x3;
	v33 =	vadd.s32 v28, v33;
	v39 =	vld [tilespmem:s1+$0xFFFFFFD0]  }
0x1bb: {  	v56 =	vshll.u32 v41, v1;
	v44 =	vld [tilespmem:s1+$0xFFFFFFE0]  }
0x1bc: {  	v34 =	vbroadcast v56, $0x0;
	v45 =	vld [tilespmem:s1+$0xFFFFFFF0];
	[tilespmem:v52+s20+$0x0] =	vst.idx.msk $0xffff, v35  }
0x1bd: {  	[tilespmem:v53+s20+$0x0] =	vst.idx.msk $0xffff, v38  }
0x1be: {  	v57 =	vadd.s32 v29, v34;
	[tilespmem:v54+s20+$0x0] =	vst.idx.msk $0xffff, v42  }
0x1bf: {  	s16 =	sadd.s32 $0xFFFFFFF9, s0;
	v58 =	vadd.s32 v30, v34;
	[tilespmem:v33+s20+$0x0] =	vst.idx.msk $0xffff, v43  }
0x1c0: {  	v60 =	vmov s16;
	v59 =	vadd.s32 v31, v34;
	v35 =	vld [tilespmem:s1+$0x0]  }
0x1c1: {  	v41 =	vshrl.u32 v60, $0x3;
	v34 =	vadd.s32 v32, v34;
	v38 =	vld [tilespmem:s1+$0x10]  }
0x1c2: {  	v61 =	vshll.u32 v41, v1;
	v42 =	vld [tilespmem:s1+$0x20]  }
0x1c3: {  	v33 =	vbroadcast v61, $0x0;
	v43 =	vld [tilespmem:s1+$0x30];
	[tilespmem:v57+s20+$0x0] =	vst.idx.msk $0xffff, v36  }
0x1c4: {  	[tilespmem:v58+s20+$0x0] =	vst.idx.msk $0xffff, v39  }
0x1c5: {  	v62 =	vadd.s32 v0, v33;
	[tilespmem:v59+s20+$0x0] =	vst.idx.msk $0xffff, v44  }
0x1c6: {  	s11 =	sadd.s32 $0xFFFFFFFA, s0;
	v63 =	vadd.s32 v2, v33;
	[tilespmem:v34+s20+$0x0] =	vst.idx.msk $0xffff, v45  }
0x1c7: {  	v49 =	vmov s11;
	v48 =	vadd.s32 v3, v33;
	v36 =	vld [tilespmem:s1+$0x40]  }
0x1c8: {  	v41 =	vshrl.u32 v49, $0x3;
	v33 =	vadd.s32 v4, v33;
	v39 =	vld [tilespmem:s1+$0x50]  }
0x1c9: {  	v50 =	vshll.u32 v41, v1;
	v44 =	vld [tilespmem:s1+$0x60]  }
0x1ca: {  	v34 =	vbroadcast v50, $0x0;
	v45 =	vld [tilespmem:s1+$0x70];
	[tilespmem:v62+s20+$0x0] =	vst.idx.msk $0xffff, v35  }
0x1cb: {  	[tilespmem:v63+s20+$0x0] =	vst.idx.msk $0xffff, v38  }
0x1cc: {  	v51 =	vadd.s32 v5, v34;
	[tilespmem:v48+s20+$0x0] =	vst.idx.msk $0xffff, v42  }
0x1cd: {  	s15 =	sadd.s32 $0xFFFFFFFB, s0;
	v52 =	vadd.s32 v6, v34;
	[tilespmem:v33+s20+$0x0] =	vst.idx.msk $0xffff, v43  }
0x1ce: {  	v54 =	vmov s15;
	v53 =	vadd.s32 v7, v34;
	v35 =	vld [tilespmem:s1+$0x80]  }
0x1cf: {  	v41 =	vshrl.u32 v54, $0x3;
	v34 =	vadd.s32 v8, v34;
	v38 =	vld [tilespmem:s1+$0x90]  }
0x1d0: {  	v55 =	vshll.u32 v41, v1;
	v42 =	vld [tilespmem:s1+$0xA0]  }
0x1d1: {  	v33 =	vbroadcast v55, $0x0;
	v43 =	vld [tilespmem:s1+$0xB0];
	[tilespmem:v51+s20+$0x0] =	vst.idx.msk $0xffff, v36  }
0x1d2: {  	[tilespmem:v52+s20+$0x0] =	vst.idx.msk $0xffff, v39  }
0x1d3: {  	v56 =	vadd.s32 v9, v33;
	[tilespmem:v53+s20+$0x0] =	vst.idx.msk $0xffff, v44  }
0x1d4: {  	s16 =	sadd.s32 $0xFFFFFFFC, s0;
	v57 =	vadd.s32 v10, v33;
	[tilespmem:v34+s20+$0x0] =	vst.idx.msk $0xffff, v45  }
0x1d5: {  	v59 =	vmov s16;
	v58 =	vadd.s32 v11, v33;
	v36 =	vld [tilespmem:s1+$0xC0]  }
0x1d6: {  	v41 =	vshrl.u32 v59, $0x3;
	v33 =	vadd.s32 v12, v33;
	v39 =	vld [tilespmem:s1+$0xD0]  }
0x1d7: {  	v60 =	vshll.u32 v41, v1;
	v44 =	vld [tilespmem:s1+$0xE0]  }
0x1d8: {  	v34 =	vbroadcast v60, $0x0;
	v45 =	vld [tilespmem:s1+$0xF0];
	[tilespmem:v56+s20+$0x0] =	vst.idx.msk $0xffff, v35  }
0x1d9: {  	[tilespmem:v57+s20+$0x0] =	vst.idx.msk $0xffff, v38  }
0x1da: {  	v61 =	vadd.s32 v13, v34;
	[tilespmem:v58+s20+$0x0] =	vst.idx.msk $0xffff, v42  }
0x1db: {  	s11 =	sadd.s32 $0xFFFFFFFD, s0;
	v62 =	vadd.s32 v14, v34;
	[tilespmem:v33+s20+$0x0] =	vst.idx.msk $0xffff, v43  }
0x1dc: {  	v46 =	vmov s11;
	v63 =	vadd.s32 v15, v34;
	v35 =	vld [tilespmem:s1+$0x100]  }
0x1dd: {  	v41 =	vshrl.u32 v46, $0x3;
	v34 =	vadd.s32 v16, v34;
	v38 =	vld [tilespmem:s1+$0x110]  }
0x1de: {  	v47 =	vshll.u32 v41, v1;
	v42 =	vld [tilespmem:s1+$0x120]  }
0x1df: {  	v33 =	vbroadcast v47, $0x0;
	v43 =	vld [tilespmem:s1+$0x130];
	[tilespmem:v61+s20+$0x0] =	vst.idx.msk $0xffff, v36  }
0x1e0: {  	[tilespmem:v62+s20+$0x0] =	vst.idx.msk $0xffff, v39  }
0x1e1: {  	v48 =	vadd.s32 v17, v33;
	[tilespmem:v63+s20+$0x0] =	vst.idx.msk $0xffff, v44  }
0x1e2: {  	s15 =	sadd.s32 $0xFFFFFFFE, s0;
	v49 =	vadd.s32 v18, v33;
	[tilespmem:v34+s20+$0x0] =	vst.idx.msk $0xffff, v45  }
0x1e3: {  	v51 =	vmov s15;
	v50 =	vadd.s32 v19, v33;
	v36 =	vld [tilespmem:s1+$0x140]  }
0x1e4: {  	v41 =	vshrl.u32 v51, $0x3;
	v33 =	vadd.s32 v20, v33;
	v39 =	vld [tilespmem:s1+$0x150]  }
0x1e5: {  	v52 =	vshll.u32 v41, v1;
	v44 =	vld [tilespmem:s1+$0x160]  }
0x1e6: {  	v34 =	vbroadcast v52, $0x0;
	v45 =	vld [tilespmem:s1+$0x170];
	[tilespmem:v48+s20+$0x0] =	vst.idx.msk $0xffff, v35  }
0x1e7: {  	[tilespmem:v49+s20+$0x0] =	vst.idx.msk $0xffff, v38  }
0x1e8: {  	v53 =	vadd.s32 v21, v34;
	[tilespmem:v50+s20+$0x0] =	vst.idx.msk $0xffff, v42  }
0x1e9: {  	s16 =	sadd.s32 $0xFFFFFFFF, s0;
	v54 =	vadd.s32 v22, v34;
	[tilespmem:v33+s20+$0x0] =	vst.idx.msk $0xffff, v43  }
0x1ea: {  	v56 =	vmov s16;
	v55 =	vadd.s32 v23, v34;
	v35 =	vld [tilespmem:s1+$0x180]  }
0x1eb: {  	v41 =	vshrl.u32 v56, $0x3;
	v34 =	vadd.s32 v24, v34;
	v38 =	vld [tilespmem:s1+$0x190]  }
0x1ec: {  	v57 =	vshll.u32 v41, v1;
	v42 =	vld [tilespmem:s1+$0x1A0]  }
0x1ed: {  	v33 =	vbroadcast v57, $0x0;
	v43 =	vld [tilespmem:s1+$0x1B0];
	[tilespmem:v53+s20+$0x0] =	vst.idx.msk $0xffff, v36  }
0x1ee: {  	v58 =	vmov s0;
	[tilespmem:v54+s20+$0x0] =	vst.idx.msk $0xffff, v39  }
0x1ef: {  	v59 =	vadd.s32 v25, v33;
	v36 =	vshrl.u32 v58, $0x3;
	[tilespmem:v55+s20+$0x0] =	vst.idx.msk $0xffff, v44  }
0x1f0: {  	v60 =	vadd.s32 v26, v33;
	v36 =	vshll.u32 v36, v1;
	[tilespmem:v34+s20+$0x0] =	vst.idx.msk $0xffff, v45  }
0x1f1: {  	v61 =	vadd.s32 v27, v33;
	v36 =	vbroadcast v36, $0x0;
	v37 =	vld [tilespmem:s1+$0x1C0]  }
0x1f2: {  	v33 =	vadd.s32 v28, v33;
	v40 =	vld [tilespmem:s1+$0x1D0]  }
0x1f3: {  	v44 =	vld [tilespmem:s1+$0x1E0];
	v46 =	vadd.s32 v29, v36  }
0x1f4: {  	v45 =	vld [tilespmem:s1+$0x1F0];
	[tilespmem:v59+s20+$0x0] =	vst.idx.msk $0xffff, v35;
	v62 =	vadd.s32 v30, v36  }
0x1f5: {  	v63 =	vadd.s32 v31, v36;
	[tilespmem:v60+s20+$0x0] =	vst.idx.msk $0xffff, v38  }
0x1f6: {  	p1 =	sne.s32 s0, $0x7F;
	v36 =	vadd.s32 v32, v36;
	[tilespmem:v61+s20+$0x0] =	vst.idx.msk $0xffff, v42  }
.Ltmp7:
0x1f7: {  	[tilespmem:v33+s20+$0x0] =	vst.idx.msk $0xffff, v43;
	(pc) =	sbr.rel @p1 .LBB2_15-.Ltmp7, $4  }
0x1f8: {  	[tilespmem:v46+s20+$0x0] =	vst.idx.msk $0xffff, v37  }
0x1f9: {  	[tilespmem:v62+s20+$0x0] =	vst.idx.msk $0xffff, v40  }
0x1fa: {  	[tilespmem:v63+s20+$0x0] =	vst.idx.msk $0xffff, v44  }
0x1fb: {  	s0 =	sadd.s32 $0x10, s0;
	s1 =	sadd.s32 $0x400, s1;
	[tilespmem:v36+s20+$0x0] =	vst.idx.msk $0xffff, v45  }
0x1fc: {  	s1 =	sadd.s32 s31, s7;
	s0 =	simm.s32 $0xE400  }
0x1fd: {  	[hbm4b:s1+s2] =	stream.linear.scatter [tilespmem:s0], [sflag:$0x5], $0x80, $0x38;
	[tilespmem:$0x12800] =	vst v63  }
0x1fe: {  	s11 =	simm.s32 $0xE488;
	s10 =	sadd.s32 $0x10, s1  }
0x1ff: {  	[hbm4b:s10+s2] =	stream.linear.scatter [tilespmem:s11], [sflag:$0x5], $0x80, $0x38;
	[tilespmem:$0x12800] =	vst v63  }
0x200: {  	s15 =	simm.s32 $0xE510;
	s16 =	sadd.s32 $0x20, s1  }
0x201: {  	[hbm4b:s16+s2] =	stream.linear.scatter [tilespmem:s15], [sflag:$0x5], $0x80, $0x38;
	[tilespmem:$0x12800] =	vst v63  }
0x202: {  	s10 =	simm.s32 $0xE598;
	s11 =	sadd.s32 $0x30, s1  }
0x203: {  	[hbm4b:s11+s2] =	stream.linear.scatter [tilespmem:s10], [sflag:$0x5], $0x80, $0x38;
	[tilespmem:$0x12800] =	vst v63  }
0x204: {  	s15 =	simm.s32 $0xE620;
	s16 =	sadd.s32 $0x40, s1  }
0x205: {  	[hbm4b:s16+s2] =	stream.linear.scatter [tilespmem:s15], [sflag:$0x5], $0x80, $0x38;
	[tilespmem:$0x12800] =	vst v63  }
0x206: {  	s0 =	simm.s32 $0x440;
	s10 =	simm.s32 $0xE6A8;
	s11 =	sadd.s32 $0x50, s1  }
0x207: {  	[hbm4b:s11+s2] =	stream.linear.scatter [tilespmem:s10], [sflag:$0x5], $0x80, $0x38;
	[tilespmem:$0x12800] =	vst v63  }
0x208: {  	s15 =	simm.s32 $0xE730;
	s16 =	sadd.s32 $0x60, s1;
	s10 =	simm.s32 $0x2200  }
0x209: {  	[hbm4b:s16+s2] =	stream.linear.scatter [tilespmem:s15], [sflag:$0x5], $0x80, $0x38;
	[tilespmem:$0x12800] =	vst v63  }
0x20a: {  	s11 =	simm.s32 $0xE7B8;
	s15 =	sadd.s32 $0x70, s1;
	s1 =	sadd.s32 $0x4000, s1  }
.LBB2_17:
0x20b: {  	[hbm4b:s15+s2] =	stream.linear.scatter [tilespmem:s11], [sflag:$0x5], $0x80, $0x38;
	[tilespmem:$0x12800] =	vst v63  }
0x20c: {  	s11 =	smov.u32 s0;
	s0 =	smov.u32 s10  }
0x20d: {  	s16 =	sadd.s32 $0x1100, s10;
	s0 =	sshra.s32 s0, $0x2;
	s15 =	sadd.s32 $0xE400, s11  }
0x20e: {  	[hbm4b:s1+s2] =	stream.linear.scatter [tilespmem:s15], [sflag:$0x5], $0x80, $0x38;
	[tilespmem:$0x12800] =	vst v63  }
0x20f: {  	p1 =	sne.s32 s10, $0x7700;
	s10 =	sadd.s32 $0xE488, s11;
	s15 =	sadd.s32 $0x10, s1  }
0x210: {  	[hbm4b:s15+s2] =	stream.linear.scatter [tilespmem:s10], [sflag:$0x5], $0x80, $0x38;
	[tilespmem:$0x12800] =	vst v63  }
0x211: {  	s10 =	sadd.s32 $0xE510, s11;
	s15 =	sadd.s32 $0x20, s1  }
0x212: {  	[hbm4b:s15+s2] =	stream.linear.scatter [tilespmem:s10], [sflag:$0x5], $0x80, $0x38;
	[tilespmem:$0x12800] =	vst v63  }
0x213: {  	s10 =	sadd.s32 $0xE598, s11;
	s15 =	sadd.s32 $0x30, s1  }
0x214: {  	[hbm4b:s15+s2] =	stream.linear.scatter [tilespmem:s10], [sflag:$0x5], $0x80, $0x38;
	[tilespmem:$0x12800] =	vst v63  }
0x215: {  	s10 =	sadd.s32 $0xE620, s11;
	s15 =	sadd.s32 $0x40, s1  }
0x216: {  	[hbm4b:s15+s2] =	stream.linear.scatter [tilespmem:s10], [sflag:$0x5], $0x80, $0x38;
	[tilespmem:$0x12800] =	vst v63  }
.Ltmp8:
0x217: {  	s10 =	sadd.s32 $0xE6A8, s11;
	s15 =	sadd.s32 $0x50, s1;
	(pc) =	sbr.rel @p1 .LBB2_17-.Ltmp8, $4  }
0x218: {  	[hbm4b:s15+s2] =	stream.linear.scatter [tilespmem:s10], [sflag:$0x5], $0x80, $0x38;
	[tilespmem:$0x12800] =	vst v63  }
0x219: {  	s10 =	sadd.s32 $0xE730, s11;
	s15 =	sadd.s32 $0x60, s1;
	s11 =	sadd.s32 $0xE7B8, s11  }
0x21a: {  	[hbm4b:s15+s2] =	stream.linear.scatter [tilespmem:s10], [sflag:$0x5], $0x80, $0x38;
	[tilespmem:$0x12800] =	vst v63  }
0x21b: {  	s15 =	sadd.s32 $0x70, s1;
	s1 =	sadd.s32 $0x4000, s1;
	s10 =	smov.u32 s16  }
0x21c: {  	[hbm4b:s15+s2] =	stream.linear.scatter [tilespmem:s11], [sflag:$0x5], $0x80, $0x38;
	[tilespmem:$0x12800] =	vst v63  }
0x21d: {  	s10 =	sadd.s32 $0xE400, s0  }
0x21e: {  	[hbm4b:s1+s2] =	stream.linear.scatter [tilespmem:s10], [sflag:$0x5], $0x80, $0x38;
	[tilespmem:$0x12800] =	vst v63  }
0x21f: {  	s15 =	sadd.s32 $0xE488, s0;
	s16 =	sadd.s32 $0x10, s1  }
0x220: {  	[hbm4b:s16+s2] =	stream.linear.scatter [tilespmem:s15], [sflag:$0x5], $0x80, $0x38;
	[tilespmem:$0x12800] =	vst v63  }
0x221: {  	s15 =	sadd.s32 $0xE510, s0;
	s16 =	sadd.s32 $0x20, s1  }
0x222: {  	[hbm4b:s16+s2] =	stream.linear.scatter [tilespmem:s15], [sflag:$0x5], $0x80, $0x38;
	[tilespmem:$0x12800] =	vst v63  }
0x223: {  	s15 =	sadd.s32 $0xE598, s0;
	s16 =	sadd.s32 $0x30, s1  }
0x224: {  	[hbm4b:s16+s2] =	stream.linear.scatter [tilespmem:s15], [sflag:$0x5], $0x80, $0x38;
	[tilespmem:$0x12800] =	vst v63  }
0x225: {  	s15 =	sadd.s32 $0xE620, s0;
	s16 =	sadd.s32 $0x40, s1  }
0x226: {  	[hbm4b:s16+s2] =	stream.linear.scatter [tilespmem:s15], [sflag:$0x5], $0x80, $0x38;
	[tilespmem:$0x12800] =	vst v63  }
0x227: {  	s15 =	sadd.s32 $0xE6A8, s0;
	s16 =	sadd.s32 $0x50, s1  }
0x228: {  	[hbm4b:s16+s2] =	stream.linear.scatter [tilespmem:s15], [sflag:$0x5], $0x80, $0x38;
	[tilespmem:$0x12800] =	vst v63  }
0x229: {  	s15 =	sadd.s32 $0xE730, s0;
	s16 =	sadd.s32 $0x60, s1  }
0x22a: {  	[hbm4b:s16+s2] =	stream.linear.scatter [tilespmem:s15], [sflag:$0x5], $0x80, $0x38;
	[tilespmem:$0x12800] =	vst v63  }
0x22b: {  	s15 =	sadd.s32 $0xE7B8, s0;
	s16 =	sadd.s32 $0x70, s1  }
0x22c: {  	[hbm4b:s16+s2] =	stream.linear.scatter [tilespmem:s15], [sflag:$0x5], $0x80, $0x38;
	[tilespmem:$0x12800] =	vst v63  }
0x22d: {  	s10 =	simm.s32 @!p0 $0xA400;
	s0 =	sadd.s32 @!p0 $0x300, s30;
	s1 =	simm.s32 @!p0 $0x80  }
0x22e: {  	[tilespmem:s10], [sflag:$0x3] =	stream.indirect.gather @!p0 [hbm4b:s3+s1], $0x40, s0, s1, $0xb8;
	[tilespmem:$0x12800] =	vst v63  }
0x22f: {  	_ =	swait.ge [sflag:s26], $0x2000  }
0x230: {  	[sflag:s26] =	ssyncset.done $0x0  }
0x231: {  	[sflag:s26] =	ssyncadd.s32 $0xFFFFE000  }
0x232: {  	_ =	swait.ge [sflag:s22], $0x2000  }
0x233: {  	[sflag:s22] =	ssyncset.done $0x0  }
0x234: {  	s0 =	simm.s32 $0xF;
	s1 =	simm.s32 $0xC600;
	[sflag:s22] =	ssyncadd.s32 $0xFFFFE000  }
.LBB2_19:
0x235: {  	s10 =	sadd.s32 $0xFFFFFFF1, s0  }
0x236: {  	v33 =	vmov s10  }
0x237: {  	v33 =	vshrl.u32 v33, $0x3  }
0x238: {  	v33 =	vshll.u32 v33, v1  }
0x239: {  	v34 =	vld [tilespmem:s1+$0xFFFFFE00];
	v33 =	vbroadcast v33, $0x0  }
0x23a: {  	v35 =	vld [tilespmem:s1+$0xFFFFFE10]  }
0x23b: {  	v36 =	vld [tilespmem:s1+$0xFFFFFE20];
	v38 =	vadd.s32 v0, v33  }
0x23c: {  	v37 =	vld [tilespmem:s1+$0xFFFFFE30];
	s16 =	sadd.s32 $0xFFFFFFF2, s0;
	v40 =	vadd.s32 v2, v33  }
0x23d: {  	v39 =	vld [tilespmem:s1+$0xFFFFFE40];
	v43 =	vmov s16;
	v42 =	vadd.s32 v3, v33  }
0x23e: {  	v41 =	vld [tilespmem:s1+$0xFFFFFE50];
	v43 =	vshrl.u32 v43, $0x3;
	v33 =	vadd.s32 v4, v33  }
0x23f: {  	v44 =	vld [tilespmem:s1+$0xFFFFFE60];
	v61 =	vshll.u32 v43, v1  }
0x240: {  	v45 =	vld [tilespmem:s1+$0xFFFFFE70];
	[tilespmem:v38+s23+$0x0] =	vst.idx.msk $0xffff, v34;
	v34 =	vbroadcast v61, $0x0  }
0x241: {  	[tilespmem:v40+s23+$0x0] =	vst.idx.msk $0xffff, v35  }
0x242: {  	[tilespmem:v42+s23+$0x0] =	vst.idx.msk $0xffff, v36;
	v62 =	vadd.s32 v5, v34  }
0x243: {  	s30 =	sadd.s32 $0xFFFFFFF3, s0;
	v63 =	vadd.s32 v6, v34;
	[tilespmem:v33+s23+$0x0] =	vst.idx.msk $0xffff, v37  }
0x244: {  	v47 =	vmov s30;
	v46 =	vadd.s32 v7, v34;
	v35 =	vld [tilespmem:s1+$0xFFFFFE80]  }
0x245: {  	v40 =	vshrl.u32 v47, $0x3;
	v34 =	vadd.s32 v8, v34;
	v37 =	vld [tilespmem:s1+$0xFFFFFE90]  }
0x246: {  	v49 =	vshll.u32 v40, v1;
	v42 =	vld [tilespmem:s1+$0xFFFFFEA0]  }
0x247: {  	v33 =	vbroadcast v49, $0x0;
	v48 =	vld [tilespmem:s1+$0xFFFFFEB0];
	[tilespmem:v62+s23+$0x0] =	vst.idx.msk $0xffff, v39  }
0x248: {  	[tilespmem:v63+s23+$0x0] =	vst.idx.msk $0xffff, v41  }
0x249: {  	v50 =	vadd.s32 v9, v33;
	[tilespmem:v46+s23+$0x0] =	vst.idx.msk $0xffff, v44  }
0x24a: {  	s11 =	sadd.s32 $0xFFFFFFF4, s0;
	v51 =	vadd.s32 v10, v33;
	[tilespmem:v34+s23+$0x0] =	vst.idx.msk $0xffff, v45  }
0x24b: {  	v53 =	vmov s11;
	v52 =	vadd.s32 v11, v33;
	v36 =	vld [tilespmem:s1+$0xFFFFFEC0]  }
0x24c: {  	v33 =	vadd.s32 v12, v33;
	v41 =	vshrl.u32 v53, $0x3;
	v39 =	vld [tilespmem:s1+$0xFFFFFED0]  }
0x24d: {  	v54 =	vshll.u32 v41, v1;
	v44 =	vld [tilespmem:s1+$0xFFFFFEE0]  }
0x24e: {  	v34 =	vbroadcast v54, $0x0;
	v45 =	vld [tilespmem:s1+$0xFFFFFEF0];
	[tilespmem:v50+s23+$0x0] =	vst.idx.msk $0xffff, v35  }
0x24f: {  	[tilespmem:v51+s23+$0x0] =	vst.idx.msk $0xffff, v37  }
0x250: {  	v55 =	vadd.s32 v13, v34;
	[tilespmem:v52+s23+$0x0] =	vst.idx.msk $0xffff, v42  }
0x251: {  	s15 =	sadd.s32 $0xFFFFFFF5, s0;
	v56 =	vadd.s32 v14, v34;
	[tilespmem:v33+s23+$0x0] =	vst.idx.msk $0xffff, v48  }
0x252: {  	v58 =	vmov s15;
	v57 =	vadd.s32 v15, v34;
	v35 =	vld [tilespmem:s1+$0xFFFFFF00]  }
0x253: {  	v41 =	vshrl.u32 v58, $0x3;
	v34 =	vadd.s32 v16, v34;
	v38 =	vld [tilespmem:s1+$0xFFFFFF10]  }
0x254: {  	v59 =	vshll.u32 v41, v1;
	v42 =	vld [tilespmem:s1+$0xFFFFFF20]  }
0x255: {  	v33 =	vbroadcast v59, $0x0;
	v43 =	vld [tilespmem:s1+$0xFFFFFF30];
	[tilespmem:v55+s23+$0x0] =	vst.idx.msk $0xffff, v36  }
0x256: {  	[tilespmem:v56+s23+$0x0] =	vst.idx.msk $0xffff, v39  }
0x257: {  	v60 =	vadd.s32 v17, v33;
	[tilespmem:v57+s23+$0x0] =	vst.idx.msk $0xffff, v44  }
0x258: {  	s16 =	sadd.s32 $0xFFFFFFF6, s0;
	v61 =	vadd.s32 v18, v33;
	[tilespmem:v34+s23+$0x0] =	vst.idx.msk $0xffff, v45  }
0x259: {  	v63 =	vmov s16;
	v62 =	vadd.s32 v19, v33;
	v36 =	vld [tilespmem:s1+$0xFFFFFF40]  }
0x25a: {  	v41 =	vshrl.u32 v63, $0x3;
	v33 =	vadd.s32 v20, v33;
	v39 =	vld [tilespmem:s1+$0xFFFFFF50]  }
0x25b: {  	v46 =	vshll.u32 v41, v1;
	v44 =	vld [tilespmem:s1+$0xFFFFFF60]  }
0x25c: {  	v34 =	vbroadcast v46, $0x0;
	v45 =	vld [tilespmem:s1+$0xFFFFFF70];
	[tilespmem:v60+s23+$0x0] =	vst.idx.msk $0xffff, v35  }
0x25d: {  	[tilespmem:v61+s23+$0x0] =	vst.idx.msk $0xffff, v38  }
0x25e: {  	v47 =	vadd.s32 v21, v34;
	[tilespmem:v62+s23+$0x0] =	vst.idx.msk $0xffff, v42  }
0x25f: {  	s30 =	sadd.s32 $0xFFFFFFF7, s0;
	v48 =	vadd.s32 v22, v34;
	[tilespmem:v33+s23+$0x0] =	vst.idx.msk $0xffff, v43  }
0x260: {  	v50 =	vmov s30;
	v49 =	vadd.s32 v23, v34;
	v35 =	vld [tilespmem:s1+$0xFFFFFF80]  }
0x261: {  	v41 =	vshrl.u32 v50, $0x3;
	v34 =	vadd.s32 v24, v34;
	v38 =	vld [tilespmem:s1+$0xFFFFFF90]  }
0x262: {  	v51 =	vshll.u32 v41, v1;
	v42 =	vld [tilespmem:s1+$0xFFFFFFA0]  }
0x263: {  	v33 =	vbroadcast v51, $0x0;
	v43 =	vld [tilespmem:s1+$0xFFFFFFB0];
	[tilespmem:v47+s23+$0x0] =	vst.idx.msk $0xffff, v36  }
0x264: {  	[tilespmem:v48+s23+$0x0] =	vst.idx.msk $0xffff, v39  }
0x265: {  	v52 =	vadd.s32 v25, v33;
	[tilespmem:v49+s23+$0x0] =	vst.idx.msk $0xffff, v44  }
0x266: {  	s11 =	sadd.s32 $0xFFFFFFF8, s0;
	v53 =	vadd.s32 v26, v33;
	[tilespmem:v34+s23+$0x0] =	vst.idx.msk $0xffff, v45  }
0x267: {  	v55 =	vmov s11;
	v54 =	vadd.s32 v27, v33;
	v36 =	vld [tilespmem:s1+$0xFFFFFFC0]  }
0x268: {  	v41 =	vshrl.u32 v55, $0x3;
	v33 =	vadd.s32 v28, v33;
	v39 =	vld [tilespmem:s1+$0xFFFFFFD0]  }
0x269: {  	v56 =	vshll.u32 v41, v1;
	v44 =	vld [tilespmem:s1+$0xFFFFFFE0]  }
0x26a: {  	v34 =	vbroadcast v56, $0x0;
	v45 =	vld [tilespmem:s1+$0xFFFFFFF0];
	[tilespmem:v52+s23+$0x0] =	vst.idx.msk $0xffff, v35  }
0x26b: {  	[tilespmem:v53+s23+$0x0] =	vst.idx.msk $0xffff, v38  }
0x26c: {  	v57 =	vadd.s32 v29, v34;
	[tilespmem:v54+s23+$0x0] =	vst.idx.msk $0xffff, v42  }
0x26d: {  	s15 =	sadd.s32 $0xFFFFFFF9, s0;
	v58 =	vadd.s32 v30, v34;
	[tilespmem:v33+s23+$0x0] =	vst.idx.msk $0xffff, v43  }
0x26e: {  	v60 =	vmov s15;
	v59 =	vadd.s32 v31, v34;
	v35 =	vld [tilespmem:s1+$0x0]  }
0x26f: {  	v41 =	vshrl.u32 v60, $0x3;
	v34 =	vadd.s32 v32, v34;
	v38 =	vld [tilespmem:s1+$0x10]  }
0x270: {  	v61 =	vshll.u32 v41, v1;
	v42 =	vld [tilespmem:s1+$0x20]  }
0x271: {  	v33 =	vbroadcast v61, $0x0;
	v43 =	vld [tilespmem:s1+$0x30];
	[tilespmem:v57+s23+$0x0] =	vst.idx.msk $0xffff, v36  }
0x272: {  	[tilespmem:v58+s23+$0x0] =	vst.idx.msk $0xffff, v39  }
0x273: {  	v62 =	vadd.s32 v0, v33;
	[tilespmem:v59+s23+$0x0] =	vst.idx.msk $0xffff, v44  }
0x274: {  	s16 =	sadd.s32 $0xFFFFFFFA, s0;
	v63 =	vadd.s32 v2, v33;
	[tilespmem:v34+s23+$0x0] =	vst.idx.msk $0xffff, v45  }
0x275: {  	v49 =	vmov s16;
	v48 =	vadd.s32 v3, v33;
	v36 =	vld [tilespmem:s1+$0x40]  }
0x276: {  	v41 =	vshrl.u32 v49, $0x3;
	v33 =	vadd.s32 v4, v33;
	v39 =	vld [tilespmem:s1+$0x50]  }
0x277: {  	v50 =	vshll.u32 v41, v1;
	v44 =	vld [tilespmem:s1+$0x60]  }
0x278: {  	v34 =	vbroadcast v50, $0x0;
	v45 =	vld [tilespmem:s1+$0x70];
	[tilespmem:v62+s23+$0x0] =	vst.idx.msk $0xffff, v35  }
0x279: {  	[tilespmem:v63+s23+$0x0] =	vst.idx.msk $0xffff, v38  }
0x27a: {  	v51 =	vadd.s32 v5, v34;
	[tilespmem:v48+s23+$0x0] =	vst.idx.msk $0xffff, v42  }
0x27b: {  	s30 =	sadd.s32 $0xFFFFFFFB, s0;
	v52 =	vadd.s32 v6, v34;
	[tilespmem:v33+s23+$0x0] =	vst.idx.msk $0xffff, v43  }
0x27c: {  	v54 =	vmov s30;
	v53 =	vadd.s32 v7, v34;
	v35 =	vld [tilespmem:s1+$0x80]  }
0x27d: {  	v41 =	vshrl.u32 v54, $0x3;
	v34 =	vadd.s32 v8, v34;
	v38 =	vld [tilespmem:s1+$0x90]  }
0x27e: {  	v55 =	vshll.u32 v41, v1;
	v42 =	vld [tilespmem:s1+$0xA0]  }
0x27f: {  	v33 =	vbroadcast v55, $0x0;
	v43 =	vld [tilespmem:s1+$0xB0];
	[tilespmem:v51+s23+$0x0] =	vst.idx.msk $0xffff, v36  }
0x280: {  	[tilespmem:v52+s23+$0x0] =	vst.idx.msk $0xffff, v39  }
0x281: {  	v56 =	vadd.s32 v9, v33;
	[tilespmem:v53+s23+$0x0] =	vst.idx.msk $0xffff, v44  }
0x282: {  	s11 =	sadd.s32 $0xFFFFFFFC, s0;
	v57 =	vadd.s32 v10, v33;
	[tilespmem:v34+s23+$0x0] =	vst.idx.msk $0xffff, v45  }
0x283: {  	v59 =	vmov s11;
	v58 =	vadd.s32 v11, v33;
	v36 =	vld [tilespmem:s1+$0xC0]  }
0x284: {  	v41 =	vshrl.u32 v59, $0x3;
	v33 =	vadd.s32 v12, v33;
	v39 =	vld [tilespmem:s1+$0xD0]  }
0x285: {  	v60 =	vshll.u32 v41, v1;
	v44 =	vld [tilespmem:s1+$0xE0]  }
0x286: {  	v34 =	vbroadcast v60, $0x0;
	v45 =	vld [tilespmem:s1+$0xF0];
	[tilespmem:v56+s23+$0x0] =	vst.idx.msk $0xffff, v35  }
0x287: {  	[tilespmem:v57+s23+$0x0] =	vst.idx.msk $0xffff, v38  }
0x288: {  	v61 =	vadd.s32 v13, v34;
	[tilespmem:v58+s23+$0x0] =	vst.idx.msk $0xffff, v42  }
0x289: {  	s15 =	sadd.s32 $0xFFFFFFFD, s0;
	v62 =	vadd.s32 v14, v34;
	[tilespmem:v33+s23+$0x0] =	vst.idx.msk $0xffff, v43  }
0x28a: {  	v46 =	vmov s15;
	v63 =	vadd.s32 v15, v34;
	v35 =	vld [tilespmem:s1+$0x100]  }
0x28b: {  	v41 =	vshrl.u32 v46, $0x3;
	v34 =	vadd.s32 v16, v34;
	v38 =	vld [tilespmem:s1+$0x110]  }
0x28c: {  	v47 =	vshll.u32 v41, v1;
	v42 =	vld [tilespmem:s1+$0x120]  }
0x28d: {  	v33 =	vbroadcast v47, $0x0;
	v43 =	vld [tilespmem:s1+$0x130];
	[tilespmem:v61+s23+$0x0] =	vst.idx.msk $0xffff, v36  }
0x28e: {  	[tilespmem:v62+s23+$0x0] =	vst.idx.msk $0xffff, v39  }
0x28f: {  	v48 =	vadd.s32 v17, v33;
	[tilespmem:v63+s23+$0x0] =	vst.idx.msk $0xffff, v44  }
0x290: {  	s16 =	sadd.s32 $0xFFFFFFFE, s0;
	v49 =	vadd.s32 v18, v33;
	[tilespmem:v34+s23+$0x0] =	vst.idx.msk $0xffff, v45  }
0x291: {  	v51 =	vmov s16;
	v50 =	vadd.s32 v19, v33;
	v36 =	vld [tilespmem:s1+$0x140]  }
0x292: {  	v41 =	vshrl.u32 v51, $0x3;
	v33 =	vadd.s32 v20, v33;
	v39 =	vld [tilespmem:s1+$0x150]  }
0x293: {  	v52 =	vshll.u32 v41, v1;
	v44 =	vld [tilespmem:s1+$0x160]  }
0x294: {  	v34 =	vbroadcast v52, $0x0;
	v45 =	vld [tilespmem:s1+$0x170];
	[tilespmem:v48+s23+$0x0] =	vst.idx.msk $0xffff, v35  }
0x295: {  	[tilespmem:v49+s23+$0x0] =	vst.idx.msk $0xffff, v38  }
0x296: {  	v53 =	vadd.s32 v21, v34;
	[tilespmem:v50+s23+$0x0] =	vst.idx.msk $0xffff, v42  }
0x297: {  	s30 =	sadd.s32 $0xFFFFFFFF, s0;
	v54 =	vadd.s32 v22, v34;
	[tilespmem:v33+s23+$0x0] =	vst.idx.msk $0xffff, v43  }
0x298: {  	v56 =	vmov s30;
	v55 =	vadd.s32 v23, v34;
	v35 =	vld [tilespmem:s1+$0x180]  }
0x299: {  	v41 =	vshrl.u32 v56, $0x3;
	v34 =	vadd.s32 v24, v34;
	v38 =	vld [tilespmem:s1+$0x190]  }
0x29a: {  	v57 =	vshll.u32 v41, v1;
	v42 =	vld [tilespmem:s1+$0x1A0]  }
0x29b: {  	v33 =	vbroadcast v57, $0x0;
	v43 =	vld [tilespmem:s1+$0x1B0];
	[tilespmem:v53+s23+$0x0] =	vst.idx.msk $0xffff, v36  }
0x29c: {  	v58 =	vmov s0;
	[tilespmem:v54+s23+$0x0] =	vst.idx.msk $0xffff, v39  }
0x29d: {  	v59 =	vadd.s32 v25, v33;
	v36 =	vshrl.u32 v58, $0x3;
	[tilespmem:v55+s23+$0x0] =	vst.idx.msk $0xffff, v44  }
0x29e: {  	v60 =	vadd.s32 v26, v33;
	v36 =	vshll.u32 v36, v1;
	[tilespmem:v34+s23+$0x0] =	vst.idx.msk $0xffff, v45  }
0x29f: {  	v61 =	vadd.s32 v27, v33;
	v36 =	vbroadcast v36, $0x0;
	v37 =	vld [tilespmem:s1+$0x1C0]  }
0x2a0: {  	v33 =	vadd.s32 v28, v33;
	v40 =	vld [tilespmem:s1+$0x1D0]  }
0x2a1: {  	v44 =	vld [tilespmem:s1+$0x1E0];
	v46 =	vadd.s32 v29, v36  }
0x2a2: {  	v45 =	vld [tilespmem:s1+$0x1F0];
	[tilespmem:v59+s23+$0x0] =	vst.idx.msk $0xffff, v35;
	v62 =	vadd.s32 v30, v36  }
0x2a3: {  	v63 =	vadd.s32 v31, v36;
	[tilespmem:v60+s23+$0x0] =	vst.idx.msk $0xffff, v38  }
0x2a4: {  	p0 =	sne.s32 s0, $0x7F;
	v36 =	vadd.s32 v32, v36;
	[tilespmem:v61+s23+$0x0] =	vst.idx.msk $0xffff, v42  }
.Ltmp9:
0x2a5: {  	[tilespmem:v33+s23+$0x0] =	vst.idx.msk $0xffff, v43;
	(pc) =	sbr.rel @p0 .LBB2_19-.Ltmp9, $4  }
0x2a6: {  	[tilespmem:v46+s23+$0x0] =	vst.idx.msk $0xffff, v37  }
0x2a7: {  	[tilespmem:v62+s23+$0x0] =	vst.idx.msk $0xffff, v40  }
0x2a8: {  	[tilespmem:v63+s23+$0x0] =	vst.idx.msk $0xffff, v44  }
0x2a9: {  	s0 =	sadd.s32 $0x10, s0;
	s1 =	sadd.s32 $0x400, s1;
	[tilespmem:v36+s23+$0x0] =	vst.idx.msk $0xffff, v45  }
0x2aa: {  	s1 =	sadd.s32 s31, s8;
	s0 =	simm.s32 $0x10600  }
0x2ab: {  	[hbm4b:s1+s2] =	stream.linear.scatter [tilespmem:s0], [sflag:$0x6], $0x80, $0x38;
	[tilespmem:$0x12800] =	vst v63  }
0x2ac: {  	s11 =	simm.s32 $0x10688;
	s10 =	sadd.s32 $0x10, s1  }
0x2ad: {  	[hbm4b:s10+s2] =	stream.linear.scatter [tilespmem:s11], [sflag:$0x6], $0x80, $0x38;
	[tilespmem:$0x12800] =	vst v63  }
0x2ae: {  	s15 =	simm.s32 $0x10710;
	s30 =	simm.s32 $0x10798;
	s16 =	sadd.s32 $0x20, s1  }
0x2af: {  	[hbm4b:s16+s2] =	stream.linear.scatter [tilespmem:s15], [sflag:$0x6], $0x80, $0x38;
	[tilespmem:$0x12800] =	vst v63  }
0x2b0: {  	s31 =	sadd.s32 $0x30, s1;
	s0 =	simm.s32 $0x440;
	s10 =	simm.s32 $0x10820  }
0x2b1: {  	[hbm4b:s31+s2] =	stream.linear.scatter [tilespmem:s30], [sflag:$0x6], $0x80, $0x38;
	[tilespmem:$0x12800] =	vst v63  }
0x2b2: {  	s11 =	sadd.s32 $0x40, s1;
	s15 =	simm.s32 $0x108A8;
	s16 =	sadd.s32 $0x50, s1  }
0x2b3: {  	[hbm4b:s11+s2] =	stream.linear.scatter [tilespmem:s10], [sflag:$0x6], $0x80, $0x38;
	[tilespmem:$0x12800] =	vst v63  }
0x2b4: {  	s30 =	simm.s32 $0x10930;
	s31 =	sadd.s32 $0x60, s1;
	s10 =	simm.s32 $0x2200  }
0x2b5: {  	[hbm4b:s16+s2] =	stream.linear.scatter [tilespmem:s15], [sflag:$0x6], $0x80, $0x38;
	[tilespmem:$0x12800] =	vst v63  }
0x2b6: {  	s11 =	simm.s32 $0x109B8;
	s15 =	sadd.s32 $0x70, s1;
	s1 =	sadd.s32 $0x4000, s1  }
0x2b7: {  	[hbm4b:s31+s2] =	stream.linear.scatter [tilespmem:s30], [sflag:$0x6], $0x80, $0x38;
	[tilespmem:$0x12800] =	vst v63  }
.LBB2_21:
0x2b8: {  	[hbm4b:s15+s2] =	stream.linear.scatter [tilespmem:s11], [sflag:$0x6], $0x80, $0x38;
	[tilespmem:$0x12800] =	vst v63  }
0x2b9: {  	s11 =	smov.u32 s0;
	s0 =	smov.u32 s10  }
0x2ba: {  	s16 =	sadd.s32 $0x1100, s10;
	s0 =	sshra.s32 s0, $0x2;
	s15 =	sadd.s32 $0x10600, s11  }
0x2bb: {  	[hbm4b:s1+s2] =	stream.linear.scatter [tilespmem:s15], [sflag:$0x6], $0x80, $0x38;
	[tilespmem:$0x12800] =	vst v63  }
0x2bc: {  	p0 =	sne.s32 s10, $0x7700;
	s10 =	sadd.s32 $0x10688, s11;
	s15 =	sadd.s32 $0x10, s1  }
0x2bd: {  	[hbm4b:s15+s2] =	stream.linear.scatter [tilespmem:s10], [sflag:$0x6], $0x80, $0x38;
	[tilespmem:$0x12800] =	vst v63  }
0x2be: {  	s10 =	sadd.s32 $0x10710, s11;
	s15 =	sadd.s32 $0x20, s1  }
0x2bf: {  	[hbm4b:s15+s2] =	stream.linear.scatter [tilespmem:s10], [sflag:$0x6], $0x80, $0x38;
	[tilespmem:$0x12800] =	vst v63  }
0x2c0: {  	s10 =	sadd.s32 $0x10798, s11;
	s15 =	sadd.s32 $0x30, s1  }
0x2c1: {  	[hbm4b:s15+s2] =	stream.linear.scatter [tilespmem:s10], [sflag:$0x6], $0x80, $0x38;
	[tilespmem:$0x12800] =	vst v63  }
0x2c2: {  	s10 =	sadd.s32 $0x10820, s11;
	s15 =	sadd.s32 $0x40, s1  }
0x2c3: {  	[hbm4b:s15+s2] =	stream.linear.scatter [tilespmem:s10], [sflag:$0x6], $0x80, $0x38;
	[tilespmem:$0x12800] =	vst v63  }
.Ltmp10:
0x2c4: {  	s10 =	sadd.s32 $0x108A8, s11;
	s15 =	sadd.s32 $0x50, s1;
	(pc) =	sbr.rel @p0 .LBB2_21-.Ltmp10, $4  }
0x2c5: {  	[hbm4b:s15+s2] =	stream.linear.scatter [tilespmem:s10], [sflag:$0x6], $0x80, $0x38;
	[tilespmem:$0x12800] =	vst v63  }
0x2c6: {  	s10 =	sadd.s32 $0x10930, s11;
	s15 =	sadd.s32 $0x60, s1;
	s11 =	sadd.s32 $0x109B8, s11  }
0x2c7: {  	[hbm4b:s15+s2] =	stream.linear.scatter [tilespmem:s10], [sflag:$0x6], $0x80, $0x38;
	[tilespmem:$0x12800] =	vst v63  }
0x2c8: {  	s15 =	sadd.s32 $0x70, s1;
	s1 =	sadd.s32 $0x4000, s1;
	s10 =	smov.u32 s16  }
0x2c9: {  	[hbm4b:s15+s2] =	stream.linear.scatter [tilespmem:s11], [sflag:$0x6], $0x80, $0x38;
	[tilespmem:$0x12800] =	vst v63  }
0x2ca: {  	s10 =	sadd.s32 $0x10600, s0  }
0x2cb: {  	[hbm4b:s1+s2] =	stream.linear.scatter [tilespmem:s10], [sflag:$0x6], $0x80, $0x38;
	[tilespmem:$0x12800] =	vst v63  }
0x2cc: {  	s30 =	sadd.s32 $0x10688, s0;
	s31 =	sadd.s32 $0x10, s1  }
0x2cd: {  	[hbm4b:s31+s2] =	stream.linear.scatter [tilespmem:s30], [sflag:$0x6], $0x80, $0x38;
	[tilespmem:$0x12800] =	vst v63  }
0x2ce: {  	s15 =	sadd.s32 $0x10710, s0;
	s16 =	sadd.s32 $0x20, s1  }
0x2cf: {  	[hbm4b:s16+s2] =	stream.linear.scatter [tilespmem:s15], [sflag:$0x6], $0x80, $0x38;
	[tilespmem:$0x12800] =	vst v63  }
0x2d0: {  	s30 =	sadd.s32 $0x10798, s0;
	s31 =	sadd.s32 $0x30, s1  }
0x2d1: {  	[hbm4b:s31+s2] =	stream.linear.scatter [tilespmem:s30], [sflag:$0x6], $0x80, $0x38;
	[tilespmem:$0x12800] =	vst v63  }
0x2d2: {  	s29 =	sadd.s32 $0x1, s29;
	s15 =	sadd.s32 $0x10820, s0;
	s16 =	sadd.s32 $0x40, s1  }
0x2d3: {  	[hbm4b:s16+s2] =	stream.linear.scatter [tilespmem:s15], [sflag:$0x6], $0x80, $0x38;
	[tilespmem:$0x12800] =	vst v63  }
0x2d4: {  	p0 =	sne.s32 s29, $0x32;
	s30 =	sadd.s32 $0x108A8, s0;
	s31 =	sadd.s32 $0x50, s1  }
0x2d5: {  	[hbm4b:s31+s2] =	stream.linear.scatter [tilespmem:s30], [sflag:$0x6], $0x80, $0x38;
	[tilespmem:$0x12800] =	vst v63  }
.Ltmp11:
0x2d6: {  	_ = 	snop;
	(pc) =	sbr.rel @p0 .LBB2_2-.Ltmp11, $4  }
0x2d7: {  	s15 =	sadd.s32 $0x10930, s0;
	s16 =	sadd.s32 $0x60, s1  }
0x2d8: {  	[hbm4b:s16+s2] =	stream.linear.scatter [tilespmem:s15], [sflag:$0x6], $0x80, $0x38;
	[tilespmem:$0x12800] =	vst v63  }
0x2d9: {  	s30 =	sadd.s32 $0x109B8, s0;
	s31 =	sadd.s32 $0x70, s1  }
0x2da: {  	[hbm4b:s31+s2] =	stream.linear.scatter [tilespmem:s30], [sflag:$0x6], $0x80, $0x38;
	[tilespmem:$0x12800] =	vst v63  }
0x2db: {  	s28 =	sadd.s32 $0x1, s28  }
0x2dc: {  	_ =	swait.ge [sflag:s25], $0x2000;
	p0 =	sne.s32 s28, s9  }
.Ltmp12:
0x2dd: {  	[sflag:s25] =	ssyncset.done $0x0;
	(pc) =	sbr.rel @p0 .LBB2_1-.Ltmp12, $4  }
0x2de: {  	[sflag:s25] =	ssyncadd.s32 $0xFFFFE000  }
0x2df: {  	_ =	swait.ge [sflag:s22], $0x2000  }
0x2e0: {  	[sflag:s22] =	ssyncset.done $0x0  }
0x2e1: {  	[sflag:s22] =	ssyncadd.s32 $0xFFFFE000  }
0x2e2: {  	_ =	sfence.sel $0x180000  }
0x2e3: {  	[bflag:$0x0] =	sbarrier.arrive $0xFFFF  }
0x2e4: {  	_ =	strace $0x90000047  }
0x2e5: {  	s0 =	stileid.u32;
	[bflag:$0x2] =	sbarrier.arrive $0xFFFF  }
0x2e6: {  	p0 =	sne.s32 s0, $0x0;
	s0 =	rddreg [dreg:$0x2]  }
0x2e7: {  	s0 =	sadd.s32 @!p0 $0x100000, s0  }
0x2e8: {  	[sflag:s0] =	ssyncadd.tile.s32 @!p0 $0x1;
	_ =	shalt  }
.Lfunc_end2:
_tile_overlayer_lowered:
.L_overlay_start_2:
0x2e9: {  	(tag) =	ssettag $0x2  }
0x2ea: {  	s0 =	rddreg [dreg:$0x0];
	s2 =	stileid.u32  }
0x2eb: {  	s1 =	rddreg [dreg:$0x1];
	p0 =	sne.s32 s2, $0x0  }
0x2ec: {  	s3 =	rddreg [dreg:$0x2];
	[bflag:$0x3] =	sbarrier.arrive $0xFFFF;
	s2 =	simm.s32 @!p0 $0x1C07  }
0x2ed: {  	[timem:s3], [sflag:s2] =	dma.local @!p0 [hbm:s0], s1  }
0x2ee: {  	s0 =	simm.s32 @!p0 $0x7  }
0x2ef: {  	_ =	swait.ge @!p0 [sflag:s0], s1  }
0x2f0: {  	s1 =	ssub.s32 @!p0 $0x0, s1;
	[sflag:s0] =	ssyncset.done @!p0 $0x0  }
0x2f1: {  	[sflag:s0] =	ssyncadd.s32 @!p0 s1  }
0x2f2: {  	[bflag:$0x3] =	sbarrier.arrive $0xFFFF  }
0x2f3: {  	_ =	shalt  }

</sc_bundles>
